<compile_context>
chip_gen: v7x
topology: tpu7x:2x2x1
jax: 0.10.2.dev20260603
libtpu: 0.0.44.dev20260713+nightly
codegen_flags: <defaults>
</compile_context>

<pallas_src>
import functools

import jax
import jax.numpy as jnp
from jax import lax
from jax.experimental import pallas as pl
from jax.experimental.pallas import tpu as pltpu
from jax.experimental.pallas import tpu_sc as plsc

B = 4096
L = 200
V = 1000
D = 64

NC, NS, LANES = 2, 16, 16
NW = NC * NS
DT = 8
UW = L * DT // NW
FUW = 32 * 8 * 128
QW = 8 * 8 * 128
CHN = UW * 2
NBUF = 2
VP = V + 8
ZROW = V


def _sc_body(table_hbm, tokT_hbm, ts_hbm, lut_hbm, msl_hbm, out_hbm,
             table_v, lut_v, ts_v, tok_v, fid_v, msl_v, stage_v, p0, p1, tsem):
    psems = (p0, p1)
    wid = lax.axis_index("s") * NC + lax.axis_index("c")

    pltpu.sync_copy(table_hbm, table_v)
    pltpu.sync_copy(lut_hbm, lut_v)
    pltpu.sync_copy(ts_hbm, ts_v)
    pltpu.sync_copy(msl_hbm, msl_v)

    u0w = wid * UW
    iota = lax.iota(jnp.int32, LANES)
    cvs = [(iota + k) & 15 for k in range(16)]
    scos = [(cv >> 3) * QW + (cv & 7) * 128 for cv in cvs]
    lmax = (u0w + UW - 1) >> 3

    pltpu.sync_copy(tokT_hbm.at[pl.ds((u0w >> 3) * B, B)],
                    tok_v.at[pl.ds(0, B)])

    mslv = msl_v[pl.ds(0, LANES)]

    def mkfid(l, toff):
        lok = l < mslv

        @plsc.parallel_loop(0, B // LANES, unroll=8)
        def _mk(g):
            bo = g * LANES
            tok = tok_v[pl.ds(toff + bo, LANES)]
            ids = plsc.load_gather(lut_v, [tok])
            rl = ts_v[pl.ds(bo, LANES)]
            fid_v[pl.ds(bo, LANES)] = (
                jnp.where((l < rl) & lok, ids, ZROW) * D)

    def step(och, carry):
        for half in range(NBUF):
            ch = och * NBUF + half
            u0 = u0w + (ch >> 2) * 2
            q = ch & 3
            l = u0 >> 3
            dcol = (u0 & 7) * 8
            boff = q * (8 * 128)
            svec = stage_v.at[half]
            tb = ((l ^ (u0w >> 3)) & 1) * B

            @pl.when((((u0 & 7) == 0) & (q == 0)) | (ch == 0))
            def _row():
                @pl.when(ch > 0)
                def _wtok():
                    pltpu.make_async_copy(
                        tokT_hbm.at[pl.ds(0, B)],
                        tok_v.at[pl.ds(0, B)], tsem).wait()
                mkfid(l, tb)
                @pl.when(l < lmax)
                def _pref():
                    pltpu.async_copy(
                        tokT_hbm.at[pl.ds((l + 1) * B, B)],
                        tok_v.at[pl.ds(B - tb, B)], tsem)

            @pl.when(och > 0)
            def _drain():
                pltpu.make_async_copy(
                    svec.at[pl.ds(0, QW)],
                    out_hbm.at[pl.ds(0, QW)], psems[half]).wait()
                pltpu.make_async_copy(
                    svec.at[pl.ds(0, QW)],
                    out_hbm.at[pl.ds(0, QW)], psems[half]).wait()

            tview = table_v.at[pl.ds(dcol, VP * D - 48)]

            @plsc.parallel_loop(0, 8 * 8, unroll=4)
            def inner(g):
                bo = boff + g * LANES
                fidd = fid_v[pl.ds(bo, LANES)]
                sbase = (g >> 3) * 1024 + (g & 7) * LANES + iota
                for k in range(16):
                    val = plsc.load_gather(tview, [fidd + cvs[k]])
                    plsc.store_scatter(svec, [sbase + scos[k]], val)
            pltpu.async_copy(
                svec.at[pl.ds(0, QW)],
                out_hbm.at[pl.ds(u0 * FUW + q * QW, QW)], psems[half])
            pltpu.async_copy(
                svec.at[pl.ds(QW, QW)],
                out_hbm.at[pl.ds((u0 + 1) * FUW + q * QW, QW)], psems[half])
        return carry

    lax.fori_loop(0, CHN // NBUF, step, 0)
    for half in range(NBUF):
        for _ in range(2):
            pltpu.make_async_copy(
                stage_v.at[half].at[pl.ds(0, QW)],
                out_hbm.at[pl.ds(0, QW)], psems[half]).wait()


_sc_gather = functools.partial(
    pl.kernel,
    out_type=jax.ShapeDtypeStruct((L * D * B,), jnp.float32),
    mesh=plsc.VectorSubcoreMesh(
        core_axis_name="c", subcore_axis_name="s",
        num_cores=NC, num_subcores=NS),
    scratch_types=[
        pltpu.VMEM((VP * D,), jnp.float32),
        pltpu.VMEM((V,), jnp.int32),
        pltpu.VMEM((B,), jnp.int32),
        pltpu.VMEM((2 * B,), jnp.int32),
        pltpu.VMEM((B,), jnp.int32),
        pltpu.VMEM((LANES,), jnp.int32),
        pltpu.VMEM((NBUF, 2 * QW), jnp.float32),
    ] + [pltpu.SemaphoreType.DMA] * (NBUF + 1),
    compiler_params=pltpu.CompilerParams(
        needs_layout_passes=False, use_tc_tiling_on_sc=False),
)(_sc_body)


def _tc_body(rl_ref, msl_ref, ts_ref, mask_ref):
    ts = jnp.minimum(jnp.minimum(rl_ref[...], msl_ref[...]), L).astype(jnp.int32)
    ts_ref[...] = ts
    col = lax.broadcasted_iota(jnp.int32, (B, L), 1)
    mask_ref[...] = col < ts


_tc_mask = pl.pallas_call(
    _tc_body,
    out_shape=(
        jax.ShapeDtypeStruct((B, 1), jnp.int32),
        jax.ShapeDtypeStruct((B, L), jnp.bool_),
    ),
)


def kernel(tokens, row_lengths, max_sequence_length, lookup_table, embeddings):
    msl = jnp.asarray(max_sequence_length, jnp.int32).reshape(1, 1)
    ts2d, mask = _tc_mask(row_lengths.reshape(B, 1).astype(jnp.int32), msl)
    time_steps = ts2d.reshape(B)
    table_ext = jnp.concatenate(
        [embeddings, jnp.zeros((VP - V, D), jnp.float32)], axis=0)
    tok_t = tokens.T.reshape(L * B)
    msl16 = jnp.broadcast_to(
        jnp.minimum(jnp.asarray(max_sequence_length, jnp.int32), L), (LANES,))
    out_ph = _sc_gather(table_ext.reshape(VP * D), tok_t,
                        row_lengths.astype(jnp.int32), lookup_table, msl16)
    out = out_ph.reshape(L, DT, NW, 8, 128).transpose(2, 4, 0, 1, 3)
    return out.reshape(B, L, D), mask, time_steps

# --- scband reference (transcript-rebuilt; emitter-appended) ---
"""Pipeline reference for scband-input-feeder-58265526338130 (READ-ONLY COPY).

The authoritative reference and input builder live on the scoring server;
editing this copy changes nothing except your own understanding.
"""

import jax, jax.numpy as jnp
import numpy as np

NUM_LABELS = 1000
EMB_DIMS = 64
BATCH = 4096
MAX_LEN = 200


def setup_inputs(seed: int = 0) -> dict:
    key = jax.random.key(seed)
    k1, k2, k3 = jax.random.split(key, 3)
    # Ragged token tensor represented densely: tokens[b, t] is valid iff t < row_lengths[b].
    tokens = jax.random.randint(k1, (BATCH, MAX_LEN), 0, NUM_LABELS, dtype=jnp.int32)
    row_lengths = jax.random.randint(k2, (BATCH,), 1, MAX_LEN + 1, dtype=jnp.int32)
    # StaticHashTable token->id mapping (token_hash is the identity dict over 0..999).
    lookup_table = jnp.arange(NUM_LABELS, dtype=jnp.int32)
    # Learned embedding table, matches tf.random.uniform([num_labels, emb_dims], -1, 1).
    embeddings = jax.random.uniform(k3, (NUM_LABELS, EMB_DIMS), minval=-1.0, maxval=1.0, dtype=jnp.float32)
    return {
        "tokens": tokens,
        "row_lengths": row_lengths,
        "max_sequence_length": MAX_LEN,
        "lookup_table": lookup_table,
        "embeddings": embeddings,
    }


def reference(tokens, row_lengths, max_sequence_length, lookup_table, embeddings):
    # ragged_tensor_process_mask: hash-table lookup -> embedding gather -> pad to
    # max_sequence_length, returning (padded embeddings, boolean mask, per-row lengths).
    L = tokens.shape[1]
    tok = tokens[:, :L]
    ids = jnp.take(lookup_table, tok, axis=0)            # hash table lookup
    emb = jnp.take(embeddings, ids, axis=0)              # embedding gather [B, L, d]
    time_steps = jnp.minimum(row_lengths, jnp.minimum(max_sequence_length, L)).astype(jnp.int32)
    mask = jnp.arange(L, dtype=jnp.int32)[None, :] < time_steps[:, None]  # [B, L] bool
    output = emb * mask[:, :, None].astype(emb.dtype)    # zero out padded positions
    return output, mask, time_steps

if __name__ == "__main__":
    import jax
    _d = setup_inputs()
    print(jax.jit(kernel)(*tuple(_d.values())))

</pallas_src>

<mosaic_0001>
#map = affine_map<(d0, d1) -> (0)>
module attributes {stable_mosaic.version = 14 : i64} {
  func.func @_sc_body(%arg0: i32, %arg1: i32, %arg2: memref<64512xf32, #tpu.memory_space<hbm>>, %arg3: memref<819200xi32, #tpu.memory_space<hbm>>, %arg4: memref<4096xi32, #tpu.memory_space<hbm>>, %arg5: memref<1000xi32, #tpu.memory_space<hbm>>, %arg6: memref<16xi32, #tpu.memory_space<hbm>>, %arg7: memref<52428800xf32, #tpu.memory_space<hbm>>, %arg8: memref<64512xf32, #tpu.memory_space<vmem>>, %arg9: memref<1000xi32, #tpu.memory_space<vmem>>, %arg10: memref<4096xi32, #tpu.memory_space<vmem>>, %arg11: memref<8192xi32, #tpu.memory_space<vmem>>, %arg12: memref<4096xi32, #tpu.memory_space<vmem>>, %arg13: memref<16xi32, #tpu.memory_space<vmem>>, %arg14: memref<2x16384xf32, #tpu.memory_space<vmem>>, %arg15: memref<!tpu.dma_semaphore, #tpu.memory_space<semaphore_mem>>, %arg16: memref<!tpu.dma_semaphore, #tpu.memory_space<semaphore_mem>>, %arg17: memref<!tpu.dma_semaphore, #tpu.memory_space<semaphore_mem>>) attributes {dimension_semantics = [#tpu.dimension_semantics<core_parallel>, #tpu.dimension_semantics<subcore_parallel>], iteration_bounds = array<i64: 2, 16>, scalar_prefetch = 0 : i64, scratch_operands = 10 : i64, tpu.core_type = #tpu.core_type<sc_vector_subcore>, window_params = [{transform_indices = #map}, {transform_indices = #map}, {transform_indices = #map}, {transform_indices = #map}, {transform_indices = #map}, {transform_indices = #map}]} {
    %mul3A = arith.constant 2 : i32
    %mul3A_0 = arith.muli %arg1, %mul3A : i32
    %add3A = arith.addi %mul3A_0, %arg0 : i32
    "tpu.region"() ({
      %run_scoped3A = tpu.sem_alloc : memref<!tpu.dma_semaphore, #tpu.memory_space<semaphore_mem>>
      tpu.enqueue_dma source(%arg2 : memref<64512xf32, #tpu.memory_space<hbm>>) target(%arg8 : memref<64512xf32, #tpu.memory_space<vmem>>) target_semaphore(%run_scoped3A : memref<!tpu.dma_semaphore, #tpu.memory_space<semaphore_mem>>)
      tpu.wait_dma2 semaphore(%run_scoped3A : memref<!tpu.dma_semaphore, #tpu.memory_space<semaphore_mem>>) src(%arg2 : memref<64512xf32, #tpu.memory_space<hbm>>) dst(%arg8 : memref<64512xf32, #tpu.memory_space<vmem>>)
      tpu.yield
    }) : () -> ()
    "tpu.region"() ({
      %run_scoped3A = tpu.sem_alloc : memref<!tpu.dma_semaphore, #tpu.memory_space<semaphore_mem>>
      tpu.enqueue_dma source(%arg5 : memref<1000xi32, #tpu.memory_space<hbm>>) target(%arg9 : memref<1000xi32, #tpu.memory_space<vmem>>) target_semaphore(%run_scoped3A : memref<!tpu.dma_semaphore, #tpu.memory_space<semaphore_mem>>)
      tpu.wait_dma2 semaphore(%run_scoped3A : memref<!tpu.dma_semaphore, #tpu.memory_space<semaphore_mem>>) src(%arg5 : memref<1000xi32, #tpu.memory_space<hbm>>) dst(%arg9 : memref<1000xi32, #tpu.memory_space<vmem>>)
      tpu.yield
    }) : () -> ()
    "tpu.region"() ({
      %run_scoped3A = tpu.sem_alloc : memref<!tpu.dma_semaphore, #tpu.memory_space<semaphore_mem>>
      tpu.enqueue_dma source(%arg4 : memref<4096xi32, #tpu.memory_space<hbm>>) target(%arg10 : memref<4096xi32, #tpu.memory_space<vmem>>) target_semaphore(%run_scoped3A : memref<!tpu.dma_semaphore, #tpu.memory_space<semaphore_mem>>)
      tpu.wait_dma2 semaphore(%run_scoped3A : memref<!tpu.dma_semaphore, #tpu.memory_space<semaphore_mem>>) src(%arg4 : memref<4096xi32, #tpu.memory_space<hbm>>) dst(%arg10 : memref<4096xi32, #tpu.memory_space<vmem>>)
      tpu.yield
    }) : () -> ()
    "tpu.region"() ({
      %run_scoped3A = tpu.sem_alloc : memref<!tpu.dma_semaphore, #tpu.memory_space<semaphore_mem>>
      tpu.enqueue_dma source(%arg6 : memref<16xi32, #tpu.memory_space<hbm>>) target(%arg13 : memref<16xi32, #tpu.memory_space<vmem>>) target_semaphore(%run_scoped3A : memref<!tpu.dma_semaphore, #tpu.memory_space<semaphore_mem>>)
      tpu.wait_dma2 semaphore(%run_scoped3A : memref<!tpu.dma_semaphore, #tpu.memory_space<semaphore_mem>>) src(%arg6 : memref<16xi32, #tpu.memory_space<hbm>>) dst(%arg13 : memref<16xi32, #tpu.memory_space<vmem>>)
      tpu.yield
    }) : () -> ()
    %mul3A_1 = arith.constant 50 : i32
    %mul3A_2 = arith.muli %add3A, %mul3A_1 : i32
    %iota3A = tpu.iota {dimensions = array<i32: 0>} : vector<16xi32>
    %add3A_3 = arith.constant 0 : i32
    %add3A_4 = vector.broadcast %add3A_3 : i32 to vector<16xi32>
    %add3A_5 = arith.addi %iota3A, %add3A_4 : vector<16xi32>
    %and3A = arith.constant 15 : i32
    %and3A_6 = vector.broadcast %and3A : i32 to vector<16xi32>
    %and3A_7 = arith.andi %add3A_5, %and3A_6 : vector<16xi32>
    %add3A_8 = arith.constant 1 : i32
    %add3A_9 = vector.broadcast %add3A_8 : i32 to vector<16xi32>
    %add3A_10 = arith.addi %iota3A, %add3A_9 : vector<16xi32>
    %and3A_11 = arith.constant 15 : i32
    %and3A_12 = vector.broadcast %and3A_11 : i32 to vector<16xi32>
    %and3A_13 = arith.andi %add3A_10, %and3A_12 : vector<16xi32>
    %add3A_14 = arith.constant 2 : i32
    %add3A_15 = vector.broadcast %add3A_14 : i32 to vector<16xi32>
    %add3A_16 = arith.addi %iota3A, %add3A_15 : vector<16xi32>
    %and3A_17 = arith.constant 15 : i32
    %and3A_18 = vector.broadcast %and3A_17 : i32 to vector<16xi32>
    %and3A_19 = arith.andi %add3A_16, %and3A_18 : vector<16xi32>
    %add3A_20 = arith.constant 3 : i32
    %add3A_21 = vector.broadcast %add3A_20 : i32 to vector<16xi32>
    %add3A_22 = arith.addi %iota3A, %add3A_21 : vector<16xi32>
    %and3A_23 = arith.constant 15 : i32
    %and3A_24 = vector.broadcast %and3A_23 : i32 to vector<16xi32>
    %and3A_25 = arith.andi %add3A_22, %and3A_24 : vector<16xi32>
    %add3A_26 = arith.constant 4 : i32
    %add3A_27 = vector.broadcast %add3A_26 : i32 to vector<16xi32>
    %add3A_28 = arith.addi %iota3A, %add3A_27 : vector<16xi32>
    %and3A_29 = arith.constant 15 : i32
    %and3A_30 = vector.broadcast %and3A_29 : i32 to vector<16xi32>
    %and3A_31 = arith.andi %add3A_28, %and3A_30 : vector<16xi32>
    %add3A_32 = arith.constant 5 : i32
    %add3A_33 = vector.broadcast %add3A_32 : i32 to vector<16xi32>
    %add3A_34 = arith.addi %iota3A, %add3A_33 : vector<16xi32>
    %and3A_35 = arith.constant 15 : i32
    %and3A_36 = vector.broadcast %and3A_35 : i32 to vector<16xi32>
    %and3A_37 = arith.andi %add3A_34, %and3A_36 : vector<16xi32>
    %add3A_38 = arith.constant 6 : i32
    %add3A_39 = vector.broadcast %add3A_38 : i32 to vector<16xi32>
    %add3A_40 = arith.addi %iota3A, %add3A_39 : vector<16xi32>
    %and3A_41 = arith.constant 15 : i32
    %and3A_42 = vector.broadcast %and3A_41 : i32 to vector<16xi32>
    %and3A_43 = arith.andi %add3A_40, %and3A_42 : vector<16xi32>
    %add3A_44 = arith.constant 7 : i32
    %add3A_45 = vector.broadcast %add3A_44 : i32 to vector<16xi32>
    %add3A_46 = arith.addi %iota3A, %add3A_45 : vector<16xi32>
    %and3A_47 = arith.constant 15 : i32
    %and3A_48 = vector.broadcast %and3A_47 : i32 to vector<16xi32>
    %and3A_49 = arith.andi %add3A_46, %and3A_48 : vector<16xi32>
    %add3A_50 = arith.constant 8 : i32
    %add3A_51 = vector.broadcast %add3A_50 : i32 to vector<16xi32>
    %add3A_52 = arith.addi %iota3A, %add3A_51 : vector<16xi32>
    %and3A_53 = arith.constant 15 : i32
    %and3A_54 = vector.broadcast %and3A_53 : i32 to vector<16xi32>
    %and3A_55 = arith.andi %add3A_52, %and3A_54 : vector<16xi32>
    %add3A_56 = arith.constant 9 : i32
    %add3A_57 = vector.broadcast %add3A_56 : i32 to vector<16xi32>
    %add3A_58 = arith.addi %iota3A, %add3A_57 : vector<16xi32>
    %and3A_59 = arith.constant 15 : i32
    %and3A_60 = vector.broadcast %and3A_59 : i32 to vector<16xi32>
    %and3A_61 = arith.andi %add3A_58, %and3A_60 : vector<16xi32>
    %add3A_62 = arith.constant 10 : i32
    %add3A_63 = vector.broadcast %add3A_62 : i32 to vector<16xi32>
    %add3A_64 = arith.addi %iota3A, %add3A_63 : vector<16xi32>
    %and3A_65 = arith.constant 15 : i32
    %and3A_66 = vector.broadcast %and3A_65 : i32 to vector<16xi32>
    %and3A_67 = arith.andi %add3A_64, %and3A_66 : vector<16xi32>
    %add3A_68 = arith.constant 11 : i32
    %add3A_69 = vector.broadcast %add3A_68 : i32 to vector<16xi32>
    %add3A_70 = arith.addi %iota3A, %add3A_69 : vector<16xi32>
    %and3A_71 = arith.constant 15 : i32
    %and3A_72 = vector.broadcast %and3A_71 : i32 to vector<16xi32>
    %and3A_73 = arith.andi %add3A_70, %and3A_72 : vector<16xi32>
    %add3A_74 = arith.constant 12 : i32
    %add3A_75 = vector.broadcast %add3A_74 : i32 to vector<16xi32>
    %add3A_76 = arith.addi %iota3A, %add3A_75 : vector<16xi32>
    %and3A_77 = arith.constant 15 : i32
    %and3A_78 = vector.broadcast %and3A_77 : i32 to vector<16xi32>
    %and3A_79 = arith.andi %add3A_76, %and3A_78 : vector<16xi32>
    %add3A_80 = arith.constant 13 : i32
    %add3A_81 = vector.broadcast %add3A_80 : i32 to vector<16xi32>
    %add3A_82 = arith.addi %iota3A, %add3A_81 : vector<16xi32>
    %and3A_83 = arith.constant 15 : i32
    %and3A_84 = vector.broadcast %and3A_83 : i32 to vector<16xi32>
    %and3A_85 = arith.andi %add3A_82, %and3A_84 : vector<16xi32>
    %add3A_86 = arith.constant 14 : i32
    %add3A_87 = vector.broadcast %add3A_86 : i32 to vector<16xi32>
    %add3A_88 = arith.addi %iota3A, %add3A_87 : vector<16xi32>
    %and3A_89 = arith.constant 15 : i32
    %and3A_90 = vector.broadcast %and3A_89 : i32 to vector<16xi32>
    %and3A_91 = arith.andi %add3A_88, %and3A_90 : vector<16xi32>
    %add3A_92 = arith.constant 15 : i32
    %add3A_93 = vector.broadcast %add3A_92 : i32 to vector<16xi32>
    %add3A_94 = arith.addi %iota3A, %add3A_93 : vector<16xi32>
    %and3A_95 = arith.constant 15 : i32
    %and3A_96 = vector.broadcast %and3A_95 : i32 to vector<16xi32>
    %and3A_97 = arith.andi %add3A_94, %and3A_96 : vector<16xi32>
    %shift_right_arithmetic3A = arith.constant 3 : i32
    %shift_right_arithmetic3A_98 = vector.broadcast %shift_right_arithmetic3A : i32 to vector<16xi32>
    %shift_right_arithmetic3A_99 = arith.shrsi %and3A_7, %shift_right_arithmetic3A_98 : vector<16xi32>
    %mul3A_100 = arith.constant 8192 : i32
    %mul3A_101 = vector.broadcast %mul3A_100 : i32 to vector<16xi32>
    %mul3A_102 = arith.muli %shift_right_arithmetic3A_99, %mul3A_101 : vector<16xi32>
    %and3A_103 = arith.constant 7 : i32
    %and3A_104 = vector.broadcast %and3A_103 : i32 to vector<16xi32>
    %and3A_105 = arith.andi %and3A_7, %and3A_104 : vector<16xi32>
    %mul3A_106 = arith.constant 128 : i32
    %mul3A_107 = vector.broadcast %mul3A_106 : i32 to vector<16xi32>
    %mul3A_108 = arith.muli %and3A_105, %mul3A_107 : vector<16xi32>
    %add3A_109 = arith.addi %mul3A_102, %mul3A_108 : vector<16xi32>
    %shift_right_arithmetic3A_110 = arith.constant 3 : i32
    %shift_right_arithmetic3A_111 = vector.broadcast %shift_right_arithmetic3A_110 : i32 to vector<16xi32>
    %shift_right_arithmetic3A_112 = arith.shrsi %and3A_13, %shift_right_arithmetic3A_111 : vector<16xi32>
    %mul3A_113 = arith.constant 8192 : i32
    %mul3A_114 = vector.broadcast %mul3A_113 : i32 to vector<16xi32>
    %mul3A_115 = arith.muli %shift_right_arithmetic3A_112, %mul3A_114 : vector<16xi32>
    %and3A_116 = arith.constant 7 : i32
    %and3A_117 = vector.broadcast %and3A_116 : i32 to vector<16xi32>
    %and3A_118 = arith.andi %and3A_13, %and3A_117 : vector<16xi32>
    %mul3A_119 = arith.constant 128 : i32
    %mul3A_120 = vector.broadcast %mul3A_119 : i32 to vector<16xi32>
    %mul3A_121 = arith.muli %and3A_118, %mul3A_120 : vector<16xi32>
    %add3A_122 = arith.addi %mul3A_115, %mul3A_121 : vector<16xi32>
    %shift_right_arithmetic3A_123 = arith.constant 3 : i32
    %shift_right_arithmetic3A_124 = vector.broadcast %shift_right_arithmetic3A_123 : i32 to vector<16xi32>
    %shift_right_arithmetic3A_125 = arith.shrsi %and3A_19, %shift_right_arithmetic3A_124 : vector<16xi32>
    %mul3A_126 = arith.constant 8192 : i32
    %mul3A_127 = vector.broadcast %mul3A_126 : i32 to vector<16xi32>
    %mul3A_128 = arith.muli %shift_right_arithmetic3A_125, %mul3A_127 : vector<16xi32>
    %and3A_129 = arith.constant 7 : i32
    %and3A_130 = vector.broadcast %and3A_129 : i32 to vector<16xi32>
    %and3A_131 = arith.andi %and3A_19, %and3A_130 : vector<16xi32>
    %mul3A_132 = arith.constant 128 : i32
    %mul3A_133 = vector.broadcast %mul3A_132 : i32 to vector<16xi32>
    %mul3A_134 = arith.muli %and3A_131, %mul3A_133 : vector<16xi32>
    %add3A_135 = arith.addi %mul3A_128, %mul3A_134 : vector<16xi32>
    %shift_right_arithmetic3A_136 = arith.constant 3 : i32
    %shift_right_arithmetic3A_137 = vector.broadcast %shift_right_arithmetic3A_136 : i32 to vector<16xi32>
    %shift_right_arithmetic3A_138 = arith.shrsi %and3A_25, %shift_right_arithmetic3A_137 : vector<16xi32>
    %mul3A_139 = arith.constant 8192 : i32
    %mul3A_140 = vector.broadcast %mul3A_139 : i32 to vector<16xi32>
    %mul3A_141 = arith.muli %shift_right_arithmetic3A_138, %mul3A_140 : vector<16xi32>
    %and3A_142 = arith.constant 7 : i32
    %and3A_143 = vector.broadcast %and3A_142 : i32 to vector<16xi32>
    %and3A_144 = arith.andi %and3A_25, %and3A_143 : vector<16xi32>
    %mul3A_145 = arith.constant 128 : i32
    %mul3A_146 = vector.broadcast %mul3A_145 : i32 to vector<16xi32>
    %mul3A_147 = arith.muli %and3A_144, %mul3A_146 : vector<16xi32>
    %add3A_148 = arith.addi %mul3A_141, %mul3A_147 : vector<16xi32>
    %shift_right_arithmetic3A_149 = arith.constant 3 : i32
    %shift_right_arithmetic3A_150 = vector.broadcast %shift_right_arithmetic3A_149 : i32 to vector<16xi32>
    %shift_right_arithmetic3A_151 = arith.shrsi %and3A_31, %shift_right_arithmetic3A_150 : vector<16xi32>
    %mul3A_152 = arith.constant 8192 : i32
    %mul3A_153 = vector.broadcast %mul3A_152 : i32 to vector<16xi32>
    %mul3A_154 = arith.muli %shift_right_arithmetic3A_151, %mul3A_153 : vector<16xi32>
    %and3A_155 = arith.constant 7 : i32
    %and3A_156 = vector.broadcast %and3A_155 : i32 to vector<16xi32>
    %and3A_157 = arith.andi %and3A_31, %and3A_156 : vector<16xi32>
    %mul3A_158 = arith.constant 128 : i32
    %mul3A_159 = vector.broadcast %mul3A_158 : i32 to vector<16xi32>
    %mul3A_160 = arith.muli %and3A_157, %mul3A_159 : vector<16xi32>
    %add3A_161 = arith.addi %mul3A_154, %mul3A_160 : vector<16xi32>
    %shift_right_arithmetic3A_162 = arith.constant 3 : i32
    %shift_right_arithmetic3A_163 = vector.broadcast %shift_right_arithmetic3A_162 : i32 to vector<16xi32>
    %shift_right_arithmetic3A_164 = arith.shrsi %and3A_37, %shift_right_arithmetic3A_163 : vector<16xi32>
    %mul3A_165 = arith.constant 8192 : i32
    %mul3A_166 = vector.broadcast %mul3A_165 : i32 to vector<16xi32>
    %mul3A_167 = arith.muli %shift_right_arithmetic3A_164, %mul3A_166 : vector<16xi32>
    %and3A_168 = arith.constant 7 : i32
    %and3A_169 = vector.broadcast %and3A_168 : i32 to vector<16xi32>
    %and3A_170 = arith.andi %and3A_37, %and3A_169 : vector<16xi32>
    %mul3A_171 = arith.constant 128 : i32
    %mul3A_172 = vector.broadcast %mul3A_171 : i32 to vector<16xi32>
    %mul3A_173 = arith.muli %and3A_170, %mul3A_172 : vector<16xi32>
    %add3A_174 = arith.addi %mul3A_167, %mul3A_173 : vector<16xi32>
    %shift_right_arithmetic3A_175 = arith.constant 3 : i32
    %shift_right_arithmetic3A_176 = vector.broadcast %shift_right_arithmetic3A_175 : i32 to vector<16xi32>
    %shift_right_arithmetic3A_177 = arith.shrsi %and3A_43, %shift_right_arithmetic3A_176 : vector<16xi32>
    %mul3A_178 = arith.constant 8192 : i32
    %mul3A_179 = vector.broadcast %mul3A_178 : i32 to vector<16xi32>
    %mul3A_180 = arith.muli %shift_right_arithmetic3A_177, %mul3A_179 : vector<16xi32>
    %and3A_181 = arith.constant 7 : i32
    %and3A_182 = vector.broadcast %and3A_181 : i32 to vector<16xi32>
    %and3A_183 = arith.andi %and3A_43, %and3A_182 : vector<16xi32>
    %mul3A_184 = arith.constant 128 : i32
    %mul3A_185 = vector.broadcast %mul3A_184 : i32 to vector<16xi32>
    %mul3A_186 = arith.muli %and3A_183, %mul3A_185 : vector<16xi32>
    %add3A_187 = arith.addi %mul3A_180, %mul3A_186 : vector<16xi32>
    %shift_right_arithmetic3A_188 = arith.constant 3 : i32
    %shift_right_arithmetic3A_189 = vector.broadcast %shift_right_arithmetic3A_188 : i32 to vector<16xi32>
    %shift_right_arithmetic3A_190 = arith.shrsi %and3A_49, %shift_right_arithmetic3A_189 : vector<16xi32>
    %mul3A_191 = arith.constant 8192 : i32
    %mul3A_192 = vector.broadcast %mul3A_191 : i32 to vector<16xi32>
    %mul3A_193 = arith.muli %shift_right_arithmetic3A_190, %mul3A_192 : vector<16xi32>
    %and3A_194 = arith.constant 7 : i32
    %and3A_195 = vector.broadcast %and3A_194 : i32 to vector<16xi32>
    %and3A_196 = arith.andi %and3A_49, %and3A_195 : vector<16xi32>
    %mul3A_197 = arith.constant 128 : i32
    %mul3A_198 = vector.broadcast %mul3A_197 : i32 to vector<16xi32>
    %mul3A_199 = arith.muli %and3A_196, %mul3A_198 : vector<16xi32>
    %add3A_200 = arith.addi %mul3A_193, %mul3A_199 : vector<16xi32>
    %shift_right_arithmetic3A_201 = arith.constant 3 : i32
    %shift_right_arithmetic3A_202 = vector.broadcast %shift_right_arithmetic3A_201 : i32 to vector<16xi32>
    %shift_right_arithmetic3A_203 = arith.shrsi %and3A_55, %shift_right_arithmetic3A_202 : vector<16xi32>
    %mul3A_204 = arith.constant 8192 : i32
    %mul3A_205 = vector.broadcast %mul3A_204 : i32 to vector<16xi32>
    %mul3A_206 = arith.muli %shift_right_arithmetic3A_203, %mul3A_205 : vector<16xi32>
    %and3A_207 = arith.constant 7 : i32
    %and3A_208 = vector.broadcast %and3A_207 : i32 to vector<16xi32>
    %and3A_209 = arith.andi %and3A_55, %and3A_208 : vector<16xi32>
    %mul3A_210 = arith.constant 128 : i32
    %mul3A_211 = vector.broadcast %mul3A_210 : i32 to vector<16xi32>
    %mul3A_212 = arith.muli %and3A_209, %mul3A_211 : vector<16xi32>
    %add3A_213 = arith.addi %mul3A_206, %mul3A_212 : vector<16xi32>
    %shift_right_arithmetic3A_214 = arith.constant 3 : i32
    %shift_right_arithmetic3A_215 = vector.broadcast %shift_right_arithmetic3A_214 : i32 to vector<16xi32>
    %shift_right_arithmetic3A_216 = arith.shrsi %and3A_61, %shift_right_arithmetic3A_215 : vector<16xi32>
    %mul3A_217 = arith.constant 8192 : i32
    %mul3A_218 = vector.broadcast %mul3A_217 : i32 to vector<16xi32>
    %mul3A_219 = arith.muli %shift_right_arithmetic3A_216, %mul3A_218 : vector<16xi32>
    %and3A_220 = arith.constant 7 : i32
    %and3A_221 = vector.broadcast %and3A_220 : i32 to vector<16xi32>
    %and3A_222 = arith.andi %and3A_61, %and3A_221 : vector<16xi32>
    %mul3A_223 = arith.constant 128 : i32
    %mul3A_224 = vector.broadcast %mul3A_223 : i32 to vector<16xi32>
    %mul3A_225 = arith.muli %and3A_222, %mul3A_224 : vector<16xi32>
    %add3A_226 = arith.addi %mul3A_219, %mul3A_225 : vector<16xi32>
    %shift_right_arithmetic3A_227 = arith.constant 3 : i32
    %shift_right_arithmetic3A_228 = vector.broadcast %shift_right_arithmetic3A_227 : i32 to vector<16xi32>
    %shift_right_arithmetic3A_229 = arith.shrsi %and3A_67, %shift_right_arithmetic3A_228 : vector<16xi32>
    %mul3A_230 = arith.constant 8192 : i32
    %mul3A_231 = vector.broadcast %mul3A_230 : i32 to vector<16xi32>
    %mul3A_232 = arith.muli %shift_right_arithmetic3A_229, %mul3A_231 : vector<16xi32>
    %and3A_233 = arith.constant 7 : i32
    %and3A_234 = vector.broadcast %and3A_233 : i32 to vector<16xi32>
    %and3A_235 = arith.andi %and3A_67, %and3A_234 : vector<16xi32>
    %mul3A_236 = arith.constant 128 : i32
    %mul3A_237 = vector.broadcast %mul3A_236 : i32 to vector<16xi32>
    %mul3A_238 = arith.muli %and3A_235, %mul3A_237 : vector<16xi32>
    %add3A_239 = arith.addi %mul3A_232, %mul3A_238 : vector<16xi32>
    %shift_right_arithmetic3A_240 = arith.constant 3 : i32
    %shift_right_arithmetic3A_241 = vector.broadcast %shift_right_arithmetic3A_240 : i32 to vector<16xi32>
    %shift_right_arithmetic3A_242 = arith.shrsi %and3A_73, %shift_right_arithmetic3A_241 : vector<16xi32>
    %mul3A_243 = arith.constant 8192 : i32
    %mul3A_244 = vector.broadcast %mul3A_243 : i32 to vector<16xi32>
    %mul3A_245 = arith.muli %shift_right_arithmetic3A_242, %mul3A_244 : vector<16xi32>
    %and3A_246 = arith.constant 7 : i32
    %and3A_247 = vector.broadcast %and3A_246 : i32 to vector<16xi32>
    %and3A_248 = arith.andi %and3A_73, %and3A_247 : vector<16xi32>
    %mul3A_249 = arith.constant 128 : i32
    %mul3A_250 = vector.broadcast %mul3A_249 : i32 to vector<16xi32>
    %mul3A_251 = arith.muli %and3A_248, %mul3A_250 : vector<16xi32>
    %add3A_252 = arith.addi %mul3A_245, %mul3A_251 : vector<16xi32>
    %shift_right_arithmetic3A_253 = arith.constant 3 : i32
    %shift_right_arithmetic3A_254 = vector.broadcast %shift_right_arithmetic3A_253 : i32 to vector<16xi32>
    %shift_right_arithmetic3A_255 = arith.shrsi %and3A_79, %shift_right_arithmetic3A_254 : vector<16xi32>
    %mul3A_256 = arith.constant 8192 : i32
    %mul3A_257 = vector.broadcast %mul3A_256 : i32 to vector<16xi32>
    %mul3A_258 = arith.muli %shift_right_arithmetic3A_255, %mul3A_257 : vector<16xi32>
    %and3A_259 = arith.constant 7 : i32
    %and3A_260 = vector.broadcast %and3A_259 : i32 to vector<16xi32>
    %and3A_261 = arith.andi %and3A_79, %and3A_260 : vector<16xi32>
    %mul3A_262 = arith.constant 128 : i32
    %mul3A_263 = vector.broadcast %mul3A_262 : i32 to vector<16xi32>
    %mul3A_264 = arith.muli %and3A_261, %mul3A_263 : vector<16xi32>
    %add3A_265 = arith.addi %mul3A_258, %mul3A_264 : vector<16xi32>
    %shift_right_arithmetic3A_266 = arith.constant 3 : i32
    %shift_right_arithmetic3A_267 = vector.broadcast %shift_right_arithmetic3A_266 : i32 to vector<16xi32>
    %shift_right_arithmetic3A_268 = arith.shrsi %and3A_85, %shift_right_arithmetic3A_267 : vector<16xi32>
    %mul3A_269 = arith.constant 8192 : i32
    %mul3A_270 = vector.broadcast %mul3A_269 : i32 to vector<16xi32>
    %mul3A_271 = arith.muli %shift_right_arithmetic3A_268, %mul3A_270 : vector<16xi32>
    %and3A_272 = arith.constant 7 : i32
    %and3A_273 = vector.broadcast %and3A_272 : i32 to vector<16xi32>
    %and3A_274 = arith.andi %and3A_85, %and3A_273 : vector<16xi32>
    %mul3A_275 = arith.constant 128 : i32
    %mul3A_276 = vector.broadcast %mul3A_275 : i32 to vector<16xi32>
    %mul3A_277 = arith.muli %and3A_274, %mul3A_276 : vector<16xi32>
    %add3A_278 = arith.addi %mul3A_271, %mul3A_277 : vector<16xi32>
    %shift_right_arithmetic3A_279 = arith.constant 3 : i32
    %shift_right_arithmetic3A_280 = vector.broadcast %shift_right_arithmetic3A_279 : i32 to vector<16xi32>
    %shift_right_arithmetic3A_281 = arith.shrsi %and3A_91, %shift_right_arithmetic3A_280 : vector<16xi32>
    %mul3A_282 = arith.constant 8192 : i32
    %mul3A_283 = vector.broadcast %mul3A_282 : i32 to vector<16xi32>
    %mul3A_284 = arith.muli %shift_right_arithmetic3A_281, %mul3A_283 : vector<16xi32>
    %and3A_285 = arith.constant 7 : i32
    %and3A_286 = vector.broadcast %and3A_285 : i32 to vector<16xi32>
    %and3A_287 = arith.andi %and3A_91, %and3A_286 : vector<16xi32>
    %mul3A_288 = arith.constant 128 : i32
    %mul3A_289 = vector.broadcast %mul3A_288 : i32 to vector<16xi32>
    %mul3A_290 = arith.muli %and3A_287, %mul3A_289 : vector<16xi32>
    %add3A_291 = arith.addi %mul3A_284, %mul3A_290 : vector<16xi32>
    %shift_right_arithmetic3A_292 = arith.constant 3 : i32
    %shift_right_arithmetic3A_293 = vector.broadcast %shift_right_arithmetic3A_292 : i32 to vector<16xi32>
    %shift_right_arithmetic3A_294 = arith.shrsi %and3A_97, %shift_right_arithmetic3A_293 : vector<16xi32>
    %mul3A_295 = arith.constant 8192 : i32
    %mul3A_296 = vector.broadcast %mul3A_295 : i32 to vector<16xi32>
    %mul3A_297 = arith.muli %shift_right_arithmetic3A_294, %mul3A_296 : vector<16xi32>
    %and3A_298 = arith.constant 7 : i32
    %and3A_299 = vector.broadcast %and3A_298 : i32 to vector<16xi32>
    %and3A_300 = arith.andi %and3A_97, %and3A_299 : vector<16xi32>
    %mul3A_301 = arith.constant 128 : i32
    %mul3A_302 = vector.broadcast %mul3A_301 : i32 to vector<16xi32>
    %mul3A_303 = arith.muli %and3A_300, %mul3A_302 : vector<16xi32>
    %add3A_304 = arith.addi %mul3A_297, %mul3A_303 : vector<16xi32>
    %add3A_305 = arith.constant 50 : i32
    %add3A_306 = arith.addi %mul3A_2, %add3A_305 : i32
    %sub3A = arith.constant 1 : i32
    %sub3A_307 = arith.subi %add3A_306, %sub3A : i32
    %shift_right_arithmetic3A_308 = arith.constant 3 : i32
    %shift_right_arithmetic3A_309 = arith.shrsi %sub3A_307, %shift_right_arithmetic3A_308 : i32
    %shift_right_arithmetic3A_310 = arith.constant 3 : i32
    %shift_right_arithmetic3A_311 = arith.shrsi %mul3A_2, %shift_right_arithmetic3A_310 : i32
    %mul3A_312 = arith.constant 4096 : i32
    %mul3A_313 = arith.muli %shift_right_arithmetic3A_311, %mul3A_312 : i32
    "tpu.region"() ({
      %run_scoped3A = tpu.sem_alloc : memref<!tpu.dma_semaphore, #tpu.memory_space<semaphore_mem>>
      %dma_start3A = arith.constant 0 : i32
      %dma_start3A_379 = tpu.memref_slice %arg11[%dma_start3A] : memref<8192xi32, #tpu.memory_space<vmem>> -> memref<4096xi32, #tpu.memory_space<vmem>>
      %dma_start3A_380 = tpu.memref_slice %arg3[%mul3A_313] : memref<819200xi32, #tpu.memory_space<hbm>> -> memref<4096xi32, #tpu.memory_space<hbm>>
      %dma_start3A_381 = arith.constant 0 : i32
      %dma_start3A_382 = tpu.memref_slice %arg11[%dma_start3A_381] : memref<8192xi32, #tpu.memory_space<vmem>> -> memref<4096xi32, #tpu.memory_space<vmem>>
      %dma_start3A_383 = tpu.memref_slice %arg3[%mul3A_313] : memref<819200xi32, #tpu.memory_space<hbm>> -> memref<4096xi32, #tpu.memory_space<hbm>>
      tpu.enqueue_dma source(%dma_start3A_383 : memref<4096xi32, #tpu.memory_space<hbm>>) target(%dma_start3A_382 : memref<4096xi32, #tpu.memory_space<vmem>>) target_semaphore(%run_scoped3A : memref<!tpu.dma_semaphore, #tpu.memory_space<semaphore_mem>>)
      %dma_wait3A_384 = arith.constant 0 : i32
      %dma_wait3A_385 = tpu.memref_slice %arg11[%dma_wait3A_384] : memref<8192xi32, #tpu.memory_space<vmem>> -> memref<4096xi32, #tpu.memory_space<vmem>>
      %dma_wait3A_386 = tpu.memref_slice %arg3[%mul3A_313] : memref<819200xi32, #tpu.memory_space<hbm>> -> memref<4096xi32, #tpu.memory_space<hbm>>
      %dma_wait3A_387 = arith.constant 0 : i32
      %dma_wait3A_388 = tpu.memref_slice %arg11[%dma_wait3A_387] : memref<8192xi32, #tpu.memory_space<vmem>> -> memref<4096xi32, #tpu.memory_space<vmem>>
      %dma_wait3A_389 = tpu.memref_slice %arg3[%mul3A_313] : memref<819200xi32, #tpu.memory_space<hbm>> -> memref<4096xi32, #tpu.memory_space<hbm>>
      tpu.wait_dma2 semaphore(%run_scoped3A : memref<!tpu.dma_semaphore, #tpu.memory_space<semaphore_mem>>) src(%dma_wait3A_389 : memref<4096xi32, #tpu.memory_space<hbm>>) dst(%dma_wait3A_388 : memref<4096xi32, #tpu.memory_space<vmem>>)
      tpu.yield
    }) : () -> ()
    %get3A = arith.constant 0 : index
    %get3A_314 = tpu.vector_load %arg13[%get3A] {strides = array<i32>} : memref<16xi32, #tpu.memory_space<vmem>>, vector<16xi32>,
    %scan3A = arith.constant 0 : i32
    %scan3A_315 = arith.constant 0 : i32
    %scan3A_316 = arith.constant 50 : i32
    %scan3A_317 = arith.addi %scan3A_315, %scan3A_316 : i32
    %scan3A_318 = arith.constant 1 : i32
    scf.for %scan3A_379 = %scan3A_315 to %scan3A_317 step %scan3A_318  : i32 {
      %mul3A_380 = arith.constant 2 : i32
      %mul3A_381 = arith.muli %scan3A_379, %mul3A_380 : i32
      %add3A_382 = arith.constant 0 : i32
      %add3A_383 = arith.addi %mul3A_381, %add3A_382 : i32
      %shift_right_arithmetic3A_384 = arith.constant 2 : i32
      %shift_right_arithmetic3A_385 = arith.shrsi %add3A_383, %shift_right_arithmetic3A_384 : i32
      %mul3A_386 = arith.constant 2 : i32
      %mul3A_387 = arith.muli %shift_right_arithmetic3A_385, %mul3A_386 : i32
      %add3A_388 = arith.addi %mul3A_2, %mul3A_387 : i32
      %and3A_389 = arith.constant 3 : i32
      %and3A_390 = arith.andi %add3A_383, %and3A_389 : i32
      %shift_right_arithmetic3A_391 = arith.constant 3 : i32
      %shift_right_arithmetic3A_392 = arith.shrsi %add3A_388, %shift_right_arithmetic3A_391 : i32
      %and3A_393 = arith.constant 7 : i32
      %and3A_394 = arith.andi %add3A_388, %and3A_393 : i32
      %mul3A_395 = arith.constant 8 : i32
      %mul3A_396 = arith.muli %and3A_394, %mul3A_395 : i32
      %mul3A_397 = arith.constant 1024 : i32
      %mul3A_398 = arith.muli %and3A_390, %mul3A_397 : i32
      %shift_right_arithmetic3A_399 = arith.constant 3 : i32
      %shift_right_arithmetic3A_400 = arith.shrsi %mul3A_2, %shift_right_arithmetic3A_399 : i32
      %xor3A = arith.xori %shift_right_arithmetic3A_392, %shift_right_arithmetic3A_400 : i32
      %and3A_401 = arith.constant 1 : i32
      %and3A_402 = arith.andi %xor3A, %and3A_401 : i32
      %mul3A_403 = arith.constant 4096 : i32
      %mul3A_404 = arith.muli %and3A_402, %mul3A_403 : i32
      %and3A_405 = arith.constant 7 : i32
      %and3A_406 = arith.andi %add3A_388, %and3A_405 : i32
      %eq3A = arith.constant 0 : i32
      %eq3A_407 = arith.cmpi eq, %and3A_406, %eq3A : i32
      %eq3A_408 = arith.constant 0 : i32
      %eq3A_409 = arith.cmpi eq, %and3A_390, %eq3A_408 : i32
      %and3A_410 = arith.andi %eq3A_407, %eq3A_409 : i1
      %eq3A_411 = arith.constant 0 : i32
      %eq3A_412 = arith.cmpi eq, %add3A_383, %eq3A_411 : i32
      %or3A = arith.ori %and3A_410, %eq3A_412 : i1
      %convert_element_type3A = arith.extui %or3A : i1 to i32
      %cond3A = arith.constant 0 : i32
      %cond3A_413 = arith.cmpi ne, %convert_element_type3A, %cond3A : i32
      scf.if %cond3A_413 {
        %gt3A_546 = arith.constant 0 : i32
        %gt3A_547 = arith.cmpi sgt, %add3A_383, %gt3A_546 : i32
        %convert_element_type3A_548 = arith.extui %gt3A_547 : i1 to i32
        %cond3A_549 = arith.constant 0 : i32
        %cond3A_550 = arith.cmpi ne, %convert_element_type3A_548, %cond3A_549 : i32
        scf.if %cond3A_550 {
          %dma_wait3A_559 = arith.constant 0 : i32
          %dma_wait3A_560 = tpu.memref_slice %arg11[%dma_wait3A_559] : memref<8192xi32, #tpu.memory_space<vmem>> -> memref<4096xi32, #tpu.memory_space<vmem>>
          %dma_wait3A_561 = arith.constant 0 : i32
          %dma_wait3A_562 = tpu.memref_slice %arg3[%dma_wait3A_561] : memref<819200xi32, #tpu.memory_space<hbm>> -> memref<4096xi32, #tpu.memory_space<hbm>>
          %dma_wait3A_563 = arith.constant 0 : i32
          %dma_wait3A_564 = tpu.memref_slice %arg11[%dma_wait3A_563] : memref<8192xi32, #tpu.memory_space<vmem>> -> memref<4096xi32, #tpu.memory_space<vmem>>
          %dma_wait3A_565 = arith.constant 0 : i32
          %dma_wait3A_566 = tpu.memref_slice %arg3[%dma_wait3A_565] : memref<819200xi32, #tpu.memory_space<hbm>> -> memref<4096xi32, #tpu.memory_space<hbm>>
          tpu.wait_dma2 semaphore(%arg17 : memref<!tpu.dma_semaphore, #tpu.memory_space<semaphore_mem>>) src(%dma_wait3A_566 : memref<4096xi32, #tpu.memory_space<hbm>>) dst(%dma_wait3A_564 : memref<4096xi32, #tpu.memory_space<vmem>>)
        } else {
        }
        %lt3A = vector.broadcast %shift_right_arithmetic3A_392 : i32 to vector<16xi32>
        %lt3A_551 = arith.cmpi slt, %lt3A, %get3A_314 : vector<16xi32>
        %parallel_loop3A_552 = arith.constant 0 : i32
        %parallel_loop3A_553 = arith.constant 256 : i32
        %parallel_loop3A_554 = arith.constant 1 : i32
        scf.for %parallel_loop3A_559 = %parallel_loop3A_552 to %parallel_loop3A_553 step %parallel_loop3A_554  : i32 {
          %parallel_loop3A_560 = arith.constant 16 : i32
          %parallel_loop3A_561 = arith.muli %parallel_loop3A_559, %parallel_loop3A_560 : i32
          %parallel_loop3A_562 = arith.addi %mul3A_404, %parallel_loop3A_561 : i32
          %parallel_loop3A_563 = arith.index_cast %parallel_loop3A_562 : i32 to index
          %parallel_loop3A_564 = tpu.vector_load %arg11[%parallel_loop3A_563] {strides = array<i32>} : memref<8192xi32, #tpu.memory_space<vmem>>, vector<16xi32>,
          %parallel_loop3A_565 = tpu.vector_load_idx %arg9[%parallel_loop3A_564] : memref<1000xi32, #tpu.memory_space<vmem>>[vector<16xi32>], vector<16xi32>,
          %parallel_loop3A_566 = arith.index_cast %parallel_loop3A_561 : i32 to index
          %parallel_loop3A_567 = tpu.vector_load %arg10[%parallel_loop3A_566] {strides = array<i32>} : memref<4096xi32, #tpu.memory_space<vmem>>, vector<16xi32>,
          %parallel_loop3A_568 = vector.broadcast %shift_right_arithmetic3A_392 : i32 to vector<16xi32>
          %parallel_loop3A_569 = arith.cmpi slt, %parallel_loop3A_568, %parallel_loop3A_567 : vector<16xi32>
          %parallel_loop3A_570 = arith.andi %parallel_loop3A_569, %lt3A_551 : vector<16xi1>
          %parallel_loop3A_571 = arith.constant 1000 : i32
          %parallel_loop3A_572 = vector.broadcast %parallel_loop3A_571 : i32 to vector<16xi32>
          %parallel_loop3A_573 = arith.select %parallel_loop3A_570, %parallel_loop3A_565, %parallel_loop3A_572 : vector<16xi1>, vector<16xi32>
          %parallel_loop3A_574 = arith.constant 64 : i32
          %parallel_loop3A_575 = vector.broadcast %parallel_loop3A_574 : i32 to vector<16xi32>
          %parallel_loop3A_576 = arith.muli %parallel_loop3A_573, %parallel_loop3A_575 : vector<16xi32>
          %parallel_loop3A_577 = arith.index_cast %parallel_loop3A_561 : i32 to index
          %parallel_loop3A_578 = tpu.vector_load %arg12[%parallel_loop3A_577] {strides = array<i32>} : memref<4096xi32, #tpu.memory_space<vmem>>, vector<16xi32>,
          tpu.vector_store %arg12[%parallel_loop3A_577], %parallel_loop3A_576 {strides = array<i32>} : memref<4096xi32, #tpu.memory_space<vmem>>, vector<16xi32>,
        } {sc.loop_unroll_factor = 8 : i64, sc.parallel_access}
        %lt3A_555 = arith.cmpi slt, %shift_right_arithmetic3A_392, %shift_right_arithmetic3A_309 : i32
        %convert_element_type3A_556 = arith.extui %lt3A_555 : i1 to i32
        %cond3A_557 = arith.constant 0 : i32
        %cond3A_558 = arith.cmpi ne, %convert_element_type3A_556, %cond3A_557 : i32
        scf.if %cond3A_558 {
          %add3A_559 = arith.constant 1 : i32
          %add3A_560 = arith.addi %shift_right_arithmetic3A_392, %add3A_559 : i32
          %mul3A_561 = arith.constant 4096 : i32
          %mul3A_562 = arith.muli %add3A_560, %mul3A_561 : i32
          %sub3A_563 = arith.constant 4096 : i32
          %sub3A_564 = arith.subi %sub3A_563, %mul3A_404 : i32
          %dma_start3A_565 = tpu.memref_slice %arg11[%sub3A_564] : memref<8192xi32, #tpu.memory_space<vmem>> -> memref<4096xi32, #tpu.memory_space<vmem>>
          %dma_start3A_566 = tpu.memref_slice %arg3[%mul3A_562] : memref<819200xi32, #tpu.memory_space<hbm>> -> memref<4096xi32, #tpu.memory_space<hbm>>
          %dma_start3A_567 = tpu.memref_slice %arg11[%sub3A_564] : memref<8192xi32, #tpu.memory_space<vmem>> -> memref<4096xi32, #tpu.memory_space<vmem>>
          %dma_start3A_568 = tpu.memref_slice %arg3[%mul3A_562] : memref<819200xi32, #tpu.memory_space<hbm>> -> memref<4096xi32, #tpu.memory_space<hbm>>
          tpu.enqueue_dma source(%dma_start3A_568 : memref<4096xi32, #tpu.memory_space<hbm>>) target(%dma_start3A_567 : memref<4096xi32, #tpu.memory_space<vmem>>) target_semaphore(%arg17 : memref<!tpu.dma_semaphore, #tpu.memory_space<semaphore_mem>>)
        } else {
        }
      } else {
      }
      %gt3A = arith.constant 0 : i32
      %gt3A_414 = arith.cmpi sgt, %scan3A_379, %gt3A : i32
      %convert_element_type3A_415 = arith.extui %gt3A_414 : i1 to i32
      %cond3A_416 = arith.constant 0 : i32
      %cond3A_417 = arith.constant 0 : i32
      %cond3A_418 = arith.cmpi ne, %convert_element_type3A_415, %cond3A_417 : i32
      scf.if %cond3A_418 {
        %dma_wait3A_546 = arith.constant 0 : i32
        %dma_wait3A_547 = tpu.memref_slice %arg14[%cond3A_416, %dma_wait3A_546] : memref<2x16384xf32, #tpu.memory_space<vmem>> -> memref<1x16384xf32, #tpu.memory_space<vmem>>
        %dma_wait3A_548 = tpu.memref_squeeze %dma_wait3A_547 : memref<1x16384xf32, #tpu.memory_space<vmem>> -> memref<16384xf32, #tpu.memory_space<vmem>>
        %dma_wait3A_549 = arith.constant 0 : i32
        %dma_wait3A_550 = tpu.memref_slice %dma_wait3A_548[%dma_wait3A_549] : memref<16384xf32, #tpu.memory_space<vmem>> -> memref<8192xf32, #tpu.memory_space<vmem>>
        %dma_wait3A_551 = arith.constant 0 : i32
        %dma_wait3A_552 = tpu.memref_slice %arg7[%dma_wait3A_551] : memref<52428800xf32, #tpu.memory_space<hbm>> -> memref<8192xf32, #tpu.memory_space<hbm>>
        %dma_wait3A_553 = arith.constant 0 : i32
        %dma_wait3A_554 = tpu.memref_slice %arg7[%dma_wait3A_553] : memref<52428800xf32, #tpu.memory_space<hbm>> -> memref<8192xf32, #tpu.memory_space<hbm>>
        %dma_wait3A_555 = arith.constant 0 : i32
        %dma_wait3A_556 = tpu.memref_slice %arg14[%cond3A_416, %dma_wait3A_555] : memref<2x16384xf32, #tpu.memory_space<vmem>> -> memref<1x16384xf32, #tpu.memory_space<vmem>>
        %dma_wait3A_557 = tpu.memref_squeeze %dma_wait3A_556 : memref<1x16384xf32, #tpu.memory_space<vmem>> -> memref<16384xf32, #tpu.memory_space<vmem>>
        %dma_wait3A_558 = arith.constant 0 : i32
        %dma_wait3A_559 = tpu.memref_slice %dma_wait3A_557[%dma_wait3A_558] : memref<16384xf32, #tpu.memory_space<vmem>> -> memref<8192xf32, #tpu.memory_space<vmem>>
        tpu.wait_dma2 semaphore(%arg15 : memref<!tpu.dma_semaphore, #tpu.memory_space<semaphore_mem>>) src(%dma_wait3A_559 : memref<8192xf32, #tpu.memory_space<vmem>>) dst(%dma_wait3A_554 : memref<8192xf32, #tpu.memory_space<hbm>>)
        %dma_wait3A_560 = arith.constant 0 : i32
        %dma_wait3A_561 = tpu.memref_slice %arg14[%cond3A_416, %dma_wait3A_560] : memref<2x16384xf32, #tpu.memory_space<vmem>> -> memref<1x16384xf32, #tpu.memory_space<vmem>>
        %dma_wait3A_562 = tpu.memref_squeeze %dma_wait3A_561 : memref<1x16384xf32, #tpu.memory_space<vmem>> -> memref<16384xf32, #tpu.memory_space<vmem>>
        %dma_wait3A_563 = arith.constant 0 : i32
        %dma_wait3A_564 = tpu.memref_slice %dma_wait3A_562[%dma_wait3A_563] : memref<16384xf32, #tpu.memory_space<vmem>> -> memref<8192xf32, #tpu.memory_space<vmem>>
        %dma_wait3A_565 = arith.constant 0 : i32
        %dma_wait3A_566 = tpu.memref_slice %arg7[%dma_wait3A_565] : memref<52428800xf32, #tpu.memory_space<hbm>> -> memref<8192xf32, #tpu.memory_space<hbm>>
        %dma_wait3A_567 = arith.constant 0 : i32
        %dma_wait3A_568 = tpu.memref_slice %arg7[%dma_wait3A_567] : memref<52428800xf32, #tpu.memory_space<hbm>> -> memref<8192xf32, #tpu.memory_space<hbm>>
        %dma_wait3A_569 = arith.constant 0 : i32
        %dma_wait3A_570 = tpu.memref_slice %arg14[%cond3A_416, %dma_wait3A_569] : memref<2x16384xf32, #tpu.memory_space<vmem>> -> memref<1x16384xf32, #tpu.memory_space<vmem>>
        %dma_wait3A_571 = tpu.memref_squeeze %dma_wait3A_570 : memref<1x16384xf32, #tpu.memory_space<vmem>> -> memref<16384xf32, #tpu.memory_space<vmem>>
        %dma_wait3A_572 = arith.constant 0 : i32
        %dma_wait3A_573 = tpu.memref_slice %dma_wait3A_571[%dma_wait3A_572] : memref<16384xf32, #tpu.memory_space<vmem>> -> memref<8192xf32, #tpu.memory_space<vmem>>
        tpu.wait_dma2 semaphore(%arg15 : memref<!tpu.dma_semaphore, #tpu.memory_space<semaphore_mem>>) src(%dma_wait3A_573 : memref<8192xf32, #tpu.memory_space<vmem>>) dst(%dma_wait3A_568 : memref<8192xf32, #tpu.memory_space<hbm>>)
      } else {
      }
      %parallel_loop3A = arith.constant 0 : i32
      %parallel_loop3A_419 = arith.constant 64 : i32
      %parallel_loop3A_420 = arith.constant 1 : i32
      %parallel_loop3A_421 = arith.constant 0 : i32
      scf.for %parallel_loop3A_546 = %parallel_loop3A to %parallel_loop3A_419 step %parallel_loop3A_420  : i32 {
        %parallel_loop3A_547 = arith.constant 16 : i32
        %parallel_loop3A_548 = arith.muli %parallel_loop3A_546, %parallel_loop3A_547 : i32
        %parallel_loop3A_549 = arith.addi %mul3A_398, %parallel_loop3A_548 : i32
        %parallel_loop3A_550 = arith.index_cast %parallel_loop3A_549 : i32 to index
        %parallel_loop3A_551 = tpu.vector_load %arg12[%parallel_loop3A_550] {strides = array<i32>} : memref<4096xi32, #tpu.memory_space<vmem>>, vector<16xi32>,
        %parallel_loop3A_552 = arith.constant 3 : i32
        %parallel_loop3A_553 = arith.shrsi %parallel_loop3A_546, %parallel_loop3A_552 : i32
        %parallel_loop3A_554 = arith.constant 1024 : i32
        %parallel_loop3A_555 = arith.muli %parallel_loop3A_553, %parallel_loop3A_554 : i32
        %parallel_loop3A_556 = arith.constant 7 : i32
        %parallel_loop3A_557 = arith.andi %parallel_loop3A_546, %parallel_loop3A_556 : i32
        %parallel_loop3A_558 = arith.constant 16 : i32
        %parallel_loop3A_559 = arith.muli %parallel_loop3A_557, %parallel_loop3A_558 : i32
        %parallel_loop3A_560 = arith.addi %parallel_loop3A_555, %parallel_loop3A_559 : i32
        %parallel_loop3A_561 = vector.broadcast %parallel_loop3A_560 : i32 to vector<16xi32>
        %parallel_loop3A_562 = arith.addi %parallel_loop3A_561, %iota3A : vector<16xi32>
        %parallel_loop3A_563 = arith.addi %parallel_loop3A_551, %and3A_7 : vector<16xi32>
        %parallel_loop3A_564 = tpu.memref_slice %arg8[%mul3A_396] : memref<64512xf32, #tpu.memory_space<vmem>> -> memref<64464xf32, #tpu.memory_space<vmem>>
        %parallel_loop3A_565 = tpu.vector_load_idx %parallel_loop3A_564[%parallel_loop3A_563] : memref<64464xf32, #tpu.memory_space<vmem>>[vector<16xi32>], vector<16xf32>,
        %parallel_loop3A_566 = arith.addi %parallel_loop3A_562, %add3A_109 : vector<16xi32>
        %parallel_loop3A_567 = arith.constant 0 : i32
        %parallel_loop3A_568 = tpu.memref_slice %arg14[%parallel_loop3A_421, %parallel_loop3A_567] : memref<2x16384xf32, #tpu.memory_space<vmem>> -> memref<1x16384xf32, #tpu.memory_space<vmem>>
        %parallel_loop3A_569 = tpu.memref_squeeze %parallel_loop3A_568 : memref<1x16384xf32, #tpu.memory_space<vmem>> -> memref<16384xf32, #tpu.memory_space<vmem>>
        tpu.vector_store_idx %parallel_loop3A_569[%parallel_loop3A_566], %parallel_loop3A_565 : memref<16384xf32, #tpu.memory_space<vmem>>[vector<16xi32>], vector<16xf32>,
        %parallel_loop3A_570 = arith.addi %parallel_loop3A_551, %and3A_13 : vector<16xi32>
        %parallel_loop3A_571 = tpu.memref_slice %arg8[%mul3A_396] : memref<64512xf32, #tpu.memory_space<vmem>> -> memref<64464xf32, #tpu.memory_space<vmem>>
        %parallel_loop3A_572 = tpu.vector_load_idx %parallel_loop3A_571[%parallel_loop3A_570] : memref<64464xf32, #tpu.memory_space<vmem>>[vector<16xi32>], vector<16xf32>,
        %parallel_loop3A_573 = arith.addi %parallel_loop3A_562, %add3A_122 : vector<16xi32>
        %parallel_loop3A_574 = arith.constant 0 : i32
        %parallel_loop3A_575 = tpu.memref_slice %arg14[%parallel_loop3A_421, %parallel_loop3A_574] : memref<2x16384xf32, #tpu.memory_space<vmem>> -> memref<1x16384xf32, #tpu.memory_space<vmem>>
        %parallel_loop3A_576 = tpu.memref_squeeze %parallel_loop3A_575 : memref<1x16384xf32, #tpu.memory_space<vmem>> -> memref<16384xf32, #tpu.memory_space<vmem>>
        tpu.vector_store_idx %parallel_loop3A_576[%parallel_loop3A_573], %parallel_loop3A_572 : memref<16384xf32, #tpu.memory_space<vmem>>[vector<16xi32>], vector<16xf32>,
        %parallel_loop3A_577 = arith.addi %parallel_loop3A_551, %and3A_19 : vector<16xi32>
        %parallel_loop3A_578 = tpu.memref_slice %arg8[%mul3A_396] : memref<64512xf32, #tpu.memory_space<vmem>> -> memref<64464xf32, #tpu.memory_space<vmem>>
        %parallel_loop3A_579 = tpu.vector_load_idx %parallel_loop3A_578[%parallel_loop3A_577] : memref<64464xf32, #tpu.memory_space<vmem>>[vector<16xi32>], vector<16xf32>,
        %parallel_loop3A_580 = arith.addi %parallel_loop3A_562, %add3A_135 : vector<16xi32>
        %parallel_loop3A_581 = arith.constant 0 : i32
        %parallel_loop3A_582 = tpu.memref_slice %arg14[%parallel_loop3A_421, %parallel_loop3A_581] : memref<2x16384xf32, #tpu.memory_space<vmem>> -> memref<1x16384xf32, #tpu.memory_space<vmem>>
        %parallel_loop3A_583 = tpu.memref_squeeze %parallel_loop3A_582 : memref<1x16384xf32, #tpu.memory_space<vmem>> -> memref<16384xf32, #tpu.memory_space<vmem>>
        tpu.vector_store_idx %parallel_loop3A_583[%parallel_loop3A_580], %parallel_loop3A_579 : memref<16384xf32, #tpu.memory_space<vmem>>[vector<16xi32>], vector<16xf32>,
        %parallel_loop3A_584 = arith.addi %parallel_loop3A_551, %and3A_25 : vector<16xi32>
        %parallel_loop3A_585 = tpu.memref_slice %arg8[%mul3A_396] : memref<64512xf32, #tpu.memory_space<vmem>> -> memref<64464xf32, #tpu.memory_space<vmem>>
        %parallel_loop3A_586 = tpu.vector_load_idx %parallel_loop3A_585[%parallel_loop3A_584] : memref<64464xf32, #tpu.memory_space<vmem>>[vector<16xi32>], vector<16xf32>,
        %parallel_loop3A_587 = arith.addi %parallel_loop3A_562, %add3A_148 : vector<16xi32>
        %parallel_loop3A_588 = arith.constant 0 : i32
        %parallel_loop3A_589 = tpu.memref_slice %arg14[%parallel_loop3A_421, %parallel_loop3A_588] : memref<2x16384xf32, #tpu.memory_space<vmem>> -> memref<1x16384xf32, #tpu.memory_space<vmem>>
        %parallel_loop3A_590 = tpu.memref_squeeze %parallel_loop3A_589 : memref<1x16384xf32, #tpu.memory_space<vmem>> -> memref<16384xf32, #tpu.memory_space<vmem>>
        tpu.vector_store_idx %parallel_loop3A_590[%parallel_loop3A_587], %parallel_loop3A_586 : memref<16384xf32, #tpu.memory_space<vmem>>[vector<16xi32>], vector<16xf32>,
        %parallel_loop3A_591 = arith.addi %parallel_loop3A_551, %and3A_31 : vector<16xi32>
        %parallel_loop3A_592 = tpu.memref_slice %arg8[%mul3A_396] : memref<64512xf32, #tpu.memory_space<vmem>> -> memref<64464xf32, #tpu.memory_space<vmem>>
        %parallel_loop3A_593 = tpu.vector_load_idx %parallel_loop3A_592[%parallel_loop3A_591] : memref<64464xf32, #tpu.memory_space<vmem>>[vector<16xi32>], vector<16xf32>,
        %parallel_loop3A_594 = arith.addi %parallel_loop3A_562, %add3A_161 : vector<16xi32>
        %parallel_loop3A_595 = arith.constant 0 : i32
        %parallel_loop3A_596 = tpu.memref_slice %arg14[%parallel_loop3A_421, %parallel_loop3A_595] : memref<2x16384xf32, #tpu.memory_space<vmem>> -> memref<1x16384xf32, #tpu.memory_space<vmem>>
        %parallel_loop3A_597 = tpu.memref_squeeze %parallel_loop3A_596 : memref<1x16384xf32, #tpu.memory_space<vmem>> -> memref<16384xf32, #tpu.memory_space<vmem>>
        tpu.vector_store_idx %parallel_loop3A_597[%parallel_loop3A_594], %parallel_loop3A_593 : memref<16384xf32, #tpu.memory_space<vmem>>[vector<16xi32>], vector<16xf32>,
        %parallel_loop3A_598 = arith.addi %parallel_loop3A_551, %and3A_37 : vector<16xi32>
        %parallel_loop3A_599 = tpu.memref_slice %arg8[%mul3A_396] : memref<64512xf32, #tpu.memory_space<vmem>> -> memref<64464xf32, #tpu.memory_space<vmem>>
        %parallel_loop3A_600 = tpu.vector_load_idx %parallel_loop3A_599[%parallel_loop3A_598] : memref<64464xf32, #tpu.memory_space<vmem>>[vector<16xi32>], vector<16xf32>,
        %parallel_loop3A_601 = arith.addi %parallel_loop3A_562, %add3A_174 : vector<16xi32>
        %parallel_loop3A_602 = arith.constant 0 : i32
        %parallel_loop3A_603 = tpu.memref_slice %arg14[%parallel_loop3A_421, %parallel_loop3A_602] : memref<2x16384xf32, #tpu.memory_space<vmem>> -> memref<1x16384xf32, #tpu.memory_space<vmem>>
        %parallel_loop3A_604 = tpu.memref_squeeze %parallel_loop3A_603 : memref<1x16384xf32, #tpu.memory_space<vmem>> -> memref<16384xf32, #tpu.memory_space<vmem>>
        tpu.vector_store_idx %parallel_loop3A_604[%parallel_loop3A_601], %parallel_loop3A_600 : memref<16384xf32, #tpu.memory_space<vmem>>[vector<16xi32>], vector<16xf32>,
        %parallel_loop3A_605 = arith.addi %parallel_loop3A_551, %and3A_43 : vector<16xi32>
        %parallel_loop3A_606 = tpu.memref_slice %arg8[%mul3A_396] : memref<64512xf32, #tpu.memory_space<vmem>> -> memref<64464xf32, #tpu.memory_space<vmem>>
        %parallel_loop3A_607 = tpu.vector_load_idx %parallel_loop3A_606[%parallel_loop3A_605] : memref<64464xf32, #tpu.memory_space<vmem>>[vector<16xi32>], vector<16xf32>,
        %parallel_loop3A_608 = arith.addi %parallel_loop3A_562, %add3A_187 : vector<16xi32>
        %parallel_loop3A_609 = arith.constant 0 : i32
        %parallel_loop3A_610 = tpu.memref_slice %arg14[%parallel_loop3A_421, %parallel_loop3A_609] : memref<2x16384xf32, #tpu.memory_space<vmem>> -> memref<1x16384xf32, #tpu.memory_space<vmem>>
        %parallel_loop3A_611 = tpu.memref_squeeze %parallel_loop3A_610 : memref<1x16384xf32, #tpu.memory_space<vmem>> -> memref<16384xf32, #tpu.memory_space<vmem>>
        tpu.vector_store_idx %parallel_loop3A_611[%parallel_loop3A_608], %parallel_loop3A_607 : memref<16384xf32, #tpu.memory_space<vmem>>[vector<16xi32>], vector<16xf32>,
        %parallel_loop3A_612 = arith.addi %parallel_loop3A_551, %and3A_49 : vector<16xi32>
        %parallel_loop3A_613 = tpu.memref_slice %arg8[%mul3A_396] : memref<64512xf32, #tpu.memory_space<vmem>> -> memref<64464xf32, #tpu.memory_space<vmem>>
        %parallel_loop3A_614 = tpu.vector_load_idx %parallel_loop3A_613[%parallel_loop3A_612] : memref<64464xf32, #tpu.memory_space<vmem>>[vector<16xi32>], vector<16xf32>,
        %parallel_loop3A_615 = arith.addi %parallel_loop3A_562, %add3A_200 : vector<16xi32>
        %parallel_loop3A_616 = arith.constant 0 : i32
        %parallel_loop3A_617 = tpu.memref_slice %arg14[%parallel_loop3A_421, %parallel_loop3A_616] : memref<2x16384xf32, #tpu.memory_space<vmem>> -> memref<1x16384xf32, #tpu.memory_space<vmem>>
        %parallel_loop3A_618 = tpu.memref_squeeze %parallel_loop3A_617 : memref<1x16384xf32, #tpu.memory_space<vmem>> -> memref<16384xf32, #tpu.memory_space<vmem>>
        tpu.vector_store_idx %parallel_loop3A_618[%parallel_loop3A_615], %parallel_loop3A_614 : memref<16384xf32, #tpu.memory_space<vmem>>[vector<16xi32>], vector<16xf32>,
        %parallel_loop3A_619 = arith.addi %parallel_loop3A_551, %and3A_55 : vector<16xi32>
        %parallel_loop3A_620 = tpu.memref_slice %arg8[%mul3A_396] : memref<64512xf32, #tpu.memory_space<vmem>> -> memref<64464xf32, #tpu.memory_space<vmem>>
        %parallel_loop3A_621 = tpu.vector_load_idx %parallel_loop3A_620[%parallel_loop3A_619] : memref<64464xf32, #tpu.memory_space<vmem>>[vector<16xi32>], vector<16xf32>,
        %parallel_loop3A_622 = arith.addi %parallel_loop3A_562, %add3A_213 : vector<16xi32>
        %parallel_loop3A_623 = arith.constant 0 : i32
        %parallel_loop3A_624 = tpu.memref_slice %arg14[%parallel_loop3A_421, %parallel_loop3A_623] : memref<2x16384xf32, #tpu.memory_space<vmem>> -> memref<1x16384xf32, #tpu.memory_space<vmem>>
        %parallel_loop3A_625 = tpu.memref_squeeze %parallel_loop3A_624 : memref<1x16384xf32, #tpu.memory_space<vmem>> -> memref<16384xf32, #tpu.memory_space<vmem>>
        tpu.vector_store_idx %parallel_loop3A_625[%parallel_loop3A_622], %parallel_loop3A_621 : memref<16384xf32, #tpu.memory_space<vmem>>[vector<16xi32>], vector<16xf32>,
        %parallel_loop3A_626 = arith.addi %parallel_loop3A_551, %and3A_61 : vector<16xi32>
        %parallel_loop3A_627 = tpu.memref_slice %arg8[%mul3A_396] : memref<64512xf32, #tpu.memory_space<vmem>> -> memref<64464xf32, #tpu.memory_space<vmem>>
        %parallel_loop3A_628 = tpu.vector_load_idx %parallel_loop3A_627[%parallel_loop3A_626] : memref<64464xf32, #tpu.memory_space<vmem>>[vector<16xi32>], vector<16xf32>,
        %parallel_loop3A_629 = arith.addi %parallel_loop3A_562, %add3A_226 : vector<16xi32>
        %parallel_loop3A_630 = arith.constant 0 : i32
        %parallel_loop3A_631 = tpu.memref_slice %arg14[%parallel_loop3A_421, %parallel_loop3A_630] : memref<2x16384xf32, #tpu.memory_space<vmem>> -> memref<1x16384xf32, #tpu.memory_space<vmem>>
        %parallel_loop3A_632 = tpu.memref_squeeze %parallel_loop3A_631 : memref<1x16384xf32, #tpu.memory_space<vmem>> -> memref<16384xf32, #tpu.memory_space<vmem>>
        tpu.vector_store_idx %parallel_loop3A_632[%parallel_loop3A_629], %parallel_loop3A_628 : memref<16384xf32, #tpu.memory_space<vmem>>[vector<16xi32>], vector<16xf32>,
        %parallel_loop3A_633 = arith.addi %parallel_loop3A_551, %and3A_67 : vector<16xi32>
        %parallel_loop3A_634 = tpu.memref_slice %arg8[%mul3A_396] : memref<64512xf32, #tpu.memory_space<vmem>> -> memref<64464xf32, #tpu.memory_space<vmem>>
        %parallel_loop3A_635 = tpu.vector_load_idx %parallel_loop3A_634[%parallel_loop3A_633] : memref<64464xf32, #tpu.memory_space<vmem>>[vector<16xi32>], vector<16xf32>,
        %parallel_loop3A_636 = arith.addi %parallel_loop3A_562, %add3A_239 : vector<16xi32>
        %parallel_loop3A_637 = arith.constant 0 : i32
        %parallel_loop3A_638 = tpu.memref_slice %arg14[%parallel_loop3A_421, %parallel_loop3A_637] : memref<2x16384xf32, #tpu.memory_space<vmem>> -> memref<1x16384xf32, #tpu.memory_space<vmem>>
        %parallel_loop3A_639 = tpu.memref_squeeze %parallel_loop3A_638 : memref<1x16384xf32, #tpu.memory_space<vmem>> -> memref<16384xf32, #tpu.memory_space<vmem>>
        tpu.vector_store_idx %parallel_loop3A_639[%parallel_loop3A_636], %parallel_loop3A_635 : memref<16384xf32, #tpu.memory_space<vmem>>[vector<16xi32>], vector<16xf32>,
        %parallel_loop3A_640 = arith.addi %parallel_loop3A_551, %and3A_73 : vector<16xi32>
        %parallel_loop3A_641 = tpu.memref_slice %arg8[%mul3A_396] : memref<64512xf32, #tpu.memory_space<vmem>> -> memref<64464xf32, #tpu.memory_space<vmem>>
        %parallel_loop3A_642 = tpu.vector_load_idx %parallel_loop3A_641[%parallel_loop3A_640] : memref<64464xf32, #tpu.memory_space<vmem>>[vector<16xi32>], vector<16xf32>,
        %parallel_loop3A_643 = arith.addi %parallel_loop3A_562, %add3A_252 : vector<16xi32>
        %parallel_loop3A_644 = arith.constant 0 : i32
        %parallel_loop3A_645 = tpu.memref_slice %arg14[%parallel_loop3A_421, %parallel_loop3A_644] : memref<2x16384xf32, #tpu.memory_space<vmem>> -> memref<1x16384xf32, #tpu.memory_space<vmem>>
        %parallel_loop3A_646 = tpu.memref_squeeze %parallel_loop3A_645 : memref<1x16384xf32, #tpu.memory_space<vmem>> -> memref<16384xf32, #tpu.memory_space<vmem>>
        tpu.vector_store_idx %parallel_loop3A_646[%parallel_loop3A_643], %parallel_loop3A_642 : memref<16384xf32, #tpu.memory_space<vmem>>[vector<16xi32>], vector<16xf32>,
        %parallel_loop3A_647 = arith.addi %parallel_loop3A_551, %and3A_79 : vector<16xi32>
        %parallel_loop3A_648 = tpu.memref_slice %arg8[%mul3A_396] : memref<64512xf32, #tpu.memory_space<vmem>> -> memref<64464xf32, #tpu.memory_space<vmem>>
        %parallel_loop3A_649 = tpu.vector_load_idx %parallel_loop3A_648[%parallel_loop3A_647] : memref<64464xf32, #tpu.memory_space<vmem>>[vector<16xi32>], vector<16xf32>,
        %parallel_loop3A_650 = arith.addi %parallel_loop3A_562, %add3A_265 : vector<16xi32>
        %parallel_loop3A_651 = arith.constant 0 : i32
        %parallel_loop3A_652 = tpu.memref_slice %arg14[%parallel_loop3A_421, %parallel_loop3A_651] : memref<2x16384xf32, #tpu.memory_space<vmem>> -> memref<1x16384xf32, #tpu.memory_space<vmem>>
        %parallel_loop3A_653 = tpu.memref_squeeze %parallel_loop3A_652 : memref<1x16384xf32, #tpu.memory_space<vmem>> -> memref<16384xf32, #tpu.memory_space<vmem>>
        tpu.vector_store_idx %parallel_loop3A_653[%parallel_loop3A_650], %parallel_loop3A_649 : memref<16384xf32, #tpu.memory_space<vmem>>[vector<16xi32>], vector<16xf32>,
        %parallel_loop3A_654 = arith.addi %parallel_loop3A_551, %and3A_85 : vector<16xi32>
        %parallel_loop3A_655 = tpu.memref_slice %arg8[%mul3A_396] : memref<64512xf32, #tpu.memory_space<vmem>> -> memref<64464xf32, #tpu.memory_space<vmem>>
        %parallel_loop3A_656 = tpu.vector_load_idx %parallel_loop3A_655[%parallel_loop3A_654] : memref<64464xf32, #tpu.memory_space<vmem>>[vector<16xi32>], vector<16xf32>,
        %parallel_loop3A_657 = arith.addi %parallel_loop3A_562, %add3A_278 : vector<16xi32>
        %parallel_loop3A_658 = arith.constant 0 : i32
        %parallel_loop3A_659 = tpu.memref_slice %arg14[%parallel_loop3A_421, %parallel_loop3A_658] : memref<2x16384xf32, #tpu.memory_space<vmem>> -> memref<1x16384xf32, #tpu.memory_space<vmem>>
        %parallel_loop3A_660 = tpu.memref_squeeze %parallel_loop3A_659 : memref<1x16384xf32, #tpu.memory_space<vmem>> -> memref<16384xf32, #tpu.memory_space<vmem>>
        tpu.vector_store_idx %parallel_loop3A_660[%parallel_loop3A_657], %parallel_loop3A_656 : memref<16384xf32, #tpu.memory_space<vmem>>[vector<16xi32>], vector<16xf32>,
        %parallel_loop3A_661 = arith.addi %parallel_loop3A_551, %and3A_91 : vector<16xi32>
        %parallel_loop3A_662 = tpu.memref_slice %arg8[%mul3A_396] : memref<64512xf32, #tpu.memory_space<vmem>> -> memref<64464xf32, #tpu.memory_space<vmem>>
        %parallel_loop3A_663 = tpu.vector_load_idx %parallel_loop3A_662[%parallel_loop3A_661] : memref<64464xf32, #tpu.memory_space<vmem>>[vector<16xi32>], vector<16xf32>,
        %parallel_loop3A_664 = arith.addi %parallel_loop3A_562, %add3A_291 : vector<16xi32>
        %parallel_loop3A_665 = arith.constant 0 : i32
        %parallel_loop3A_666 = tpu.memref_slice %arg14[%parallel_loop3A_421, %parallel_loop3A_665] : memref<2x16384xf32, #tpu.memory_space<vmem>> -> memref<1x16384xf32, #tpu.memory_space<vmem>>
        %parallel_loop3A_667 = tpu.memref_squeeze %parallel_loop3A_666 : memref<1x16384xf32, #tpu.memory_space<vmem>> -> memref<16384xf32, #tpu.memory_space<vmem>>
        tpu.vector_store_idx %parallel_loop3A_667[%parallel_loop3A_664], %parallel_loop3A_663 : memref<16384xf32, #tpu.memory_space<vmem>>[vector<16xi32>], vector<16xf32>,
        %parallel_loop3A_668 = arith.addi %parallel_loop3A_551, %and3A_97 : vector<16xi32>
        %parallel_loop3A_669 = tpu.memref_slice %arg8[%mul3A_396] : memref<64512xf32, #tpu.memory_space<vmem>> -> memref<64464xf32, #tpu.memory_space<vmem>>
        %parallel_loop3A_670 = tpu.vector_load_idx %parallel_loop3A_669[%parallel_loop3A_668] : memref<64464xf32, #tpu.memory_space<vmem>>[vector<16xi32>], vector<16xf32>,
        %parallel_loop3A_671 = arith.addi %parallel_loop3A_562, %add3A_304 : vector<16xi32>
        %parallel_loop3A_672 = arith.constant 0 : i32
        %parallel_loop3A_673 = tpu.memref_slice %arg14[%parallel_loop3A_421, %parallel_loop3A_672] : memref<2x16384xf32, #tpu.memory_space<vmem>> -> memref<1x16384xf32, #tpu.memory_space<vmem>>
        %parallel_loop3A_674 = tpu.memref_squeeze %parallel_loop3A_673 : memref<1x16384xf32, #tpu.memory_space<vmem>> -> memref<16384xf32, #tpu.memory_space<vmem>>
        tpu.vector_store_idx %parallel_loop3A_674[%parallel_loop3A_671], %parallel_loop3A_670 : memref<16384xf32, #tpu.memory_space<vmem>>[vector<16xi32>], vector<16xf32>,
      } {sc.loop_unroll_factor = 4 : i64, sc.parallel_access}
      %mul3A_422 = arith.constant 32768 : i32
      %mul3A_423 = arith.muli %add3A_388, %mul3A_422 : i32
      %mul3A_424 = arith.constant 8192 : i32
      %mul3A_425 = arith.muli %and3A_390, %mul3A_424 : i32
      %add3A_426 = arith.addi %mul3A_423, %mul3A_425 : i32
      %dma_start3A = arith.constant 0 : i32
      %dma_start3A_427 = arith.constant 0 : i32
      %dma_start3A_428 = tpu.memref_slice %arg14[%dma_start3A, %dma_start3A_427] : memref<2x16384xf32, #tpu.memory_space<vmem>> -> memref<1x16384xf32, #tpu.memory_space<vmem>>
      %dma_start3A_429 = tpu.memref_squeeze %dma_start3A_428 : memref<1x16384xf32, #tpu.memory_space<vmem>> -> memref<16384xf32, #tpu.memory_space<vmem>>
      %dma_start3A_430 = arith.constant 0 : i32
      %dma_start3A_431 = tpu.memref_slice %dma_start3A_429[%dma_start3A_430] : memref<16384xf32, #tpu.memory_space<vmem>> -> memref<8192xf32, #tpu.memory_space<vmem>>
      %dma_start3A_432 = tpu.memref_slice %arg7[%add3A_426] : memref<52428800xf32, #tpu.memory_space<hbm>> -> memref<8192xf32, #tpu.memory_space<hbm>>
      %dma_start3A_433 = tpu.memref_slice %arg7[%add3A_426] : memref<52428800xf32, #tpu.memory_space<hbm>> -> memref<8192xf32, #tpu.memory_space<hbm>>
      %dma_start3A_434 = arith.constant 0 : i32
      %dma_start3A_435 = tpu.memref_slice %arg14[%dma_start3A, %dma_start3A_434] : memref<2x16384xf32, #tpu.memory_space<vmem>> -> memref<1x16384xf32, #tpu.memory_space<vmem>>
      %dma_start3A_436 = tpu.memref_squeeze %dma_start3A_435 : memref<1x16384xf32, #tpu.memory_space<vmem>> -> memref<16384xf32, #tpu.memory_space<vmem>>
      %dma_start3A_437 = arith.constant 0 : i32
      %dma_start3A_438 = tpu.memref_slice %dma_start3A_436[%dma_start3A_437] : memref<16384xf32, #tpu.memory_space<vmem>> -> memref<8192xf32, #tpu.memory_space<vmem>>
      tpu.enqueue_dma source(%dma_start3A_438 : memref<8192xf32, #tpu.memory_space<vmem>>) target(%dma_start3A_433 : memref<8192xf32, #tpu.memory_space<hbm>>) target_semaphore(%arg15 : memref<!tpu.dma_semaphore, #tpu.memory_space<semaphore_mem>>)
      %add3A_439 = arith.constant 1 : i32
      %add3A_440 = arith.addi %add3A_388, %add3A_439 : i32
      %mul3A_441 = arith.constant 32768 : i32
      %mul3A_442 = arith.muli %add3A_440, %mul3A_441 : i32
      %mul3A_443 = arith.constant 8192 : i32
      %mul3A_444 = arith.muli %and3A_390, %mul3A_443 : i32
      %add3A_445 = arith.addi %mul3A_442, %mul3A_444 : i32
      %dma_start3A_446 = arith.constant 0 : i32
      %dma_start3A_447 = arith.constant 0 : i32
      %dma_start3A_448 = tpu.memref_slice %arg14[%dma_start3A_446, %dma_start3A_447] : memref<2x16384xf32, #tpu.memory_space<vmem>> -> memref<1x16384xf32, #tpu.memory_space<vmem>>
      %dma_start3A_449 = tpu.memref_squeeze %dma_start3A_448 : memref<1x16384xf32, #tpu.memory_space<vmem>> -> memref<16384xf32, #tpu.memory_space<vmem>>
      %dma_start3A_450 = arith.constant 8192 : i32
      %dma_start3A_451 = tpu.memref_slice %dma_start3A_449[%dma_start3A_450] : memref<16384xf32, #tpu.memory_space<vmem>> -> memref<8192xf32, #tpu.memory_space<vmem>>
      %dma_start3A_452 = tpu.memref_slice %arg7[%add3A_445] : memref<52428800xf32, #tpu.memory_space<hbm>> -> memref<8192xf32, #tpu.memory_space<hbm>>
      %dma_start3A_453 = tpu.memref_slice %arg7[%add3A_445] : memref<52428800xf32, #tpu.memory_space<hbm>> -> memref<8192xf32, #tpu.memory_space<hbm>>
      %dma_start3A_454 = arith.constant 0 : i32
      %dma_start3A_455 = tpu.memref_slice %arg14[%dma_start3A_446, %dma_start3A_454] : memref<2x16384xf32, #tpu.memory_space<vmem>> -> memref<1x16384xf32, #tpu.memory_space<vmem>>
      %dma_start3A_456 = tpu.memref_squeeze %dma_start3A_455 : memref<1x16384xf32, #tpu.memory_space<vmem>> -> memref<16384xf32, #tpu.memory_space<vmem>>
      %dma_start3A_457 = arith.constant 8192 : i32
      %dma_start3A_458 = tpu.memref_slice %dma_start3A_456[%dma_start3A_457] : memref<16384xf32, #tpu.memory_space<vmem>> -> memref<8192xf32, #tpu.memory_space<vmem>>
      tpu.enqueue_dma source(%dma_start3A_458 : memref<8192xf32, #tpu.memory_space<vmem>>) target(%dma_start3A_453 : memref<8192xf32, #tpu.memory_space<hbm>>) target_semaphore(%arg15 : memref<!tpu.dma_semaphore, #tpu.memory_space<semaphore_mem>>)
      %mul3A_459 = arith.constant 2 : i32
      %mul3A_460 = arith.muli %scan3A_379, %mul3A_459 : i32
      %add3A_461 = arith.constant 1 : i32
      %add3A_462 = arith.addi %mul3A_460, %add3A_461 : i32
      %shift_right_arithmetic3A_463 = arith.constant 2 : i32
      %shift_right_arithmetic3A_464 = arith.shrsi %add3A_462, %shift_right_arithmetic3A_463 : i32
      %mul3A_465 = arith.constant 2 : i32
      %mul3A_466 = arith.muli %shift_right_arithmetic3A_464, %mul3A_465 : i32
      %add3A_467 = arith.addi %mul3A_2, %mul3A_466 : i32
      %and3A_468 = arith.constant 3 : i32
      %and3A_469 = arith.andi %add3A_462, %and3A_468 : i32
      %shift_right_arithmetic3A_470 = arith.constant 3 : i32
      %shift_right_arithmetic3A_471 = arith.shrsi %add3A_467, %shift_right_arithmetic3A_470 : i32
      %and3A_472 = arith.constant 7 : i32
      %and3A_473 = arith.andi %add3A_467, %and3A_472 : i32
      %mul3A_474 = arith.constant 8 : i32
      %mul3A_475 = arith.muli %and3A_473, %mul3A_474 : i32
      %mul3A_476 = arith.constant 1024 : i32
      %mul3A_477 = arith.muli %and3A_469, %mul3A_476 : i32
      %shift_right_arithmetic3A_478 = arith.constant 3 : i32
      %shift_right_arithmetic3A_479 = arith.shrsi %mul3A_2, %shift_right_arithmetic3A_478 : i32
      %xor3A_480 = arith.xori %shift_right_arithmetic3A_471, %shift_right_arithmetic3A_479 : i32
      %and3A_481 = arith.constant 1 : i32
      %and3A_482 = arith.andi %xor3A_480, %and3A_481 : i32
      %mul3A_483 = arith.constant 4096 : i32
      %mul3A_484 = arith.muli %and3A_482, %mul3A_483 : i32
      %and3A_485 = arith.constant 7 : i32
      %and3A_486 = arith.andi %add3A_467, %and3A_485 : i32
      %eq3A_487 = arith.constant 0 : i32
      %eq3A_488 = arith.cmpi eq, %and3A_486, %eq3A_487 : i32
      %eq3A_489 = arith.constant 0 : i32
      %eq3A_490 = arith.cmpi eq, %and3A_469, %eq3A_489 : i32
      %and3A_491 = arith.andi %eq3A_488, %eq3A_490 : i1
      %eq3A_492 = arith.constant 0 : i32
      %eq3A_493 = arith.cmpi eq, %add3A_462, %eq3A_492 : i32
      %or3A_494 = arith.ori %and3A_491, %eq3A_493 : i1
      %convert_element_type3A_495 = arith.extui %or3A_494 : i1 to i32
      %cond3A_496 = arith.constant 0 : i32
      %cond3A_497 = arith.cmpi ne, %convert_element_type3A_495, %cond3A_496 : i32
      scf.if %cond3A_497 {
        %gt3A_546 = arith.constant 0 : i32
        %gt3A_547 = arith.cmpi sgt, %add3A_462, %gt3A_546 : i32
        %convert_element_type3A_548 = arith.extui %gt3A_547 : i1 to i32
        %cond3A_549 = arith.constant 0 : i32
        %cond3A_550 = arith.cmpi ne, %convert_element_type3A_548, %cond3A_549 : i32
        scf.if %cond3A_550 {
          %dma_wait3A_559 = arith.constant 0 : i32
          %dma_wait3A_560 = tpu.memref_slice %arg11[%dma_wait3A_559] : memref<8192xi32, #tpu.memory_space<vmem>> -> memref<4096xi32, #tpu.memory_space<vmem>>
          %dma_wait3A_561 = arith.constant 0 : i32
          %dma_wait3A_562 = tpu.memref_slice %arg3[%dma_wait3A_561] : memref<819200xi32, #tpu.memory_space<hbm>> -> memref<4096xi32, #tpu.memory_space<hbm>>
          %dma_wait3A_563 = arith.constant 0 : i32
          %dma_wait3A_564 = tpu.memref_slice %arg11[%dma_wait3A_563] : memref<8192xi32, #tpu.memory_space<vmem>> -> memref<4096xi32, #tpu.memory_space<vmem>>
          %dma_wait3A_565 = arith.constant 0 : i32
          %dma_wait3A_566 = tpu.memref_slice %arg3[%dma_wait3A_565] : memref<819200xi32, #tpu.memory_space<hbm>> -> memref<4096xi32, #tpu.memory_space<hbm>>
          tpu.wait_dma2 semaphore(%arg17 : memref<!tpu.dma_semaphore, #tpu.memory_space<semaphore_mem>>) src(%dma_wait3A_566 : memref<4096xi32, #tpu.memory_space<hbm>>) dst(%dma_wait3A_564 : memref<4096xi32, #tpu.memory_space<vmem>>)
        } else {
        }
        %lt3A = vector.broadcast %shift_right_arithmetic3A_471 : i32 to vector<16xi32>
        %lt3A_551 = arith.cmpi slt, %lt3A, %get3A_314 : vector<16xi32>
        %parallel_loop3A_552 = arith.constant 0 : i32
        %parallel_loop3A_553 = arith.constant 256 : i32
        %parallel_loop3A_554 = arith.constant 1 : i32
        scf.for %parallel_loop3A_559 = %parallel_loop3A_552 to %parallel_loop3A_553 step %parallel_loop3A_554  : i32 {
          %parallel_loop3A_560 = arith.constant 16 : i32
          %parallel_loop3A_561 = arith.muli %parallel_loop3A_559, %parallel_loop3A_560 : i32
          %parallel_loop3A_562 = arith.addi %mul3A_484, %parallel_loop3A_561 : i32
          %parallel_loop3A_563 = arith.index_cast %parallel_loop3A_562 : i32 to index
          %parallel_loop3A_564 = tpu.vector_load %arg11[%parallel_loop3A_563] {strides = array<i32>} : memref<8192xi32, #tpu.memory_space<vmem>>, vector<16xi32>,
          %parallel_loop3A_565 = tpu.vector_load_idx %arg9[%parallel_loop3A_564] : memref<1000xi32, #tpu.memory_space<vmem>>[vector<16xi32>], vector<16xi32>,
          %parallel_loop3A_566 = arith.index_cast %parallel_loop3A_561 : i32 to index
          %parallel_loop3A_567 = tpu.vector_load %arg10[%parallel_loop3A_566] {strides = array<i32>} : memref<4096xi32, #tpu.memory_space<vmem>>, vector<16xi32>,
          %parallel_loop3A_568 = vector.broadcast %shift_right_arithmetic3A_471 : i32 to vector<16xi32>
          %parallel_loop3A_569 = arith.cmpi slt, %parallel_loop3A_568, %parallel_loop3A_567 : vector<16xi32>
          %parallel_loop3A_570 = arith.andi %parallel_loop3A_569, %lt3A_551 : vector<16xi1>
          %parallel_loop3A_571 = arith.constant 1000 : i32
          %parallel_loop3A_572 = vector.broadcast %parallel_loop3A_571 : i32 to vector<16xi32>
          %parallel_loop3A_573 = arith.select %parallel_loop3A_570, %parallel_loop3A_565, %parallel_loop3A_572 : vector<16xi1>, vector<16xi32>
          %parallel_loop3A_574 = arith.constant 64 : i32
          %parallel_loop3A_575 = vector.broadcast %parallel_loop3A_574 : i32 to vector<16xi32>
          %parallel_loop3A_576 = arith.muli %parallel_loop3A_573, %parallel_loop3A_575 : vector<16xi32>
          %parallel_loop3A_577 = arith.index_cast %parallel_loop3A_561 : i32 to index
          %parallel_loop3A_578 = tpu.vector_load %arg12[%parallel_loop3A_577] {strides = array<i32>} : memref<4096xi32, #tpu.memory_space<vmem>>, vector<16xi32>,
          tpu.vector_store %arg12[%parallel_loop3A_577], %parallel_loop3A_576 {strides = array<i32>} : memref<4096xi32, #tpu.memory_space<vmem>>, vector<16xi32>,
        } {sc.loop_unroll_factor = 8 : i64, sc.parallel_access}
        %lt3A_555 = arith.cmpi slt, %shift_right_arithmetic3A_471, %shift_right_arithmetic3A_309 : i32
        %convert_element_type3A_556 = arith.extui %lt3A_555 : i1 to i32
        %cond3A_557 = arith.constant 0 : i32
        %cond3A_558 = arith.cmpi ne, %convert_element_type3A_556, %cond3A_557 : i32
        scf.if %cond3A_558 {
          %add3A_559 = arith.constant 1 : i32
          %add3A_560 = arith.addi %shift_right_arithmetic3A_471, %add3A_559 : i32
          %mul3A_561 = arith.constant 4096 : i32
          %mul3A_562 = arith.muli %add3A_560, %mul3A_561 : i32
          %sub3A_563 = arith.constant 4096 : i32
          %sub3A_564 = arith.subi %sub3A_563, %mul3A_484 : i32
          %dma_start3A_565 = tpu.memref_slice %arg11[%sub3A_564] : memref<8192xi32, #tpu.memory_space<vmem>> -> memref<4096xi32, #tpu.memory_space<vmem>>
          %dma_start3A_566 = tpu.memref_slice %arg3[%mul3A_562] : memref<819200xi32, #tpu.memory_space<hbm>> -> memref<4096xi32, #tpu.memory_space<hbm>>
          %dma_start3A_567 = tpu.memref_slice %arg11[%sub3A_564] : memref<8192xi32, #tpu.memory_space<vmem>> -> memref<4096xi32, #tpu.memory_space<vmem>>
          %dma_start3A_568 = tpu.memref_slice %arg3[%mul3A_562] : memref<819200xi32, #tpu.memory_space<hbm>> -> memref<4096xi32, #tpu.memory_space<hbm>>
          tpu.enqueue_dma source(%dma_start3A_568 : memref<4096xi32, #tpu.memory_space<hbm>>) target(%dma_start3A_567 : memref<4096xi32, #tpu.memory_space<vmem>>) target_semaphore(%arg17 : memref<!tpu.dma_semaphore, #tpu.memory_space<semaphore_mem>>)
        } else {
        }
      } else {
      }
      %gt3A_498 = arith.constant 0 : i32
      %gt3A_499 = arith.cmpi sgt, %scan3A_379, %gt3A_498 : i32
      %convert_element_type3A_500 = arith.extui %gt3A_499 : i1 to i32
      %cond3A_501 = arith.constant 1 : i32
      %cond3A_502 = arith.constant 0 : i32
      %cond3A_503 = arith.cmpi ne, %convert_element_type3A_500, %cond3A_502 : i32
      scf.if %cond3A_503 {
        %dma_wait3A_546 = arith.constant 0 : i32
        %dma_wait3A_547 = tpu.memref_slice %arg14[%cond3A_501, %dma_wait3A_546] : memref<2x16384xf32, #tpu.memory_space<vmem>> -> memref<1x16384xf32, #tpu.memory_space<vmem>>
        %dma_wait3A_548 = tpu.memref_squeeze %dma_wait3A_547 : memref<1x16384xf32, #tpu.memory_space<vmem>> -> memref<16384xf32, #tpu.memory_space<vmem>>
        %dma_wait3A_549 = arith.constant 0 : i32
        %dma_wait3A_550 = tpu.memref_slice %dma_wait3A_548[%dma_wait3A_549] : memref<16384xf32, #tpu.memory_space<vmem>> -> memref<8192xf32, #tpu.memory_space<vmem>>
        %dma_wait3A_551 = arith.constant 0 : i32
        %dma_wait3A_552 = tpu.memref_slice %arg7[%dma_wait3A_551] : memref<52428800xf32, #tpu.memory_space<hbm>> -> memref<8192xf32, #tpu.memory_space<hbm>>
        %dma_wait3A_553 = arith.constant 0 : i32
        %dma_wait3A_554 = tpu.memref_slice %arg7[%dma_wait3A_553] : memref<52428800xf32, #tpu.memory_space<hbm>> -> memref<8192xf32, #tpu.memory_space<hbm>>
        %dma_wait3A_555 = arith.constant 0 : i32
        %dma_wait3A_556 = tpu.memref_slice %arg14[%cond3A_501, %dma_wait3A_555] : memref<2x16384xf32, #tpu.memory_space<vmem>> -> memref<1x16384xf32, #tpu.memory_space<vmem>>
        %dma_wait3A_557 = tpu.memref_squeeze %dma_wait3A_556 : memref<1x16384xf32, #tpu.memory_space<vmem>> -> memref<16384xf32, #tpu.memory_space<vmem>>
        %dma_wait3A_558 = arith.constant 0 : i32
        %dma_wait3A_559 = tpu.memref_slice %dma_wait3A_557[%dma_wait3A_558] : memref<16384xf32, #tpu.memory_space<vmem>> -> memref<8192xf32, #tpu.memory_space<vmem>>
        tpu.wait_dma2 semaphore(%arg16 : memref<!tpu.dma_semaphore, #tpu.memory_space<semaphore_mem>>) src(%dma_wait3A_559 : memref<8192xf32, #tpu.memory_space<vmem>>) dst(%dma_wait3A_554 : memref<8192xf32, #tpu.memory_space<hbm>>)
        %dma_wait3A_560 = arith.constant 0 : i32
        %dma_wait3A_561 = tpu.memref_slice %arg14[%cond3A_501, %dma_wait3A_560] : memref<2x16384xf32, #tpu.memory_space<vmem>> -> memref<1x16384xf32, #tpu.memory_space<vmem>>
        %dma_wait3A_562 = tpu.memref_squeeze %dma_wait3A_561 : memref<1x16384xf32, #tpu.memory_space<vmem>> -> memref<16384xf32, #tpu.memory_space<vmem>>
        %dma_wait3A_563 = arith.constant 0 : i32
        %dma_wait3A_564 = tpu.memref_slice %dma_wait3A_562[%dma_wait3A_563] : memref<16384xf32, #tpu.memory_space<vmem>> -> memref<8192xf32, #tpu.memory_space<vmem>>
        %dma_wait3A_565 = arith.constant 0 : i32
        %dma_wait3A_566 = tpu.memref_slice %arg7[%dma_wait3A_565] : memref<52428800xf32, #tpu.memory_space<hbm>> -> memref<8192xf32, #tpu.memory_space<hbm>>
        %dma_wait3A_567 = arith.constant 0 : i32
        %dma_wait3A_568 = tpu.memref_slice %arg7[%dma_wait3A_567] : memref<52428800xf32, #tpu.memory_space<hbm>> -> memref<8192xf32, #tpu.memory_space<hbm>>
        %dma_wait3A_569 = arith.constant 0 : i32
        %dma_wait3A_570 = tpu.memref_slice %arg14[%cond3A_501, %dma_wait3A_569] : memref<2x16384xf32, #tpu.memory_space<vmem>> -> memref<1x16384xf32, #tpu.memory_space<vmem>>
        %dma_wait3A_571 = tpu.memref_squeeze %dma_wait3A_570 : memref<1x16384xf32, #tpu.memory_space<vmem>> -> memref<16384xf32, #tpu.memory_space<vmem>>
        %dma_wait3A_572 = arith.constant 0 : i32
        %dma_wait3A_573 = tpu.memref_slice %dma_wait3A_571[%dma_wait3A_572] : memref<16384xf32, #tpu.memory_space<vmem>> -> memref<8192xf32, #tpu.memory_space<vmem>>
        tpu.wait_dma2 semaphore(%arg16 : memref<!tpu.dma_semaphore, #tpu.memory_space<semaphore_mem>>) src(%dma_wait3A_573 : memref<8192xf32, #tpu.memory_space<vmem>>) dst(%dma_wait3A_568 : memref<8192xf32, #tpu.memory_space<hbm>>)
      } else {
      }
      %parallel_loop3A_504 = arith.constant 0 : i32
      %parallel_loop3A_505 = arith.constant 64 : i32
      %parallel_loop3A_506 = arith.constant 1 : i32
      %parallel_loop3A_507 = arith.constant 1 : i32
      scf.for %parallel_loop3A_546 = %parallel_loop3A_504 to %parallel_loop3A_505 step %parallel_loop3A_506  : i32 {
        %parallel_loop3A_547 = arith.constant 16 : i32
        %parallel_loop3A_548 = arith.muli %parallel_loop3A_546, %parallel_loop3A_547 : i32
        %parallel_loop3A_549 = arith.addi %mul3A_477, %parallel_loop3A_548 : i32
        %parallel_loop3A_550 = arith.index_cast %parallel_loop3A_549 : i32 to index
        %parallel_loop3A_551 = tpu.vector_load %arg12[%parallel_loop3A_550] {strides = array<i32>} : memref<4096xi32, #tpu.memory_space<vmem>>, vector<16xi32>,
        %parallel_loop3A_552 = arith.constant 3 : i32
        %parallel_loop3A_553 = arith.shrsi %parallel_loop3A_546, %parallel_loop3A_552 : i32
        %parallel_loop3A_554 = arith.constant 1024 : i32
        %parallel_loop3A_555 = arith.muli %parallel_loop3A_553, %parallel_loop3A_554 : i32
        %parallel_loop3A_556 = arith.constant 7 : i32
        %parallel_loop3A_557 = arith.andi %parallel_loop3A_546, %parallel_loop3A_556 : i32
        %parallel_loop3A_558 = arith.constant 16 : i32
        %parallel_loop3A_559 = arith.muli %parallel_loop3A_557, %parallel_loop3A_558 : i32
        %parallel_loop3A_560 = arith.addi %parallel_loop3A_555, %parallel_loop3A_559 : i32
        %parallel_loop3A_561 = vector.broadcast %parallel_loop3A_560 : i32 to vector<16xi32>
        %parallel_loop3A_562 = arith.addi %parallel_loop3A_561, %iota3A : vector<16xi32>
        %parallel_loop3A_563 = arith.addi %parallel_loop3A_551, %and3A_7 : vector<16xi32>
        %parallel_loop3A_564 = tpu.memref_slice %arg8[%mul3A_475] : memref<64512xf32, #tpu.memory_space<vmem>> -> memref<64464xf32, #tpu.memory_space<vmem>>
        %parallel_loop3A_565 = tpu.vector_load_idx %parallel_loop3A_564[%parallel_loop3A_563] : memref<64464xf32, #tpu.memory_space<vmem>>[vector<16xi32>], vector<16xf32>,
        %parallel_loop3A_566 = arith.addi %parallel_loop3A_562, %add3A_109 : vector<16xi32>
        %parallel_loop3A_567 = arith.constant 0 : i32
        %parallel_loop3A_568 = tpu.memref_slice %arg14[%parallel_loop3A_507, %parallel_loop3A_567] : memref<2x16384xf32, #tpu.memory_space<vmem>> -> memref<1x16384xf32, #tpu.memory_space<vmem>>
        %parallel_loop3A_569 = tpu.memref_squeeze %parallel_loop3A_568 : memref<1x16384xf32, #tpu.memory_space<vmem>> -> memref<16384xf32, #tpu.memory_space<vmem>>
        tpu.vector_store_idx %parallel_loop3A_569[%parallel_loop3A_566], %parallel_loop3A_565 : memref<16384xf32, #tpu.memory_space<vmem>>[vector<16xi32>], vector<16xf32>,
        %parallel_loop3A_570 = arith.addi %parallel_loop3A_551, %and3A_13 : vector<16xi32>
        %parallel_loop3A_571 = tpu.memref_slice %arg8[%mul3A_475] : memref<64512xf32, #tpu.memory_space<vmem>> -> memref<64464xf32, #tpu.memory_space<vmem>>
        %parallel_loop3A_572 = tpu.vector_load_idx %parallel_loop3A_571[%parallel_loop3A_570] : memref<64464xf32, #tpu.memory_space<vmem>>[vector<16xi32>], vector<16xf32>,
        %parallel_loop3A_573 = arith.addi %parallel_loop3A_562, %add3A_122 : vector<16xi32>
        %parallel_loop3A_574 = arith.constant 0 : i32
        %parallel_loop3A_575 = tpu.memref_slice %arg14[%parallel_loop3A_507, %parallel_loop3A_574] : memref<2x16384xf32, #tpu.memory_space<vmem>> -> memref<1x16384xf32, #tpu.memory_space<vmem>>
        %parallel_loop3A_576 = tpu.memref_squeeze %parallel_loop3A_575 : memref<1x16384xf32, #tpu.memory_space<vmem>> -> memref<16384xf32, #tpu.memory_space<vmem>>
        tpu.vector_store_idx %parallel_loop3A_576[%parallel_loop3A_573], %parallel_loop3A_572 : memref<16384xf32, #tpu.memory_space<vmem>>[vector<16xi32>], vector<16xf32>,
        %parallel_loop3A_577 = arith.addi %parallel_loop3A_551, %and3A_19 : vector<16xi32>
        %parallel_loop3A_578 = tpu.memref_slice %arg8[%mul3A_475] : memref<64512xf32, #tpu.memory_space<vmem>> -> memref<64464xf32, #tpu.memory_space<vmem>>
        %parallel_loop3A_579 = tpu.vector_load_idx %parallel_loop3A_578[%parallel_loop3A_577] : memref<64464xf32, #tpu.memory_space<vmem>>[vector<16xi32>], vector<16xf32>,
        %parallel_loop3A_580 = arith.addi %parallel_loop3A_562, %add3A_135 : vector<16xi32>
        %parallel_loop3A_581 = arith.constant 0 : i32
        %parallel_loop3A_582 = tpu.memref_slice %arg14[%parallel_loop3A_507, %parallel_loop3A_581] : memref<2x16384xf32, #tpu.memory_space<vmem>> -> memref<1x16384xf32, #tpu.memory_space<vmem>>
        %parallel_loop3A_583 = tpu.memref_squeeze %parallel_loop3A_582 : memref<1x16384xf32, #tpu.memory_space<vmem>> -> memref<16384xf32, #tpu.memory_space<vmem>>
        tpu.vector_store_idx %parallel_loop3A_583[%parallel_loop3A_580], %parallel_loop3A_579 : memref<16384xf32, #tpu.memory_space<vmem>>[vector<16xi32>], vector<16xf32>,
        %parallel_loop3A_584 = arith.addi %parallel_loop3A_551, %and3A_25 : vector<16xi32>
        %parallel_loop3A_585 = tpu.memref_slice %arg8[%mul3A_475] : memref<64512xf32, #tpu.memory_space<vmem>> -> memref<64464xf32, #tpu.memory_space<vmem>>
        %parallel_loop3A_586 = tpu.vector_load_idx %parallel_loop3A_585[%parallel_loop3A_584] : memref<64464xf32, #tpu.memory_space<vmem>>[vector<16xi32>], vector<16xf32>,
        %parallel_loop3A_587 = arith.addi %parallel_loop3A_562, %add3A_148 : vector<16xi32>
        %parallel_loop3A_588 = arith.constant 0 : i32
        %parallel_loop3A_589 = tpu.memref_slice %arg14[%parallel_loop3A_507, %parallel_loop3A_588] : memref<2x16384xf32, #tpu.memory_space<vmem>> -> memref<1x16384xf32, #tpu.memory_space<vmem>>
        %parallel_loop3A_590 = tpu.memref_squeeze %parallel_loop3A_589 : memref<1x16384xf32, #tpu.memory_space<vmem>> -> memref<16384xf32, #tpu.memory_space<vmem>>
        tpu.vector_store_idx %parallel_loop3A_590[%parallel_loop3A_587], %parallel_loop3A_586 : memref<16384xf32, #tpu.memory_space<vmem>>[vector<16xi32>], vector<16xf32>,
        %parallel_loop3A_591 = arith.addi %parallel_loop3A_551, %and3A_31 : vector<16xi32>
        %parallel_loop3A_592 = tpu.memref_slice %arg8[%mul3A_475] : memref<64512xf32, #tpu.memory_space<vmem>> -> memref<64464xf32, #tpu.memory_space<vmem>>
        %parallel_loop3A_593 = tpu.vector_load_idx %parallel_loop3A_592[%parallel_loop3A_591] : memref<64464xf32, #tpu.memory_space<vmem>>[vector<16xi32>], vector<16xf32>,
        %parallel_loop3A_594 = arith.addi %parallel_loop3A_562, %add3A_161 : vector<16xi32>
        %parallel_loop3A_595 = arith.constant 0 : i32
        %parallel_loop3A_596 = tpu.memref_slice %arg14[%parallel_loop3A_507, %parallel_loop3A_595] : memref<2x16384xf32, #tpu.memory_space<vmem>> -> memref<1x16384xf32, #tpu.memory_space<vmem>>
        %parallel_loop3A_597 = tpu.memref_squeeze %parallel_loop3A_596 : memref<1x16384xf32, #tpu.memory_space<vmem>> -> memref<16384xf32, #tpu.memory_space<vmem>>
        tpu.vector_store_idx %parallel_loop3A_597[%parallel_loop3A_594], %parallel_loop3A_593 : memref<16384xf32, #tpu.memory_space<vmem>>[vector<16xi32>], vector<16xf32>,
        %parallel_loop3A_598 = arith.addi %parallel_loop3A_551, %and3A_37 : vector<16xi32>
        %parallel_loop3A_599 = tpu.memref_slice %arg8[%mul3A_475] : memref<64512xf32, #tpu.memory_space<vmem>> -> memref<64464xf32, #tpu.memory_space<vmem>>
        %parallel_loop3A_600 = tpu.vector_load_idx %parallel_loop3A_599[%parallel_loop3A_598] : memref<64464xf32, #tpu.memory_space<vmem>>[vector<16xi32>], vector<16xf32>,
        %parallel_loop3A_601 = arith.addi %parallel_loop3A_562, %add3A_174 : vector<16xi32>
        %parallel_loop3A_602 = arith.constant 0 : i32
        %parallel_loop3A_603 = tpu.memref_slice %arg14[%parallel_loop3A_507, %parallel_loop3A_602] : memref<2x16384xf32, #tpu.memory_space<vmem>> -> memref<1x16384xf32, #tpu.memory_space<vmem>>
        %parallel_loop3A_604 = tpu.memref_squeeze %parallel_loop3A_603 : memref<1x16384xf32, #tpu.memory_space<vmem>> -> memref<16384xf32, #tpu.memory_space<vmem>>
        tpu.vector_store_idx %parallel_loop3A_604[%parallel_loop3A_601], %parallel_loop3A_600 : memref<16384xf32, #tpu.memory_space<vmem>>[vector<16xi32>], vector<16xf32>,
        %parallel_loop3A_605 = arith.addi %parallel_loop3A_551, %and3A_43 : vector<16xi32>
        %parallel_loop3A_606 = tpu.memref_slice %arg8[%mul3A_475] : memref<64512xf32, #tpu.memory_space<vmem>> -> memref<64464xf32, #tpu.memory_space<vmem>>
        %parallel_loop3A_607 = tpu.vector_load_idx %parallel_loop3A_606[%parallel_loop3A_605] : memref<64464xf32, #tpu.memory_space<vmem>>[vector<16xi32>], vector<16xf32>,
        %parallel_loop3A_608 = arith.addi %parallel_loop3A_562, %add3A_187 : vector<16xi32>
        %parallel_loop3A_609 = arith.constant 0 : i32
        %parallel_loop3A_610 = tpu.memref_slice %arg14[%parallel_loop3A_507, %parallel_loop3A_609] : memref<2x16384xf32, #tpu.memory_space<vmem>> -> memref<1x16384xf32, #tpu.memory_space<vmem>>
        %parallel_loop3A_611 = tpu.memref_squeeze %parallel_loop3A_610 : memref<1x16384xf32, #tpu.memory_space<vmem>> -> memref<16384xf32, #tpu.memory_space<vmem>>
        tpu.vector_store_idx %parallel_loop3A_611[%parallel_loop3A_608], %parallel_loop3A_607 : memref<16384xf32, #tpu.memory_space<vmem>>[vector<16xi32>], vector<16xf32>,
        %parallel_loop3A_612 = arith.addi %parallel_loop3A_551, %and3A_49 : vector<16xi32>
        %parallel_loop3A_613 = tpu.memref_slice %arg8[%mul3A_475] : memref<64512xf32, #tpu.memory_space<vmem>> -> memref<64464xf32, #tpu.memory_space<vmem>>
        %parallel_loop3A_614 = tpu.vector_load_idx %parallel_loop3A_613[%parallel_loop3A_612] : memref<64464xf32, #tpu.memory_space<vmem>>[vector<16xi32>], vector<16xf32>,
        %parallel_loop3A_615 = arith.addi %parallel_loop3A_562, %add3A_200 : vector<16xi32>
        %parallel_loop3A_616 = arith.constant 0 : i32
        %parallel_loop3A_617 = tpu.memref_slice %arg14[%parallel_loop3A_507, %parallel_loop3A_616] : memref<2x16384xf32, #tpu.memory_space<vmem>> -> memref<1x16384xf32, #tpu.memory_space<vmem>>
        %parallel_loop3A_618 = tpu.memref_squeeze %parallel_loop3A_617 : memref<1x16384xf32, #tpu.memory_space<vmem>> -> memref<16384xf32, #tpu.memory_space<vmem>>
        tpu.vector_store_idx %parallel_loop3A_618[%parallel_loop3A_615], %parallel_loop3A_614 : memref<16384xf32, #tpu.memory_space<vmem>>[vector<16xi32>], vector<16xf32>,
        %parallel_loop3A_619 = arith.addi %parallel_loop3A_551, %and3A_55 : vector<16xi32>
        %parallel_loop3A_620 = tpu.memref_slice %arg8[%mul3A_475] : memref<64512xf32, #tpu.memory_space<vmem>> -> memref<64464xf32, #tpu.memory_space<vmem>>
        %parallel_loop3A_621 = tpu.vector_load_idx %parallel_loop3A_620[%parallel_loop3A_619] : memref<64464xf32, #tpu.memory_space<vmem>>[vector<16xi32>], vector<16xf32>,
        %parallel_loop3A_622 = arith.addi %parallel_loop3A_562, %add3A_213 : vector<16xi32>
        %parallel_loop3A_623 = arith.constant 0 : i32
        %parallel_loop3A_624 = tpu.memref_slice %arg14[%parallel_loop3A_507, %parallel_loop3A_623] : memref<2x16384xf32, #tpu.memory_space<vmem>> -> memref<1x16384xf32, #tpu.memory_space<vmem>>
        %parallel_loop3A_625 = tpu.memref_squeeze %parallel_loop3A_624 : memref<1x16384xf32, #tpu.memory_space<vmem>> -> memref<16384xf32, #tpu.memory_space<vmem>>
        tpu.vector_store_idx %parallel_loop3A_625[%parallel_loop3A_622], %parallel_loop3A_621 : memref<16384xf32, #tpu.memory_space<vmem>>[vector<16xi32>], vector<16xf32>,
        %parallel_loop3A_626 = arith.addi %parallel_loop3A_551, %and3A_61 : vector<16xi32>
        %parallel_loop3A_627 = tpu.memref_slice %arg8[%mul3A_475] : memref<64512xf32, #tpu.memory_space<vmem>> -> memref<64464xf32, #tpu.memory_space<vmem>>
        %parallel_loop3A_628 = tpu.vector_load_idx %parallel_loop3A_627[%parallel_loop3A_626] : memref<64464xf32, #tpu.memory_space<vmem>>[vector<16xi32>], vector<16xf32>,
        %parallel_loop3A_629 = arith.addi %parallel_loop3A_562, %add3A_226 : vector<16xi32>
        %parallel_loop3A_630 = arith.constant 0 : i32
        %parallel_loop3A_631 = tpu.memref_slice %arg14[%parallel_loop3A_507, %parallel_loop3A_630] : memref<2x16384xf32, #tpu.memory_space<vmem>> -> memref<1x16384xf32, #tpu.memory_space<vmem>>
        %parallel_loop3A_632 = tpu.memref_squeeze %parallel_loop3A_631 : memref<1x16384xf32, #tpu.memory_space<vmem>> -> memref<16384xf32, #tpu.memory_space<vmem>>
        tpu.vector_store_idx %parallel_loop3A_632[%parallel_loop3A_629], %parallel_loop3A_628 : memref<16384xf32, #tpu.memory_space<vmem>>[vector<16xi32>], vector<16xf32>,
        %parallel_loop3A_633 = arith.addi %parallel_loop3A_551, %and3A_67 : vector<16xi32>
        %parallel_loop3A_634 = tpu.memref_slice %arg8[%mul3A_475] : memref<64512xf32, #tpu.memory_space<vmem>> -> memref<64464xf32, #tpu.memory_space<vmem>>
        %parallel_loop3A_635 = tpu.vector_load_idx %parallel_loop3A_634[%parallel_loop3A_633] : memref<64464xf32, #tpu.memory_space<vmem>>[vector<16xi32>], vector<16xf32>,
        %parallel_loop3A_636 = arith.addi %parallel_loop3A_562, %add3A_239 : vector<16xi32>
        %parallel_loop3A_637 = arith.constant 0 : i32
        %parallel_loop3A_638 = tpu.memref_slice %arg14[%parallel_loop3A_507, %parallel_loop3A_637] : memref<2x16384xf32, #tpu.memory_space<vmem>> -> memref<1x16384xf32, #tpu.memory_space<vmem>>
        %parallel_loop3A_639 = tpu.memref_squeeze %parallel_loop3A_638 : memref<1x16384xf32, #tpu.memory_space<vmem>> -> memref<16384xf32, #tpu.memory_space<vmem>>
        tpu.vector_store_idx %parallel_loop3A_639[%parallel_loop3A_636], %parallel_loop3A_635 : memref<16384xf32, #tpu.memory_space<vmem>>[vector<16xi32>], vector<16xf32>,
        %parallel_loop3A_640 = arith.addi %parallel_loop3A_551, %and3A_73 : vector<16xi32>
        %parallel_loop3A_641 = tpu.memref_slice %arg8[%mul3A_475] : memref<64512xf32, #tpu.memory_space<vmem>> -> memref<64464xf32, #tpu.memory_space<vmem>>
        %parallel_loop3A_642 = tpu.vector_load_idx %parallel_loop3A_641[%parallel_loop3A_640] : memref<64464xf32, #tpu.memory_space<vmem>>[vector<16xi32>], vector<16xf32>,
        %parallel_loop3A_643 = arith.addi %parallel_loop3A_562, %add3A_252 : vector<16xi32>
        %parallel_loop3A_644 = arith.constant 0 : i32
        %parallel_loop3A_645 = tpu.memref_slice %arg14[%parallel_loop3A_507, %parallel_loop3A_644] : memref<2x16384xf32, #tpu.memory_space<vmem>> -> memref<1x16384xf32, #tpu.memory_space<vmem>>
        %parallel_loop3A_646 = tpu.memref_squeeze %parallel_loop3A_645 : memref<1x16384xf32, #tpu.memory_space<vmem>> -> memref<16384xf32, #tpu.memory_space<vmem>>
        tpu.vector_store_idx %parallel_loop3A_646[%parallel_loop3A_643], %parallel_loop3A_642 : memref<16384xf32, #tpu.memory_space<vmem>>[vector<16xi32>], vector<16xf32>,
        %parallel_loop3A_647 = arith.addi %parallel_loop3A_551, %and3A_79 : vector<16xi32>
        %parallel_loop3A_648 = tpu.memref_slice %arg8[%mul3A_475] : memref<64512xf32, #tpu.memory_space<vmem>> -> memref<64464xf32, #tpu.memory_space<vmem>>
        %parallel_loop3A_649 = tpu.vector_load_idx %parallel_loop3A_648[%parallel_loop3A_647] : memref<64464xf32, #tpu.memory_space<vmem>>[vector<16xi32>], vector<16xf32>,
        %parallel_loop3A_650 = arith.addi %parallel_loop3A_562, %add3A_265 : vector<16xi32>
        %parallel_loop3A_651 = arith.constant 0 : i32
        %parallel_loop3A_652 = tpu.memref_slice %arg14[%parallel_loop3A_507, %parallel_loop3A_651] : memref<2x16384xf32, #tpu.memory_space<vmem>> -> memref<1x16384xf32, #tpu.memory_space<vmem>>
        %parallel_loop3A_653 = tpu.memref_squeeze %parallel_loop3A_652 : memref<1x16384xf32, #tpu.memory_space<vmem>> -> memref<16384xf32, #tpu.memory_space<vmem>>
        tpu.vector_store_idx %parallel_loop3A_653[%parallel_loop3A_650], %parallel_loop3A_649 : memref<16384xf32, #tpu.memory_space<vmem>>[vector<16xi32>], vector<16xf32>,
        %parallel_loop3A_654 = arith.addi %parallel_loop3A_551, %and3A_85 : vector<16xi32>
        %parallel_loop3A_655 = tpu.memref_slice %arg8[%mul3A_475] : memref<64512xf32, #tpu.memory_space<vmem>> -> memref<64464xf32, #tpu.memory_space<vmem>>
        %parallel_loop3A_656 = tpu.vector_load_idx %parallel_loop3A_655[%parallel_loop3A_654] : memref<64464xf32, #tpu.memory_space<vmem>>[vector<16xi32>], vector<16xf32>,
        %parallel_loop3A_657 = arith.addi %parallel_loop3A_562, %add3A_278 : vector<16xi32>
        %parallel_loop3A_658 = arith.constant 0 : i32
        %parallel_loop3A_659 = tpu.memref_slice %arg14[%parallel_loop3A_507, %parallel_loop3A_658] : memref<2x16384xf32, #tpu.memory_space<vmem>> -> memref<1x16384xf32, #tpu.memory_space<vmem>>
        %parallel_loop3A_660 = tpu.memref_squeeze %parallel_loop3A_659 : memref<1x16384xf32, #tpu.memory_space<vmem>> -> memref<16384xf32, #tpu.memory_space<vmem>>
        tpu.vector_store_idx %parallel_loop3A_660[%parallel_loop3A_657], %parallel_loop3A_656 : memref<16384xf32, #tpu.memory_space<vmem>>[vector<16xi32>], vector<16xf32>,
        %parallel_loop3A_661 = arith.addi %parallel_loop3A_551, %and3A_91 : vector<16xi32>
        %parallel_loop3A_662 = tpu.memref_slice %arg8[%mul3A_475] : memref<64512xf32, #tpu.memory_space<vmem>> -> memref<64464xf32, #tpu.memory_space<vmem>>
        %parallel_loop3A_663 = tpu.vector_load_idx %parallel_loop3A_662[%parallel_loop3A_661] : memref<64464xf32, #tpu.memory_space<vmem>>[vector<16xi32>], vector<16xf32>,
        %parallel_loop3A_664 = arith.addi %parallel_loop3A_562, %add3A_291 : vector<16xi32>
        %parallel_loop3A_665 = arith.constant 0 : i32
        %parallel_loop3A_666 = tpu.memref_slice %arg14[%parallel_loop3A_507, %parallel_loop3A_665] : memref<2x16384xf32, #tpu.memory_space<vmem>> -> memref<1x16384xf32, #tpu.memory_space<vmem>>
        %parallel_loop3A_667 = tpu.memref_squeeze %parallel_loop3A_666 : memref<1x16384xf32, #tpu.memory_space<vmem>> -> memref<16384xf32, #tpu.memory_space<vmem>>
        tpu.vector_store_idx %parallel_loop3A_667[%parallel_loop3A_664], %parallel_loop3A_663 : memref<16384xf32, #tpu.memory_space<vmem>>[vector<16xi32>], vector<16xf32>,
        %parallel_loop3A_668 = arith.addi %parallel_loop3A_551, %and3A_97 : vector<16xi32>
        %parallel_loop3A_669 = tpu.memref_slice %arg8[%mul3A_475] : memref<64512xf32, #tpu.memory_space<vmem>> -> memref<64464xf32, #tpu.memory_space<vmem>>
        %parallel_loop3A_670 = tpu.vector_load_idx %parallel_loop3A_669[%parallel_loop3A_668] : memref<64464xf32, #tpu.memory_space<vmem>>[vector<16xi32>], vector<16xf32>,
        %parallel_loop3A_671 = arith.addi %parallel_loop3A_562, %add3A_304 : vector<16xi32>
        %parallel_loop3A_672 = arith.constant 0 : i32
        %parallel_loop3A_673 = tpu.memref_slice %arg14[%parallel_loop3A_507, %parallel_loop3A_672] : memref<2x16384xf32, #tpu.memory_space<vmem>> -> memref<1x16384xf32, #tpu.memory_space<vmem>>
        %parallel_loop3A_674 = tpu.memref_squeeze %parallel_loop3A_673 : memref<1x16384xf32, #tpu.memory_space<vmem>> -> memref<16384xf32, #tpu.memory_space<vmem>>
        tpu.vector_store_idx %parallel_loop3A_674[%parallel_loop3A_671], %parallel_loop3A_670 : memref<16384xf32, #tpu.memory_space<vmem>>[vector<16xi32>], vector<16xf32>,
      } {sc.loop_unroll_factor = 4 : i64, sc.parallel_access}
      %mul3A_508 = arith.constant 32768 : i32
      %mul3A_509 = arith.muli %add3A_467, %mul3A_508 : i32
      %mul3A_510 = arith.constant 8192 : i32
      %mul3A_511 = arith.muli %and3A_469, %mul3A_510 : i32
      %add3A_512 = arith.addi %mul3A_509, %mul3A_511 : i32
      %dma_start3A_513 = arith.constant 1 : i32
      %dma_start3A_514 = arith.constant 0 : i32
      %dma_start3A_515 = tpu.memref_slice %arg14[%dma_start3A_513, %dma_start3A_514] : memref<2x16384xf32, #tpu.memory_space<vmem>> -> memref<1x16384xf32, #tpu.memory_space<vmem>>
      %dma_start3A_516 = tpu.memref_squeeze %dma_start3A_515 : memref<1x16384xf32, #tpu.memory_space<vmem>> -> memref<16384xf32, #tpu.memory_space<vmem>>
      %dma_start3A_517 = arith.constant 0 : i32
      %dma_start3A_518 = tpu.memref_slice %dma_start3A_516[%dma_start3A_517] : memref<16384xf32, #tpu.memory_space<vmem>> -> memref<8192xf32, #tpu.memory_space<vmem>>
      %dma_start3A_519 = tpu.memref_slice %arg7[%add3A_512] : memref<52428800xf32, #tpu.memory_space<hbm>> -> memref<8192xf32, #tpu.memory_space<hbm>>
      %dma_start3A_520 = tpu.memref_slice %arg7[%add3A_512] : memref<52428800xf32, #tpu.memory_space<hbm>> -> memref<8192xf32, #tpu.memory_space<hbm>>
      %dma_start3A_521 = arith.constant 0 : i32
      %dma_start3A_522 = tpu.memref_slice %arg14[%dma_start3A_513, %dma_start3A_521] : memref<2x16384xf32, #tpu.memory_space<vmem>> -> memref<1x16384xf32, #tpu.memory_space<vmem>>
      %dma_start3A_523 = tpu.memref_squeeze %dma_start3A_522 : memref<1x16384xf32, #tpu.memory_space<vmem>> -> memref<16384xf32, #tpu.memory_space<vmem>>
      %dma_start3A_524 = arith.constant 0 : i32
      %dma_start3A_525 = tpu.memref_slice %dma_start3A_523[%dma_start3A_524] : memref<16384xf32, #tpu.memory_space<vmem>> -> memref<8192xf32, #tpu.memory_space<vmem>>
      tpu.enqueue_dma source(%dma_start3A_525 : memref<8192xf32, #tpu.memory_space<vmem>>) target(%dma_start3A_520 : memref<8192xf32, #tpu.memory_space<hbm>>) target_semaphore(%arg16 : memref<!tpu.dma_semaphore, #tpu.memory_space<semaphore_mem>>)
      %add3A_526 = arith.constant 1 : i32
      %add3A_527 = arith.addi %add3A_467, %add3A_526 : i32
      %mul3A_528 = arith.constant 32768 : i32
      %mul3A_529 = arith.muli %add3A_527, %mul3A_528 : i32
      %mul3A_530 = arith.constant 8192 : i32
      %mul3A_531 = arith.muli %and3A_469, %mul3A_530 : i32
      %add3A_532 = arith.addi %mul3A_529, %mul3A_531 : i32
      %dma_start3A_533 = arith.constant 1 : i32
      %dma_start3A_534 = arith.constant 0 : i32
      %dma_start3A_535 = tpu.memref_slice %arg14[%dma_start3A_533, %dma_start3A_534] : memref<2x16384xf32, #tpu.memory_space<vmem>> -> memref<1x16384xf32, #tpu.memory_space<vmem>>
      %dma_start3A_536 = tpu.memref_squeeze %dma_start3A_535 : memref<1x16384xf32, #tpu.memory_space<vmem>> -> memref<16384xf32, #tpu.memory_space<vmem>>
      %dma_start3A_537 = arith.constant 8192 : i32
      %dma_start3A_538 = tpu.memref_slice %dma_start3A_536[%dma_start3A_537] : memref<16384xf32, #tpu.memory_space<vmem>> -> memref<8192xf32, #tpu.memory_space<vmem>>
      %dma_start3A_539 = tpu.memref_slice %arg7[%add3A_532] : memref<52428800xf32, #tpu.memory_space<hbm>> -> memref<8192xf32, #tpu.memory_space<hbm>>
      %dma_start3A_540 = tpu.memref_slice %arg7[%add3A_532] : memref<52428800xf32, #tpu.memory_space<hbm>> -> memref<8192xf32, #tpu.memory_space<hbm>>
      %dma_start3A_541 = arith.constant 0 : i32
      %dma_start3A_542 = tpu.memref_slice %arg14[%dma_start3A_533, %dma_start3A_541] : memref<2x16384xf32, #tpu.memory_space<vmem>> -> memref<1x16384xf32, #tpu.memory_space<vmem>>
      %dma_start3A_543 = tpu.memref_squeeze %dma_start3A_542 : memref<1x16384xf32, #tpu.memory_space<vmem>> -> memref<16384xf32, #tpu.memory_space<vmem>>
      %dma_start3A_544 = arith.constant 8192 : i32
      %dma_start3A_545 = tpu.memref_slice %dma_start3A_543[%dma_start3A_544] : memref<16384xf32, #tpu.memory_space<vmem>> -> memref<8192xf32, #tpu.memory_space<vmem>>
      tpu.enqueue_dma source(%dma_start3A_545 : memref<8192xf32, #tpu.memory_space<vmem>>) target(%dma_start3A_540 : memref<8192xf32, #tpu.memory_space<hbm>>) target_semaphore(%arg16 : memref<!tpu.dma_semaphore, #tpu.memory_space<semaphore_mem>>)
    }
    %scan3A_319 = arith.constant 50 : i32
    %dma_wait3A = arith.constant 0 : i32
    %dma_wait3A_320 = arith.constant 0 : i32
    %dma_wait3A_321 = tpu.memref_slice %arg14[%dma_wait3A, %dma_wait3A_320] : memref<2x16384xf32, #tpu.memory_space<vmem>> -> memref<1x16384xf32, #tpu.memory_space<vmem>>
    %dma_wait3A_322 = tpu.memref_squeeze %dma_wait3A_321 : memref<1x16384xf32, #tpu.memory_space<vmem>> -> memref<16384xf32, #tpu.memory_space<vmem>>
    %dma_wait3A_323 = arith.constant 0 : i32
    %dma_wait3A_324 = tpu.memref_slice %dma_wait3A_322[%dma_wait3A_323] : memref<16384xf32, #tpu.memory_space<vmem>> -> memref<8192xf32, #tpu.memory_space<vmem>>
    %dma_wait3A_325 = arith.constant 0 : i32
    %dma_wait3A_326 = tpu.memref_slice %arg7[%dma_wait3A_325] : memref<52428800xf32, #tpu.memory_space<hbm>> -> memref<8192xf32, #tpu.memory_space<hbm>>
    %dma_wait3A_327 = arith.constant 0 : i32
    %dma_wait3A_328 = tpu.memref_slice %arg7[%dma_wait3A_327] : memref<52428800xf32, #tpu.memory_space<hbm>> -> memref<8192xf32, #tpu.memory_space<hbm>>
    %dma_wait3A_329 = arith.constant 0 : i32
    %dma_wait3A_330 = tpu.memref_slice %arg14[%dma_wait3A, %dma_wait3A_329] : memref<2x16384xf32, #tpu.memory_space<vmem>> -> memref<1x16384xf32, #tpu.memory_space<vmem>>
    %dma_wait3A_331 = tpu.memref_squeeze %dma_wait3A_330 : memref<1x16384xf32, #tpu.memory_space<vmem>> -> memref<16384xf32, #tpu.memory_space<vmem>>
    %dma_wait3A_332 = arith.constant 0 : i32
    %dma_wait3A_333 = tpu.memref_slice %dma_wait3A_331[%dma_wait3A_332] : memref<16384xf32, #tpu.memory_space<vmem>> -> memref<8192xf32, #tpu.memory_space<vmem>>
    tpu.wait_dma2 semaphore(%arg15 : memref<!tpu.dma_semaphore, #tpu.memory_space<semaphore_mem>>) src(%dma_wait3A_333 : memref<8192xf32, #tpu.memory_space<vmem>>) dst(%dma_wait3A_328 : memref<8192xf32, #tpu.memory_space<hbm>>)
    %dma_wait3A_334 = arith.constant 0 : i32
    %dma_wait3A_335 = arith.constant 0 : i32
    %dma_wait3A_336 = tpu.memref_slice %arg14[%dma_wait3A_334, %dma_wait3A_335] : memref<2x16384xf32, #tpu.memory_space<vmem>> -> memref<1x16384xf32, #tpu.memory_space<vmem>>
    %dma_wait3A_337 = tpu.memref_squeeze %dma_wait3A_336 : memref<1x16384xf32, #tpu.memory_space<vmem>> -> memref<16384xf32, #tpu.memory_space<vmem>>
    %dma_wait3A_338 = arith.constant 0 : i32
    %dma_wait3A_339 = tpu.memref_slice %dma_wait3A_337[%dma_wait3A_338] : memref<16384xf32, #tpu.memory_space<vmem>> -> memref<8192xf32, #tpu.memory_space<vmem>>
    %dma_wait3A_340 = arith.constant 0 : i32
    %dma_wait3A_341 = tpu.memref_slice %arg7[%dma_wait3A_340] : memref<52428800xf32, #tpu.memory_space<hbm>> -> memref<8192xf32, #tpu.memory_space<hbm>>
    %dma_wait3A_342 = arith.constant 0 : i32
    %dma_wait3A_343 = tpu.memref_slice %arg7[%dma_wait3A_342] : memref<52428800xf32, #tpu.memory_space<hbm>> -> memref<8192xf32, #tpu.memory_space<hbm>>
    %dma_wait3A_344 = arith.constant 0 : i32
    %dma_wait3A_345 = tpu.memref_slice %arg14[%dma_wait3A_334, %dma_wait3A_344] : memref<2x16384xf32, #tpu.memory_space<vmem>> -> memref<1x16384xf32, #tpu.memory_space<vmem>>
    %dma_wait3A_346 = tpu.memref_squeeze %dma_wait3A_345 : memref<1x16384xf32, #tpu.memory_space<vmem>> -> memref<16384xf32, #tpu.memory_space<vmem>>
    %dma_wait3A_347 = arith.constant 0 : i32
    %dma_wait3A_348 = tpu.memref_slice %dma_wait3A_346[%dma_wait3A_347] : memref<16384xf32, #tpu.memory_space<vmem>> -> memref<8192xf32, #tpu.memory_space<vmem>>
    tpu.wait_dma2 semaphore(%arg15 : memref<!tpu.dma_semaphore, #tpu.memory_space<semaphore_mem>>) src(%dma_wait3A_348 : memref<8192xf32, #tpu.memory_space<vmem>>) dst(%dma_wait3A_343 : memref<8192xf32, #tpu.memory_space<hbm>>)
    %dma_wait3A_349 = arith.constant 1 : i32
    %dma_wait3A_350 = arith.constant 0 : i32
    %dma_wait3A_351 = tpu.memref_slice %arg14[%dma_wait3A_349, %dma_wait3A_350] : memref<2x16384xf32, #tpu.memory_space<vmem>> -> memref<1x16384xf32, #tpu.memory_space<vmem>>
    %dma_wait3A_352 = tpu.memref_squeeze %dma_wait3A_351 : memref<1x16384xf32, #tpu.memory_space<vmem>> -> memref<16384xf32, #tpu.memory_space<vmem>>
    %dma_wait3A_353 = arith.constant 0 : i32
    %dma_wait3A_354 = tpu.memref_slice %dma_wait3A_352[%dma_wait3A_353] : memref<16384xf32, #tpu.memory_space<vmem>> -> memref<8192xf32, #tpu.memory_space<vmem>>
    %dma_wait3A_355 = arith.constant 0 : i32
    %dma_wait3A_356 = tpu.memref_slice %arg7[%dma_wait3A_355] : memref<52428800xf32, #tpu.memory_space<hbm>> -> memref<8192xf32, #tpu.memory_space<hbm>>
    %dma_wait3A_357 = arith.constant 0 : i32
    %dma_wait3A_358 = tpu.memref_slice %arg7[%dma_wait3A_357] : memref<52428800xf32, #tpu.memory_space<hbm>> -> memref<8192xf32, #tpu.memory_space<hbm>>
    %dma_wait3A_359 = arith.constant 0 : i32
    %dma_wait3A_360 = tpu.memref_slice %arg14[%dma_wait3A_349, %dma_wait3A_359] : memref<2x16384xf32, #tpu.memory_space<vmem>> -> memref<1x16384xf32, #tpu.memory_space<vmem>>
    %dma_wait3A_361 = tpu.memref_squeeze %dma_wait3A_360 : memref<1x16384xf32, #tpu.memory_space<vmem>> -> memref<16384xf32, #tpu.memory_space<vmem>>
    %dma_wait3A_362 = arith.constant 0 : i32
    %dma_wait3A_363 = tpu.memref_slice %dma_wait3A_361[%dma_wait3A_362] : memref<16384xf32, #tpu.memory_space<vmem>> -> memref<8192xf32, #tpu.memory_space<vmem>>
    tpu.wait_dma2 semaphore(%arg16 : memref<!tpu.dma_semaphore, #tpu.memory_space<semaphore_mem>>) src(%dma_wait3A_363 : memref<8192xf32, #tpu.memory_space<vmem>>) dst(%dma_wait3A_358 : memref<8192xf32, #tpu.memory_space<hbm>>)
    %dma_wait3A_364 = arith.constant 1 : i32
    %dma_wait3A_365 = arith.constant 0 : i32
    %dma_wait3A_366 = tpu.memref_slice %arg14[%dma_wait3A_364, %dma_wait3A_365] : memref<2x16384xf32, #tpu.memory_space<vmem>> -> memref<1x16384xf32, #tpu.memory_space<vmem>>
    %dma_wait3A_367 = tpu.memref_squeeze %dma_wait3A_366 : memref<1x16384xf32, #tpu.memory_space<vmem>> -> memref<16384xf32, #tpu.memory_space<vmem>>
    %dma_wait3A_368 = arith.constant 0 : i32
    %dma_wait3A_369 = tpu.memref_slice %dma_wait3A_367[%dma_wait3A_368] : memref<16384xf32, #tpu.memory_space<vmem>> -> memref<8192xf32, #tpu.memory_space<vmem>>
    %dma_wait3A_370 = arith.constant 0 : i32
    %dma_wait3A_371 = tpu.memref_slice %arg7[%dma_wait3A_370] : memref<52428800xf32, #tpu.memory_space<hbm>> -> memref<8192xf32, #tpu.memory_space<hbm>>
    %dma_wait3A_372 = arith.constant 0 : i32
    %dma_wait3A_373 = tpu.memref_slice %arg7[%dma_wait3A_372] : memref<52428800xf32, #tpu.memory_space<hbm>> -> memref<8192xf32, #tpu.memory_space<hbm>>
    %dma_wait3A_374 = arith.constant 0 : i32
    %dma_wait3A_375 = tpu.memref_slice %arg14[%dma_wait3A_364, %dma_wait3A_374] : memref<2x16384xf32, #tpu.memory_space<vmem>> -> memref<1x16384xf32, #tpu.memory_space<vmem>>
    %dma_wait3A_376 = tpu.memref_squeeze %dma_wait3A_375 : memref<1x16384xf32, #tpu.memory_space<vmem>> -> memref<16384xf32, #tpu.memory_space<vmem>>
    %dma_wait3A_377 = arith.constant 0 : i32
    %dma_wait3A_378 = tpu.memref_slice %dma_wait3A_376[%dma_wait3A_377] : memref<16384xf32, #tpu.memory_space<vmem>> -> memref<8192xf32, #tpu.memory_space<vmem>>
    tpu.wait_dma2 semaphore(%arg16 : memref<!tpu.dma_semaphore, #tpu.memory_space<semaphore_mem>>) src(%dma_wait3A_378 : memref<8192xf32, #tpu.memory_space<vmem>>) dst(%dma_wait3A_373 : memref<8192xf32, #tpu.memory_space<hbm>>)
    return
  }
}

module attributes {stable_mosaic.version = 14 : i64} {
  func.func @_tc_body(%arg0: memref<4096x1xi32, #tpu.memory_space<vmem>>, %arg1: memref<1x1xi32, #tpu.memory_space<vmem>>, %arg2: memref<4096x1xi32, #tpu.memory_space<vmem>>, %arg3: memref<4096x200xi32, #tpu.memory_space<vmem>>) attributes {dimension_semantics = [], scalar_prefetch = 0 : i64, scratch_operands = 0 : i64, tpu.core_type = #tpu.core_type<tc>} {
    %get3A = arith.constant 0 : index
    %get3A_0 = arith.constant 0 : index
    %get3A_1 = vector.load %arg0[%get3A, %get3A_0] : memref<4096x1xi32, #tpu.memory_space<vmem>>, vector<4096x1xi32>
    %get3A_2 = arith.constant 0 : index
    %get3A_3 = arith.constant 0 : index
    %get3A_4 = vector.load %arg1[%get3A_2, %get3A_3] : memref<1x1xi32, #tpu.memory_space<vmem>>, vector<1x1xi32>
    %min3A = vector.broadcast %get3A_4 : vector<1x1xi32> to vector<4096x1xi32>
    %min3A_5 = arith.minsi %get3A_1, %min3A : vector<4096x1xi32>
    %min3A_6 = arith.constant 200 : i32
    %min3A_7 = vector.broadcast %min3A_6 : i32 to vector<4096x1xi32>
    %min3A_8 = arith.minsi %min3A_5, %min3A_7 : vector<4096x1xi32>
    %swap3A = arith.constant 0 : index
    %swap3A_9 = arith.constant 0 : index
    %swap3A_10 = vector.load %arg2[%swap3A, %swap3A_9] : memref<4096x1xi32, #tpu.memory_space<vmem>>, vector<4096x1xi32>
    tpu.vector_store %arg2[%swap3A, %swap3A_9], %min3A_8 {strides = array<i32>} : memref<4096x1xi32, #tpu.memory_space<vmem>>, vector<4096x1xi32>,
    %iota3A = tpu.iota {dimensions = array<i32: 1>} : vector<4096x200xi32>
    %lt3A = vector.broadcast %min3A_8 : vector<4096x1xi32> to vector<4096x200xi32>
    %lt3A_11 = arith.cmpi slt, %iota3A, %lt3A : vector<4096x200xi32>
    %swap3A_12 = arith.constant 0 : index
    %swap3A_13 = arith.constant 0 : index
    %swap3A_14 = vector.load %arg3[%swap3A_12, %swap3A_13] : memref<4096x200xi32, #tpu.memory_space<vmem>>, vector<4096x200xi32>
    %swap3A_15 = arith.extui %lt3A_11 : vector<4096x200xi1> to vector<4096x200xi32>
    %swap3A_16 = arith.constant dense<0> : vector<4096x200xi32>
    %swap3A_17 = arith.cmpi ne, %swap3A_14, %swap3A_16 : vector<4096x200xi32>
    tpu.vector_store %arg3[%swap3A_12, %swap3A_13], %swap3A_15 {strides = array<i32>} : memref<4096x200xi32, #tpu.memory_space<vmem>>, vector<4096x200xi32>,
    return
  }
}

</mosaic_0001>

<sc_bundles>
// kernel: kernel.4.cloned.1.call-start
scs
__scs_entry_jumppad:
0x0: {  	(pc) =	sbr.rel $0x88, $3  }
0x1: {  	(tag) =	ssettag $0x0;
	lr =	simm.s32 $0x1  }
0x2: {  	[smem:$0x3F9C] =	sst lr;
	_ =	strace $0xD0000000  }
0x3: {  	_ = 	snop  }
0x4: {  	_ = 	snop  }
0x5: {  	_ = 	snop  }
0x6: {  	_ = 	snop  }
0x7: {  	_ = 	snop  }
__scs_overlays_trampoline_lowered:
0x8: {  	[smem:$0x3FAB] =	sst s0  }
0x9: {  	[smem:$0x3FAC] =	sst s1  }
0xa: {  	[smem:$0x3FAD] =	sst s2  }
0xb: {  	[smem:$0x3FAE] =	sst s3  }
0xc: {  	[smem:$0x3FAF] =	sst s4  }
0xd: {  	[smem:$0x3FB0] =	sst s5  }
0xe: {  	[smem:$0x3FB1] =	sst s6  }
0xf: {  	[smem:$0x3FB2] =	sst s7  }
0x10: {  	[smem:$0x3FB3] =	sst s8  }
0x11: {  	[smem:$0x3FB4] =	sst s9;
	s0 =	simm.s32 @!p0 $0x0  }
0x12: {  	s1 =	sld [smem:$0x3F9A];
	s0 =	simm.s32 @p0 $0x1  }
0x13: {  	[smem:$0x3FB5] =	sst s0;
	s0 =	simm.s32 @!p1 $0x0  }
0x14: {  	s2 =	sld [smem:$0x3F99];
	s0 =	simm.s32 @p1 $0x1  }
0x15: {  	[smem:$0x3FB6] =	sst s0;
	s0 =	simm.s32 @!p2 $0x0  }
0x16: {  	s3 =	sld [smem:$0x3FDB];
	s0 =	simm.s32 @p2 $0x1  }
0x17: {  	s4 =	simm.s32 $0x1BF5;
	[smem:$0x3FB8] =	sst s0  }
0x18: {  	s0 =	sld [smem:$0x3F9B];
	_ =	swait.ge [sflag:s4], $0x0  }
0x19: {  	s7 =	sld [smem:$0x3F9C]  }
0x1a: {  	s8 =	sadd.s32 $0xFFFFE003, lr  }
0x1b: {  	s9 =	sadd.s32 $0xFFFFFEF7, lr;
	s5 =	simm.s32 $0xFFFFFFFF;
	p2 =	slt.u32 s8, $0xFFFFF086  }
0x1c: {  	p1 =	slt.u32 s9, $0xF7A;
	s5 =	simm.s32 @!p2 $0x0  }
0x1d: {  	s5 =	simm.s32 @p1 $0x1;
	p0 =	seq.s32 s7, s2  }
0x1e: {  	s7 =	smul.u32 @!p0 $0xF7A, s2;
	p2 =	seq.s32 @!p0 s5, $0x0  }
0x1f: {  	s9 =	smul.u32 $0xF7A, s1;
	s8 =	simm.s32 @!p0 $0x1BF5;
	p2 =	por !p2, p0  }
0x20: {  	[sflag:s8] =	ssyncset.s32 @!p0 $0xFFFFF086;
	s6 =	sadd.s32 @!p0 s3, s7;
	s7 =	simm.s32 @!p0 $0x108  }
0x21: {  	s3 =	sadd.s32 s3, s9;
	s6 =	sadd.s32 @!p0 $0x88, s6;
	s7 =	simm.s32 @p2 $0x1082  }
0x22: {  	[simem:s7], [sflag:s8] =	dma.local @!p0 [hbm:s6], $0xF7A  }
0x23: {  	s9 =	sor.u32 $0xD0000000, s2;
	s6 =	simm.s32 $0x108;
	_ =	swait.ge @!p0 [sflag:s8], $0x0  }
0x24: {  	s3 =	sadd.s32 $0x88, s3;
	s6 =	simm.s32 @!p1 $0x1082;
	[sflag:s4] =	ssyncset.s32 $0xFFFFF086  }
0x25: {  	[simem:s6], [sflag:s4] =	dma.local [hbm:s3], $0xF7A  }
0x26: {  	[smem:$0x3F9C] =	sst s1;
	(tag) =	ssettag s2;
	_ =	strace s9  }
0x27: {  	s1 =	sld [smem:$0x3FAC]  }
0x28: {  	s2 =	sld [smem:$0x3FAD]  }
0x29: {  	s4 =	sld [smem:$0x3FAF]  }
0x2a: {  	p0 =	seq.s32 s5, $0x0;
	s5 =	sld [smem:$0x3FB0]  }
0x2b: {  	s6 =	sld [smem:$0x3FB1]  }
0x2c: {  	s7 =	sld [smem:$0x3FB2]  }
0x2d: {  	s3 =	simm.s32 $0x108;
	s8 =	sld [smem:$0x3FB3]  }
0x2e: {  	s3 =	simm.s32 @!p0 $0x1082;
	s9 =	sld [smem:$0x3FB4]  }
0x2f: {  	lr =	sadd.s32 s0, s3;
	s0 =	sld [smem:$0x3FAB]  }
0x30: {  	s3 =	sld [smem:$0x3FAE]  }
0x31: {  	[smem:$0x3FB7] =	sst s10  }
0x32: {  	s10 =	sld [smem:$0x3FB5];
	_ =	sdelay $0x3  }
0x33: {  	p0 =	seq.s32 s10, $0x1;
	s10 =	sld [smem:$0x3FB7];
	_ =	sdelay $0x3  }
0x34: {  	[smem:$0x3FB7] =	sst s10  }
0x35: {  	s10 =	sld [smem:$0x3FB6];
	_ =	sdelay $0x3  }
0x36: {  	p1 =	seq.s32 s10, $0x1;
	s10 =	sld [smem:$0x3FB7];
	_ =	sdelay $0x3  }
0x37: {  	[smem:$0x3FB7] =	sst s10  }
0x38: {  	s10 =	sld [smem:$0x3FB8]  }
0x39: {  	_ = 	snop;
	(pc) =	sbr.ind lr, $3  }
0x3a: {  	_ = 	snop  }
0x3b: {  	_ = 	snop  }
0x3c: {  	p2 =	seq.s32 s10, $0x1;
	s10 =	sld [smem:$0x3FB7]  }
0x3d: {  	_ =	shalt  }
0x3e: {  	_ =	shalt  }
0x3f: {  	_ =	shalt  }
0x40: {  	_ =	shalt  }
0x41: {  	_ =	shalt  }
0x42: {  	_ =	shalt  }
0x43: {  	_ =	shalt  }
0x44: {  	_ =	shalt  }
0x45: {  	_ =	shalt  }
0x46: {  	_ =	shalt  }
0x47: {  	_ =	shalt  }
0x48: {  	_ =	shalt  }
0x49: {  	_ =	shalt  }
0x4a: {  	_ =	shalt  }
0x4b: {  	_ =	shalt  }
0x4c: {  	_ =	shalt  }
0x4d: {  	_ =	shalt  }
0x4e: {  	_ =	shalt  }
0x4f: {  	_ =	shalt  }
0x50: {  	_ =	shalt  }
0x51: {  	_ =	shalt  }
0x52: {  	_ =	shalt  }
0x53: {  	_ =	shalt  }
0x54: {  	_ =	shalt  }
0x55: {  	_ =	shalt  }
0x56: {  	_ =	shalt  }
0x57: {  	_ =	shalt  }
0x58: {  	_ =	shalt  }
0x59: {  	_ =	shalt  }
0x5a: {  	_ =	shalt  }
0x5b: {  	_ =	shalt  }
0x5c: {  	_ =	shalt  }
0x5d: {  	_ =	shalt  }
0x5e: {  	_ =	shalt  }
0x5f: {  	_ =	shalt  }
0x60: {  	_ =	shalt  }
0x61: {  	_ =	shalt  }
0x62: {  	_ =	shalt  }
0x63: {  	_ =	shalt  }
0x64: {  	_ =	shalt  }
0x65: {  	_ =	shalt  }
0x66: {  	_ =	shalt  }
0x67: {  	_ =	shalt  }
0x68: {  	_ =	shalt  }
0x69: {  	_ =	shalt  }
0x6a: {  	_ =	shalt  }
0x6b: {  	_ =	shalt  }
0x6c: {  	_ =	shalt  }
0x6d: {  	_ =	shalt  }
0x6e: {  	_ =	shalt  }
0x6f: {  	_ =	shalt  }
0x70: {  	_ =	shalt  }
0x71: {  	_ =	shalt  }
0x72: {  	_ =	shalt  }
0x73: {  	_ =	shalt  }
0x74: {  	_ =	shalt  }
0x75: {  	_ =	shalt  }
0x76: {  	_ =	shalt  }
0x77: {  	_ =	shalt  }
0x78: {  	_ =	shalt  }
0x79: {  	_ =	shalt  }
0x7a: {  	_ =	shalt  }
0x7b: {  	_ =	shalt  }
0x7c: {  	_ =	shalt  }
0x7d: {  	_ =	shalt  }
0x7e: {  	_ =	shalt  }
0x7f: {  	_ =	shalt  }
0x80: {  	_ =	shalt  }
0x81: {  	_ =	shalt  }
0x82: {  	_ =	shalt  }
0x83: {  	_ =	shalt  }
0x84: {  	_ =	shalt  }
0x85: {  	_ =	shalt  }
0x86: {  	_ =	shalt  }
0x87: {  	_ =	shalt  }
.Lfunc_end0:
.L_simem_size_0:
called_computation_lowered:
.L_overlay_start_0:
0x88: {  	s2 =	sld [smem:$0x3FD9]  }
0x89: {  	s3 =	sld [smem:$0x3FFE];
	_ =	sdelay $0x1  }
0x8a: {  	s1 =	srdreg.scid  }
0x8b: {  	s0 =	sand.u32 $0x1, s1  }
0x8c: {  	s14 =	sshll.u32 s0, $0xA;
	s2 =	sadd.s32 s3, s2  }
0x8d: {  	s2 =	sadd.s32 s2, s14  }
0x8e: {  	[smem:$0x3FC3] =	sst s2  }
0x8f: {  	_ = 	snop  }
0x90: {  	s2 =	sld [smem:$0x3FD0];
	_ =	sdelay $0x1  }
0x91: {  	s15 =	sld [smem:$0x3FC8]  }
0x92: {  	s5 =	simm.s32 $0xA;
	s6 =	simm.s32 $0x10;
	s4 =	sld [smem:$0x3FC6]  }
0x93: {  	[smem:s6], [sflag:s5] =	dma.local [hbm:s2], $0x1  }
0x94: {  	_ =	swait.eq [sflag:s5], $0x1  }
0x95: {  	[sflag:s5] =	ssyncset.done $0x0  }
0x96: {  	[sflag:s5] =	ssyncadd.s32 $0xFFFFFFFF  }
0x97: {  	s16 =	sld [smem:$0x10];
	(tm) =	ssettm $0x1  }
0x98: {  	s17 =	sld [smem:$0x3FFB];
	_ =	sdelay $0x3  }
0x99: {  	_ =	strace s17  }
0x9a: {  	s5 =	sld [smem:$0x3FFC];
	_ =	sdelay $0x3  }
0x9b: {  	_ =	strace s5  }
0x9c: {  	s5 =	sld [smem:$0x3FFD];
	_ =	sdelay $0x3  }
0x9d: {  	_ =	strace s5  }
0x9e: {  	_ =	strace $0x8FFFFFFF  }
0x9f: {  	s18 =	sld [smem:$0x3FDB];
	_ =	sdelay $0x1  }
0xa0: {  	s19 =	simm.s32 $_scs_section_size  }
0xa1: {  	s7 =	simm.s32 $_size__tile_overlayer_lowered;
	s8 =	simm.s32 $_tile_overlayer_lowered  }
0xa2: {  	s22 =	simm.s32 $0x1BFF;
	s21 =	sshll.u32 s8, $0x1;
	s5 =	sadd.s32 s19, s18  }
0xa3: {  	s9 =	simm.s32 $0x0;
	s20 =	sshll.u32 s7, $0x1;
	s7 =	sadd.s32 s21, s5  }
0xa4: {  	[timem:s9], [sflag:s22] =	dma.local [hbm:s7], s20  }
0xa5: {  	_ =	swait.ge [sflag:s22], s20  }
0xa6: {  	s6 =	ssub.s32 $0x0, s20;
	[sflag:s22] =	ssyncset.done $0x0  }
0xa7: {  	[sflag:s22] =	ssyncadd.s32 s6;
	_ =	sdelay $0x1  }
0xa8: {  	s23 =	simm.s32 $0x1B8B  }
0xa9: {  	_ =	swait.ge [sflag:s23], $0x1  }
0xaa: {  	[sflag:s23] =	ssyncset.done $0x0  }
0xab: {  	s25 =	simm.s32 $0x1B8E;
	s24 =	sld [smem:$0x3FFE];
	[sflag:s23] =	ssyncadd.s32 $0xFFFFFFFF  }
0xac: {  	s26 =	simm.s32 $execute0_lowered;
	[smem:$0x3FD2] =	sst s25  }
0xad: {  	s7 =	sshll.u32 s26, $0x1;
	_ =	strace $0x80000046;
	[dreg:$0x1] =	wrdreg $0xFFFFFFFF  }
0xae: {  	s28 =	simm.s32 $_size_execute0_lowered;
	s5 =	sadd.s32 s5, s7;
	[dreg:$0x0] =	wrdreg $0x0  }
0xaf: {  	s7 =	sshll.u32 s28, $0x1;
	[dreg:$0x2] =	wrdreg s5  }
0xb0: {  	[dreg:$0x3] =	wrdreg s7  }
0xb1: {  	[dreg:$0x4] =	wrdreg $0xC0  }
0xb2: {  	_ =	task [dreg:s9], $0x5FFFF  }
0xb3: {  	[dreg:$0x1] =	wrdreg $0xFFFFFFFF  }
0xb4: {  	[dreg:$0x0] =	wrdreg $0x60  }
0xb5: {  	[dreg:$0x2] =	wrdreg s24  }
0xb6: {  	[dreg:$0x3] =	wrdreg s15  }
0xb7: {  	[dreg:$0x4] =	wrdreg s4  }
0xb8: {  	[dreg:$0x5] =	wrdreg s16  }
0xb9: {  	[dreg:$0x6] =	wrdreg $0x9  }
0xba: {  	_ =	task.clear_ibuf [dreg:s9], $0x7FFFF;
	_ =	strace $0x90000046  }
0xbb: {  	s29 =	simm.s32 $0x9;
	_ =	strace $0x80000048  }
0xbc: {  	_ =	swait.ge [sflag:s29], $0x1  }
0xbd: {  	[sflag:s29] =	ssyncadd.s32 $0xFFFFFFFF  }
0xbe: {  	_ =	strace $0x90000048  }
0xbf: {  	_ =	sfence  }
0xc0: {  	s30 =	sld [smem:$0x0];
	_ =	sdelay $0x2  }
0xc1: {  	s31 =	sshll.u32 s1, $0xD;
	s1 =	sshrl.u32 s1, $0x2  }
0xc2: {  	s3 =	sand.u32 $0x4000, s31;
	s1 =	sadd.s32 s1, s30  }
0xc3: {  	s0 =	sor.u32 s3, s0;
	s1 =	sshll.u32 s1, $0x11  }
0xc4: {  	s0 =	sor.u32 s1, s0  }
0xc5: {  	s0 =	sadd.s32 $0x8F2B, s0  }
0xc6: {  	[sflag:s0] =	ssyncadd.remote.s32 $0x1  }
0xc7: {  	_ =	sfence.sel $0xFFFF  }
0xc8: {  	[dreg:$0x0] =	wrdreg $0xFFFFFFFF;
	(pc) =	sbr.abs _section_cstart, $3  }
0xc9: {  	[dreg:$0x1] =	wrdreg $0xFFFFFFFF  }
0xca: {  	_ =	task.clear_ibuf [dreg:s9], $0x2FFFF;
	_ =	strace $0x9FFFFFFF  }
0xcb: {  	(tm) =	ssettm $0x7FFFFFFF  }
tec
execute0_lowered:
.L_overlay_start_1:
0x0: {  	(tag) =	ssettag $0x1  }
0x1: {  	v0 =	vimm.s32 $0x238F;
	vm14 =	vcmask $0x300  }
0x2: {  	vm13 =	vcmask $0x704;
	vm12 =	vcmask $0xB08;
	vm11 =	vcmask $0xF0C  }
0x3: {  	vm10 =	vcmask $0x1310;
	vm9 =	vcmask $0x1714;
	vm8 =	vcmask $0x1B18  }
0x4: {  	vm7 =	vcmask $0x1F1C;
	vm6 =	vcmask $0x2320;
	vm4 =	vcmask $0x2724  }
0x5: {  	vm3 =	vcmask $0x2B28;
	v1 =	vimm.s32 $0xF;
	vm2 =	vcmask $0x2F2C  }
0x6: {  	vm0 =	vcmask $0x3330;
	v63 =	vlaneseq.u32;
	vm1 =	vcmask $0x3734  }
0x7: {  	v3 =	vimm.s32 $0xFEDCBA9;
	v4 =	vimm.s32 $0x87654321;
	vm5 =	vcmask $0x3B38  }
0x8: {  	v6 =	vimm.s32 $0x98765432;
	v7 =	vimm.s32 $0x10F;
	v8 =	vimm.s32 $0x18F  }
0x9: {  	v9 =	vimm.s32 $0xA9876543;
	v12 =	vimm.s32 $0x28F;
	v13 =	vimm.s32 $0xCBA98765  }
0xa: {  	v14 =	vimm.s32 $0xDCBA9876;
	v26 =	vimm.s32 $0x76543210;
	v46 =	vimm.s32 $0x30F  }
0xb: {  	v47 =	vimm.s32 $0x38F;
	v33 =	vimm.s32 $0x208F;
	v55 =	vimm.s32 $0x220F  }
0xc: {  	v59 =	vimm.s32 $0x230F;
	v0 =	vsel vm14, $0x0, v0;
	v1 =	vsel vm14, $0x80, v1  }
0xd: {  	v3 =	vunpack.c.l.s4.s8 v3;
	v4 =	vunpack.c.l.s4.s8 v4;
	v6 =	vunpack.c.l.s4.s8 v6  }
0xe: {  	v8 =	vsel vm14, $0x200, v8;
	v9 =	vunpack.c.l.s4.s8 v9;
	v12 =	vsel vm14, $0x300, v12  }
0xf: {  	v13 =	vunpack.c.l.s4.s8 v13;
	v14 =	vunpack.c.l.s4.s8 v14;
	v26 =	vunpack.c.l.s4.s8 v26  }
0x10: {  	v48 =	vsel vm14, $0x2000, v47;
	v56 =	vsel vm14, $0x2280, v55;
	v0 =	vsel vm13, $0x81, v0  }
0x11: {  	v1 =	vsel vm13, $0x101, v1;
	v8 =	vsel vm13, $0x281, v8;
	v12 =	vsel vm13, $0x381, v12  }
0x12: {  	v0 =	vsel vm12, $0x102, v0;
	v1 =	vsel vm12, $0x182, v1;
	v16 =	vunpack.c.0.s8.s32 v3  }
0x13: {  	v3 =	vimm.s32 $0x8F;
	v17 =	vunpack.c.0.s8.s32 v4;
	v19 =	vunpack.c.0.s8.s32 v6  }
0x14: {  	v21 =	vunpack.c.0.s8.s32 v9;
	v9 =	vimm.s32 $0xBA987654;
	v25 =	vunpack.c.0.s8.s32 v13  }
0x15: {  	v28 =	vunpack.c.0.s8.s32 v14;
	v14 =	vimm.s32 $0xEDCBA987;
	v0 =	vsel vm11, $0x183, v0  }
0x16: {  	v1 =	vsel vm11, $0x203, v1;
	v3 =	vsel vm14, $0x100, v3;
	v9 =	vunpack.c.l.s4.s8 v9  }
0x17: {  	v14 =	vunpack.c.l.s4.s8 v14;
	v0 =	vsel vm10, $0x204, v0;
	v1 =	vsel vm10, $0x284, v1  }
0x18: {  	v3 =	vsel vm13, $0x181, v3;
	v4 =	vcombine.low v17, v16;
	v49 =	vcombine.low v16, v17  }
0x19: {  	v16 =	vimm.s32 $0x200F;
	v0 =	vsel vm9, $0x285, v0;
	v1 =	vsel vm9, $0x305, v1  }
0x1a: {  	v3 =	vsel vm12, $0x202, v3;
	v23 =	vunpack.c.0.s8.s32 v9;
	v35 =	vunpack.c.0.s8.s32 v14  }
0x1b: {  	v16 =	vsel vm14, $0x2080, v16;
	v0 =	vsel vm8, $0x306, v0;
	v1 =	vsel vm8, $0x386, v1  }
0x1c: {  	v3 =	vsel vm11, $0x283, v3;
	v16 =	vsel vm13, $0x2101, v16;
	v32 =	vand.u32 $0xF, v49  }
0x1d: {  	v0 =	vsel vm7, $0x387, v0;
	v1 =	vsel vm7, $0x2007, v1;
	v3 =	vsel vm10, $0x304, v3  }
0x1e: {  	v16 =	vsel vm12, $0x2182, v16;
	v0 =	vsel vm6, $0x2008, v0;
	v1 =	vsel vm6, $0x2088, v1  }
0x1f: {  	v3 =	vsel vm9, $0x385, v3;
	v16 =	vsel vm11, $0x2203, v16;
	v0 =	vsel vm4, $0x2089, v0  }
0x20: {  	v5 =	vsel vm4, $0x2109, v1;
	v1 =	vand.u32 $0xF, v4;
	v3 =	vsel vm8, $0x2006, v3  }
0x21: {  	v16 =	vsel vm10, $0x2284, v16;
	v0 =	vsel vm3, $0x210A, v0;
	v5 =	vsel vm3, $0x218A, v5  }
0x22: {  	v3 =	vsel vm7, $0x2087, v3;
	v16 =	vsel vm9, $0x2305, v16;
	v2 =	vsel vm2, $0x218B, v0  }
0x23: {  	v4 =	vsel vm2, $0x220B, v5;
	v5 =	vimm.s32 $0x10FEDCBA;
	v3 =	vsel vm6, $0x2108, v3  }
0x24: {  	v16 =	vsel vm8, $0x2386, v16;
	v2 =	vsel vm0, $0x220C, v2;
	v5 =	vunpack.c.l.s4.s8 v5  }
0x25: {  	v4 =	vsel vm0, $0x228C, v4;
	v3 =	vsel vm4, $0x2189, v3;
	v16 =	vsel vm7, $0x7, v16  }
0x26: {  	v2 =	vsel vm1, $0x228D, v2;
	v18 =	vunpack.c.0.s8.s32 v5;
	v5 =	vsel vm14, $0x180, v7  }
0x27: {  	v4 =	vsel vm1, $0x230D, v4;
	v3 =	vsel vm3, $0x220A, v3;
	v5 =	vsel vm13, $0x201, v5  }
0x28: {  	v16 =	vsel vm6, $0x88, v16;
	v0 =	vsel vm5, $0x230E, v2;
	v5 =	vsel vm12, $0x282, v5  }
0x29: {  	v7 =	vsel vm2, $0x228B, v3;
	v6 =	vcombine.low v19, v18;
	v5 =	vsel vm11, $0x303, v5  }
0x2a: {  	v2 =	vsel vm5, $0x238E, v4;
	v7 =	vsel vm0, $0x230C, v7;
	v5 =	vsel vm10, $0x384, v5  }
0x2b: {  	v3 =	vand.u32 $0xF, v6;
	v6 =	vsel vm1, $0x238D, v7;
	v7 =	vsel vm9, $0x2005, v5  }
0x2c: {  	v4 =	vsel vm5, $0xE, v6;
	v6 =	vimm.s32 $0x210FEDCB;
	v7 =	vsel vm8, $0x2086, v7  }
0x2d: {  	v16 =	vsel vm4, $0x109, v16;
	v6 =	vunpack.c.l.s4.s8 v6;
	v7 =	vsel vm7, $0x2107, v7  }
0x2e: {  	v16 =	vsel vm3, $0x18A, v16;
	v51 =	vcombine.low v18, v19;
	v7 =	vsel vm6, $0x2188, v7  }
0x2f: {  	v50 =	vsel vm2, $0x20B, v16;
	v20 =	vunpack.c.0.s8.s32 v6;
	v7 =	vsel vm4, $0x2209, v7  }
0x30: {  	v61 =	vand.u32 $0xF, v51;
	v6 =	vsel vm3, $0x228A, v7;
	v7 =	vsel vm12, $0x302, v8  }
0x31: {  	v8 =	vimm.s32 $0x3210FEDC;
	v10 =	vcombine.low v21, v20;
	v52 =	vcombine.low v20, v21  }
0x32: {  	v21 =	vimm.s32 $0x210F;
	v6 =	vsel vm2, $0x230B, v6;
	v7 =	vsel vm11, $0x383, v7  }
0x33: {  	v8 =	vunpack.c.l.s4.s8 v8;
	v21 =	vsel vm14, $0x2180, v21;
	v7 =	vsel vm10, $0x2004, v7  }
0x34: {  	v11 =	vsel vm0, $0x238C, v6;
	v5 =	vand.u32 $0xF, v10;
	v21 =	vsel vm13, $0x2201, v21  }
0x35: {  	v58 =	vand.u32 $0xF, v52;
	v7 =	vsel vm9, $0x2085, v7;
	v22 =	vunpack.c.0.s8.s32 v8  }
0x36: {  	v8 =	vsel vm1, $0xD, v11;
	v11 =	vimm.s32 $0x20F;
	v21 =	vsel vm12, $0x2282, v21  }
0x37: {  	v6 =	vsel vm8, $0x2106, v7;
	v11 =	vsel vm14, $0x280, v11;
	v21 =	vsel vm11, $0x2303, v21  }
0x38: {  	v7 =	vsel vm7, $0x2187, v6;
	v9 =	vcombine.low v23, v22;
	v6 =	vsel vm5, $0x8E, v8  }
0x39: {  	v53 =	vcombine.low v22, v23;
	v22 =	vimm.s32 $0x218F;
	v21 =	vsel vm10, $0x2384, v21  }
0x3a: {  	v7 =	vsel vm6, $0x2208, v7;
	v22 =	vsel vm14, $0x2200, v22;
	v21 =	vsel vm9, $0x5, v21  }
0x3b: {  	v10 =	vsel vm4, $0x2289, v7;
	v7 =	vand.u32 $0xF, v9;
	v22 =	vsel vm13, $0x2281, v22  }
0x3c: {  	v21 =	vsel vm8, $0x86, v21;
	v10 =	vsel vm3, $0x230A, v10;
	v22 =	vsel vm12, $0x2302, v22  }
0x3d: {  	v21 =	vsel vm7, $0x107, v21;
	v9 =	vsel vm2, $0x238B, v10;
	v10 =	vsel vm13, $0x301, v11  }
0x3e: {  	v11 =	vimm.s32 $0x43210FED;
	v22 =	vsel vm11, $0x2383, v22;
	v21 =	vsel vm6, $0x188, v21  }
0x3f: {  	v9 =	vsel vm0, $0xC, v9;
	v10 =	vsel vm12, $0x382, v10;
	v11 =	vunpack.c.l.s4.s8 v11  }
0x40: {  	v22 =	vsel vm10, $0x4, v22;
	v21 =	vsel vm4, $0x209, v21;
	v10 =	vsel vm11, $0x2003, v10  }
0x41: {  	v9 =	vsel vm1, $0x8D, v9;
	v22 =	vsel vm9, $0x85, v22;
	v21 =	vsel vm3, $0x28A, v21  }
0x42: {  	v10 =	vsel vm10, $0x2084, v10;
	v24 =	vunpack.c.0.s8.s32 v11;
	v11 =	vsel vm12, $0x2002, v12  }
0x43: {  	v8 =	vsel vm5, $0x10E, v9;
	v22 =	vsel vm8, $0x106, v22;
	v21 =	vsel vm2, $0x30B, v21  }
0x44: {  	v10 =	vsel vm9, $0x2105, v10;
	v11 =	vsel vm11, $0x2083, v11;
	v22 =	vsel vm7, $0x187, v22  }
0x45: {  	v10 =	vsel vm8, $0x2186, v10;
	v11 =	vsel vm10, $0x2104, v11;
	v12 =	vcombine.low v25, v24  }
0x46: {  	v22 =	vsel vm6, $0x208, v22;
	v54 =	vcombine.low v24, v25;
	v10 =	vsel vm7, $0x2207, v10  }
0x47: {  	v24 =	vand.u32 $0xF, v53;
	v11 =	vsel vm9, $0x2185, v11;
	v10 =	vsel vm6, $0x2288, v10  }
0x48: {  	v22 =	vsel vm4, $0x289, v22;
	v11 =	vsel vm8, $0x2206, v11;
	v10 =	vsel vm4, $0x2309, v10  }
0x49: {  	v9 =	vand.u32 $0xF, v12;
	v11 =	vsel vm7, $0x2287, v11;
	v13 =	vsel vm3, $0x238A, v10  }
0x4a: {  	v11 =	vsel vm6, $0x2308, v11;
	v12 =	vsel vm2, $0xB, v13;
	v13 =	vimm.s32 $0x543210FE  }
0x4b: {  	v11 =	vsel vm4, $0x2389, v11;
	v12 =	vsel vm0, $0x8C, v12;
	v13 =	vunpack.c.l.s4.s8 v13  }
0x4c: {  	v22 =	vsel vm3, $0x30A, v22;
	v15 =	vsel vm3, $0xA, v11;
	v12 =	vsel vm1, $0x10D, v12  }
0x4d: {  	v10 =	vsel vm5, $0x18E, v12;
	v27 =	vunpack.c.0.s8.s32 v13;
	v12 =	vsel vm2, $0x8B, v15  }
0x4e: {  	v13 =	vimm.s32 $0x6543210F;
	v15 =	vimm.s32 $0xFEDCBA98;
	v12 =	vsel vm0, $0x10C, v12  }
0x4f: {  	v13 =	vunpack.c.l.s4.s8 v13;
	v15 =	vunpack.c.l.s4.s8 v15;
	v29 =	vcombine.low v28, v27  }
0x50: {  	v30 =	vsel vm1, $0x18D, v12;
	v28 =	vcombine.low v27, v28;
	v27 =	vimm.s32 $0x228F  }
0x51: {  	v31 =	vunpack.c.0.s8.s32 v13;
	v14 =	vunpack.c.0.s8.s32 v15;
	v12 =	vsel vm5, $0x20E, v30  }
0x52: {  	v15 =	vunpack.c.0.s8.s32 v26;
	v27 =	vsel vm14, $0x2300, v27;
	v11 =	vand.u32 $0xF, v29  }
0x53: {  	v29 =	vsel vm14, $0x380, v46;
	v26 =	vcombine.low v35, v31;
	v14 =	vand.u32 $0xF, v14  }
0x54: {  	v27 =	vsel vm13, $0x2381, v27;
	v20 =	vand.u32 $0xF, v28;
	v13 =	vcombine.low v14, v15  }
0x55: {  	v14 =	vand.u32 $0xF, v26;
	v26 =	vsel vm13, $0x2001, v29;
	v29 =	vsel vm13, $0x2081, v48  }
0x56: {  	v57 =	vcombine.low v31, v35;
	v17 =	vsel vm12, $0x2082, v26;
	v26 =	vsel vm12, $0x2102, v29  }
0x57: {  	v31 =	vsel vm14, $0x2380, v59;
	v27 =	vsel vm12, $0x2, v27;
	v26 =	vsel vm11, $0x2183, v26  }
0x58: {  	v31 =	vsel vm13, $0x1, v31;
	v27 =	vsel vm11, $0x83, v27;
	v26 =	vsel vm10, $0x2204, v26  }
0x59: {  	v31 =	vsel vm12, $0x82, v31;
	v27 =	vsel vm10, $0x104, v27;
	v26 =	vsel vm9, $0x2285, v26  }
0x5a: {  	v29 =	vsel vm13, $0x2301, v56;
	v31 =	vsel vm11, $0x103, v31;
	v26 =	vsel vm8, $0x2306, v26  }
0x5b: {  	v27 =	vsel vm9, $0x185, v27;
	v17 =	vsel vm11, $0x2103, v17;
	v26 =	vsel vm7, $0x2387, v26  }
0x5c: {  	v29 =	vsel vm12, $0x2382, v29;
	v31 =	vsel vm10, $0x184, v31;
	v26 =	vsel vm6, $0x8, v26  }
0x5d: {  	v27 =	vsel vm8, $0x206, v27;
	v17 =	vsel vm10, $0x2184, v17;
	v26 =	vsel vm4, $0x89, v26  }
0x5e: {  	v29 =	vsel vm11, $0x3, v29;
	v31 =	vsel vm9, $0x205, v31;
	v26 =	vsel vm3, $0x10A, v26  }
0x5f: {  	v27 =	vsel vm7, $0x287, v27;
	v17 =	vsel vm9, $0x2205, v17;
	v26 =	vsel vm2, $0x18B, v26  }
0x60: {  	v29 =	vsel vm10, $0x84, v29;
	v31 =	vsel vm8, $0x286, v31;
	v26 =	vsel vm0, $0x20C, v26  }
0x61: {  	v27 =	vsel vm6, $0x308, v27;
	v17 =	vsel vm8, $0x2286, v17;
	v26 =	vsel vm1, $0x28D, v26  }
0x62: {  	v29 =	vsel vm9, $0x105, v29;
	v16 =	vsel vm5, $0x30E, v26;
	v26 =	vsel vm0, $0x28C, v50  }
0x63: {  	v31 =	vsel vm7, $0x307, v31;
	v27 =	vsel vm4, $0x389, v27;
	v26 =	vsel vm1, $0x30D, v26  }
0x64: {  	v17 =	vsel vm7, $0x2307, v17;
	v18 =	vsel vm5, $0x38E, v26;
	v26 =	vsel vm14, $0x2100, v33  }
0x65: {  	v29 =	vsel vm8, $0x186, v29;
	v31 =	vsel vm6, $0x388, v31;
	v26 =	vsel vm13, $0x2181, v26  }
0x66: {  	v27 =	vsel vm3, $0x200A, v27;
	v17 =	vsel vm6, $0x2388, v17;
	v26 =	vsel vm12, $0x2202, v26  }
0x67: {  	v29 =	vsel vm7, $0x207, v29;
	v31 =	vsel vm4, $0x2009, v31;
	v23 =	vsel vm11, $0x2283, v26  }
0x68: {  	v17 =	vsel vm4, $0x9, v17;
	v29 =	vsel vm6, $0x288, v29;
	v23 =	vsel vm10, $0x2304, v23  }
0x69: {  	s0 =	rddreg [dreg:$0x0];
	s1 =	srdreg.scid;
	v31 =	vsel vm3, $0x208A, v31;
	v17 =	vsel vm3, $0x8A, v17;
	v23 =	vsel vm9, $0x2385, v23  }
0x6a: {  	s2 =	stileid.u32;
	s4 =	rddreg [dreg:$0x3];
	v29 =	vsel vm4, $0x309, v29;
	v31 =	vsel vm2, $0x210B, v31;
	v23 =	vsel vm8, $0x6, v23  }
0x6b: {  	s6 =	simm.s32 $0x0;
	s16 =	simm.s32 $0xFC00;
	s21 =	simm.s32 $0x13FF8;
	v17 =	vsel vm2, $0x10B, v17;
	v29 =	vsel vm3, $0x38A, v29;
	v23 =	vsel vm7, $0x87, v23  }
0x6c: {  	s22 =	simm.s32 $0x15FF8;
	s23 =	simm.s32 $0x17FF8;
	s24 =	simm.s32 $0x19FF8;
	v31 =	vsel vm0, $0x218C, v31;
	v17 =	vsel vm0, $0x18C, v17;
	v23 =	vsel vm6, $0x108, v23  }
0x6d: {  	s1 =	sand.u32 $0x1, s1;
	s2 =	sshll.u32 s2, $0x1;
	[smem:$0x7FF] =	sst s6;
	v29 =	vsel vm2, $0x200B, v29;
	v17 =	vsel vm1, $0x20D, v17;
	v23 =	vsel vm4, $0x189, v23  }
0x6e: {  	s20 =	simm.s32 $0x1;
	s2 =	sor.u32 s1, s2;
	_ =	strace $0x80000047;
	[tilespmem:$0x1FF80] =	vst v58;
	v29 =	vsel vm0, $0x208C, v29;
	v15 =	vsel vm5, $0x28E, v17;
	v23 =	vsel vm3, $0x20A, v23  }
0x6f: {  	s3 =	sadd.s32 $0x400, s0;
	s1 =	ssub.s32 $0x2, s1;
	s5 =	smul.u32 $0x32, s2;
	[tilespmem:$0x1FFF0] =	vst v24;
	v29 =	vsel vm1, $0x210D, v29;
	v17 =	vsel vm2, $0x208B, v27;
	v23 =	vsel vm2, $0x28B, v23  }
0x70: {  	s28 =	sadd.s32 $0x1B400, s0;
	[dreg:$0x5] =	wrdreg s3;
	s29 =	sshrl.u32 s1, $0x1;
	[tilespmem:$0x1FF90] =	vst v12;
	v19 =	vsel vm5, $0x218E, v29;
	v60 =	vsel vm0, $0x210C, v17;
	v23 =	vsel vm0, $0x30C, v23  }
0x71: {  	[dreg:$0x6] =	wrdreg s28;
	s1 =	ssub.s32 s1, s29;
	s2 =	sshll.u32 s5, $0x6;
	[tilespmem:$0x1FFA0] =	vst v13;
	v29 =	vsel vm1, $0x218D, v60;
	v26 =	vsel vm0, $0x38C, v21;
	v23 =	vsel vm1, $0x38D, v23  }
0x72: {  	s9 =	sshrl.u32 s5, $0x3;
	s31 =	smax.u32 s1, $0x1;
	s2 =	sand.u32 $0x1FE00, s2;
	[tilespmem:$0x1FFB0] =	vst v14;
	v62 =	vsel vm5, $0x200E, v23;
	v23 =	vsel vm1, $0x200D, v26;
	v26 =	vsel vm2, $0x38B, v22  }
0x73: {  	s30 =	sadd.s32 $0x6, s9;
	[dreg:$0x9] =	wrdreg s31;
	s2 =	sadd.s32 s2, s0;
	v31 =	vsel vm1, $0x220D, v31;
	[tilespmem:$0x1FFC0] =	vst v15;
	v21 =	vsel vm5, $0x220E, v29;
	v26 =	vsel vm0, $0x200C, v26  }
0x74: {  	s12 =	sadd.s32 $0x2600, s0;
	[dreg:$0x7] =	wrdreg s30;
	s2 =	sadd.s32 $0x2400, s2;
	[tilespmem:$0x1FFD0] =	vst v16;
	v22 =	vand.u32 $0xF, v57;
	v34 =	vsel vm5, $0x208E, v23;
	v26 =	vsel vm1, $0x208D, v26  }
0x75: {  	s13 =	sadd.s32 $0x1000, s4;
	[dreg:$0x8] =	wrdreg s2;
	s2 =	simm.s32 $0x0;
	v23 =	vsel vm5, $0x228E, v31;
	[tilespmem:$0x1FFE0] =	vst v34;
	v25 =	vsel vm5, $0x210E, v26;
	v26 =	vand.u32 $0xF, v54  }
.LBB2_1:
0x76: {  	[dreg:$0xa] =	wrdreg s2  }
0x77: {  	s0 =	rddreg [dreg:$0x5];
	s1 =	simm.s32 $0x4  }
0x78: {  	[tilespmem:s6], [sflag:$0x4] =	stream.linear.gather [hbm4b:s0+s6], $0xFC00, $0x38;
	[tilespmem:$0x1BFF8] =	vst v63  }
0x79: {  	_ =	swait.ge [sflag:s1], $0xFC00  }
0x7a: {  	[sflag:s1] =	ssyncset.done $0x0  }
0x7b: {  	[sflag:s1] =	ssyncadd.s32 $0xFFFF0400  }
0x7c: {  	s18 =	rddreg [dreg:$0x2]  }
0x7d: {  	[tilespmem:s16], [sflag:$0x4] =	stream.linear.gather [hbm4b:s18+s6], $0x3E8, $0x38;
	[tilespmem:$0x1BFF8] =	vst v63  }
0x7e: {  	_ =	swait.ge [sflag:s1], $0x3E8  }
0x7f: {  	[sflag:s1] =	ssyncset.done $0x0  }
0x80: {  	[sflag:s1] =	ssyncadd.s32 $0xFFFFFC18  }
0x81: {  	s25 =	simm.s32 $0xFFE8;
	s19 =	rddreg [dreg:$0x1]  }
0x82: {  	[tilespmem:s25], [sflag:$0x4] =	stream.linear.gather [hbm4b:s19+s6], $0x1000, $0x38;
	[tilespmem:$0x1BFF8] =	vst v63  }
0x83: {  	_ =	swait.ge [sflag:s1], $0x1000  }
0x84: {  	[sflag:s1] =	ssyncset.done $0x0  }
0x85: {  	s29 =	simm.s32 $0x13FE8;
	s26 =	rddreg [dreg:$0x6];
	[sflag:s1] =	ssyncadd.s32 $0xFFFFF000  }
0x86: {  	[tilespmem:s29], [sflag:$0x4] =	stream.linear.gather [hbm4b:s26+s6], $0x10, $0x38;
	[tilespmem:$0x1BFF8] =	vst v63  }
0x87: {  	_ =	swait.ge [sflag:s1], $0x10  }
0x88: {  	[sflag:s1] =	ssyncset.done $0x0  }
0x89: {  	s31 =	simm.s32 $0x10FE8;
	s30 =	rddreg [dreg:$0x8];
	[sflag:s1] =	ssyncadd.s32 $0xFFFFFFF0  }
0x8a: {  	[tilespmem:s31], [sflag:$0x4] =	stream.linear.gather [hbm4b:s30+s6], $0x1000, $0x38;
	[tilespmem:$0x1BFF8] =	vst v63  }
0x8b: {  	_ =	swait.ge [sflag:s1], $0x1000  }
0x8c: {  	[sflag:s1] =	ssyncset.done $0x0  }
0x8d: {  	[sflag:s1] =	ssyncadd.s32 $0xFFFFF000  }
0x8e: {  	v27 =	vld [tilespmem:$0x13FE8];
	_ =	sdelay $0x4  }
0x8f: {  	p0 =	por $0x0, $0x0;
	s28 =	simm.s32 $0x0;
	[tilespmem:$0x1FF70] =	vst v27  }
.LBB2_2:
0x90: {  	s0 =	sand.u32 $0x3E, s28  }
0x91: {  	s1 =	sshll.u32 s28, $0x1;
	s30 =	sadd.s32 s5, s0  }
0x92: {  	s29 =	sand.u32 $0x2, s1;
	s0 =	sand.u32 $0x6, s30  }
0x93: {  	p1 =	seq.s32 s28, $0x0;
	s1 =	sor.u32 s29, s0  }
0x94: {  	p2 =	sne.s32 @!p1 s1, $0x0  }
0x95: {  	p2 =	por p1, !p2  }
.Ltmp0:
0x96: {  	_ = 	snop;
	(pc) =	sbr.rel @!p2 .LBB2_6-.Ltmp0, $2  }
0x97: {  	_ =	sdelay $0x2  }
0x98: {  	v28 =	vmovc v26;
	v31 =	vmov v25;
	v30 =	vmov v24;
	v29 =	vmov v34  }
0x99: {  	s2 =	simm.s32 @!p1 $0x3  }
0x9a: {  	_ =	swait.ge @!p1 [sflag:s2], $0x1000  }
0x9b: {  	[sflag:s2] =	ssyncset.done @!p1 $0x0  }
0x9c: {  	v24 =	vld [tilespmem:$0x1FF70];
	[sflag:s2] =	ssyncadd.s32 @!p1 $0xFFFFF000;
	s2 =	simm.s32 $0x10028  }
0x9d: {  	v37 =	vld [tilespmem:s2+$0x30]  }
0x9e: {  	s1 =	sshrl.u32 s30, $0x3;
	v43 =	vld [tilespmem:s2+$0xFFFFFFC0]  }
0x9f: {  	s3 =	sxor.u32 s9, s1;
	v44 =	vld [tilespmem:s2+$0xFFFFFFD0]  }
0xa0: {  	s7 =	sand.u32 $0x1, s3;
	v45 =	vld [tilespmem:s2+$0xFFFFFFE0]  }
0xa1: {  	s7 =	sshll.u32 s7, $0xC;
	v46 =	vld [tilespmem:s2+$0xFFFFFFF0]  }
0xa2: {  	s11 =	sadd.s32 $0x11028, s7;
	v47 =	vld [tilespmem:s2+$0x0]  }
0xa3: {  	v33 =	vld [tilespmem:s11+$0x30]  }
0xa4: {  	v49 =	vld [tilespmem:s2+$0x20]  }
0xa5: {  	v34 =	vld [tilespmem:s11+$0xFFFFFFD0]  }
0xa6: {  	v42 =	vld [tilespmem:s11+$0xFFFFFFC0]  }
0xa7: {  	v35 =	vld [tilespmem:s11+$0xFFFFFFE0]  }
0xa8: {  	v36 =	vld [tilespmem:s11+$0xFFFFFFF0]  }
0xa9: {  	v38 =	vld [tilespmem:s11+$0x0]  }
0xaa: {  	v39 =	vld [tilespmem:s11+$0x10]  }
0xab: {  	v40 =	vld.idx.msk [tilespmem:v33+s16+$0x0], $0xffff  }
0xac: {  	v41 =	vld [tilespmem:s11+$0x20]  }
0xad: {  	v48 =	vld [tilespmem:s2+$0x10];
	v33 =	vmov s1  }
0xae: {  	v42 =	vld.idx.msk [tilespmem:v42+s16+$0x0], $0xffff;
	vm1 =	vlt.s32 v33, v37;
	vm0 =	vlt.s32 v33, v24  }
0xaf: {  	vm2 =	vlt.s32 v33, v43;
	v37 =	vld.idx.msk [tilespmem:v34+s16+$0x0], $0xffff;
	vm3 =	vlt.s32 v33, v44;
	vm8 =	vlt.s32 v33, v49  }
0xb0: {  	v34 =	vld.idx.msk [tilespmem:v35+s16+$0x0], $0xffff;
	vm1 =	vmand vm0, vm1;
	vm6 =	vmand vm0, vm2;
	v40 =	vshll.u32 v40, $0x6  }
0xb1: {  	v35 =	vld.idx.msk [tilespmem:v36+s16+$0x0], $0xffff;
	vm2 =	vlt.s32 v33, v46;
	v40 =	vnsel vm1, $0xFA00, v40;
	vm1 =	vlt.s32 v33, v45  }
0xb2: {  	v36 =	vld.idx.msk [tilespmem:v38+s16+$0x0], $0xffff;
	vm5 =	vmand vm0, vm1;
	vm1 =	vmand vm0, vm2;
	vm2 =	vlt.s32 v33, v47  }
0xb3: {  	s31 =	sshll.u32 s3, $0xC;
	s3 =	simm.s32 $0x13028;
	v38 =	vld.idx.msk [tilespmem:v39+s16+$0x0], $0xffff;
	vm4 =	vmand vm0, vm3;
	vm3 =	vmand vm0, vm2;
	vm2 =	vlt.s32 v33, v48  }
0xb4: {  	s8 =	simm.s32 $0x0;
	s7 =	sand.u32 $0x1000, s31;
	s11 =	sadd.s32 $0x80, s11;
	v39 =	vld.idx.msk [tilespmem:v41+s16+$0x0], $0xffff;
	[tilespmem:s3+$0x30] =	vst v40;
	v40 =	vshll.u32 v42, $0x6;
	vm7 =	vmand vm0, vm2;
	vm2 =	vmand vm0, vm8  }
.LBB2_4:
0xb5: {  	v41 =	vld [tilespmem:s11+$0x30];
	s8 =	sadd.s32 $0x8, s8;
	v40 =	vnsel vm6, $0xFA00, v40;
	v37 =	vshll.u32 v37, $0x6  }
0xb6: {  	v34 =	vshll.u32 v34, $0x6;
	v42 =	vld [tilespmem:s11+$0xFFFFFFD0];
	p2 =	slt.u32 s8, $0xF8;
	[tilespmem:s3+$0xFFFFFFC0] =	vst v40;
	v37 =	vnsel vm4, $0xFA00, v37  }
0xb7: {  	v34 =	vnsel vm5, $0xFA00, v34;
	v35 =	vshll.u32 v35, $0x6;
	v40 =	vld [tilespmem:s11+$0xFFFFFFE0];
	[tilespmem:s3+$0xFFFFFFD0] =	vst v37  }
0xb8: {  	v43 =	vld [tilespmem:s11+$0xFFFFFFF0];
	[tilespmem:s3+$0xFFFFFFE0] =	vst v34;
	v34 =	vnsel vm1, $0xFA00, v35;
	v35 =	vshll.u32 v36, $0x6  }
0xb9: {  	v36 =	vld [tilespmem:s11+$0x0];
	[tilespmem:s3+$0xFFFFFFF0] =	vst v34;
	v34 =	vnsel vm3, $0xFA00, v35;
	v35 =	vshll.u32 v38, $0x6  }
0xba: {  	v38 =	vld [tilespmem:s11+$0x10];
	[tilespmem:s3+$0x0] =	vst v34;
	v34 =	vnsel vm7, $0xFA00, v35;
	v35 =	vshll.u32 v39, $0x6  }
0xbb: {  	s2 =	sadd.s32 $0x80, s2;
	v39 =	vld [tilespmem:s11+$0x20];
	[tilespmem:s3+$0x10] =	vst v34;
	v34 =	vnsel vm2, $0xFA00, v35  }
0xbc: {  	v35 =	vld [tilespmem:s2+$0x30];
	[tilespmem:s3+$0x20] =	vst v34  }
0xbd: {  	v34 =	vld.idx.msk [tilespmem:v41+s16+$0x0], $0xffff  }
0xbe: {  	v37 =	vld [tilespmem:s11+$0xFFFFFFC0]  }
0xbf: {  	v41 =	vld [tilespmem:s2+$0xFFFFFFC0]  }
0xc0: {  	v44 =	vld [tilespmem:s2+$0xFFFFFFD0]  }
0xc1: {  	v45 =	vld [tilespmem:s2+$0xFFFFFFE0]  }
0xc2: {  	vm1 =	vlt.s32 v33, v35;
	v46 =	vld [tilespmem:s2+$0xFFFFFFF0]  }
0xc3: {  	vm1 =	vmand vm0, vm1;
	v34 =	vshll.u32 v34, $0x6;
	v35 =	vld [tilespmem:s2+$0x0]  }
0xc4: {  	s3 =	sadd.s32 $0x80, s3;
	v34 =	vnsel vm1, $0xFA00, v34;
	vm2 =	vlt.s32 v33, v41;
	v41 =	vld [tilespmem:s2+$0x10]  }
0xc5: {  	vm6 =	vmand vm0, vm2;
	vm1 =	vlt.s32 v33, v44;
	v44 =	vld [tilespmem:s2+$0x20];
	[tilespmem:s3+$0x30] =	vst v34  }
0xc6: {  	v47 =	vld.idx.msk [tilespmem:v37+s16+$0x0], $0xffff;
	vm4 =	vmand vm0, vm1;
	vm1 =	vlt.s32 v33, v45  }
0xc7: {  	v37 =	vld.idx.msk [tilespmem:v42+s16+$0x0], $0xffff;
	vm5 =	vmand vm0, vm1;
	vm1 =	vlt.s32 v33, v46  }
.Ltmp1:
0xc8: {  	v34 =	vld.idx.msk [tilespmem:v40+s16+$0x0], $0xffff;
	vm1 =	vmand vm0, vm1;
	vm2 =	vlt.s32 v33, v35;
	(pc) =	sbr.rel @p2 .LBB2_4-.Ltmp1, $4  }
0xc9: {  	v35 =	vld.idx.msk [tilespmem:v43+s16+$0x0], $0xffff;
	vm3 =	vmand vm0, vm2;
	vm2 =	vlt.s32 v33, v41  }
0xca: {  	v36 =	vld.idx.msk [tilespmem:v36+s16+$0x0], $0xffff;
	vm7 =	vmand vm0, vm2;
	vm2 =	vlt.s32 v33, v44  }
0xcb: {  	v38 =	vld.idx.msk [tilespmem:v38+s16+$0x0], $0xffff;
	vm2 =	vmand vm0, vm2  }
0xcc: {  	s11 =	sadd.s32 $0x80, s11;
	v40 =	vshll.u32 v47, $0x6;
	v39 =	vld.idx.msk [tilespmem:v39+s16+$0x0], $0xffff  }
0xcd: {  	v33 =	vnsel vm6, $0xFA00, v40;
	v37 =	vshll.u32 v37, $0x6  }
0xce: {  	v34 =	vshll.u32 v34, $0x6;
	[tilespmem:s3+$0xFFFFFFC0] =	vst v33;
	v50 =	vnsel vm4, $0xFA00, v37  }
0xcf: {  	v51 =	vnsel vm5, $0xFA00, v34;
	v52 =	vshll.u32 v35, $0x6;
	[tilespmem:s3+$0xFFFFFFD0] =	vst v50  }
0xd0: {  	[tilespmem:s3+$0xFFFFFFE0] =	vst v51;
	v53 =	vnsel vm1, $0xFA00, v52;
	v54 =	vshll.u32 v36, $0x6  }
0xd1: {  	[tilespmem:s3+$0xFFFFFFF0] =	vst v53;
	v55 =	vnsel vm3, $0xFA00, v54  }
0xd2: {  	[tilespmem:s3+$0x0] =	vst v55  }
.Ltmp2:
0xd3: {  	v56 =	vshll.u32 v38, $0x6;
	s2 =	rddreg [dreg:$0x7];
	(pc) =	sbr.rel @p1 .LBB2_7-.Ltmp2, $4  }
0xd4: {  	v57 =	vnsel vm7, $0xFA00, v56;
	v59 =	vshll.u32 v39, $0x6;
	p2 =	sge.u32 s1, s2  }
0xd5: {  	[tilespmem:s3+$0x10] =	vst v57;
	v60 =	vnsel vm2, $0xFA00, v59;
	s1 =	sshll.u32 @!p2 s1, $0x9  }
0xd6: {  	[tilespmem:s3+$0x20] =	vst v60;
	s2 =	ssub.s32 @!p2 $0x11FE8, s7;
	s3 =	simm.s32 @!p2 $0x0;
	s1 =	sadd.s32 @!p2 s1, s12  }
0xd7: {  	[tilespmem:s2], [sflag:$0x3] =	stream.linear.gather @!p2 [hbm4b:s1+s3], $0x1000, $0x38;
	[tilespmem:$0x1BFF8] =	vst v63  }
.LBB2_6:
0xd8: {  	_ =	swait.ge [sflag:s20], $0x2000  }
0xd9: {  	[sflag:s20] =	ssyncset.done $0x0  }
0xda: {  	[sflag:s20] =	ssyncadd.s32 $0xFFFFE000  }
0xdb: {  	_ =	swait.ge [sflag:s20], $0x2000  }
0xdc: {  	[sflag:s20] =	ssyncset.done $0x0  }
0xdd: {  	[sflag:s20] =	ssyncadd.s32 $0xFFFFE000  }
.LBB2_7:
0xde: {  	s1 =	simm.s32 $0x1  }
0xdf: {  	s1 =	simm.s32 @!p0 $0x0  }
0xe0: {  	s17 =	sshll.u32 s1, $0xB  }
0xe1: {  	s2 =	sor.u32 $0x13008, s17  }
0xe2: {  	v42 =	vld [tilespmem:s2+$0x0];
	_ =	sdelay $0x3  }
0xe3: {  	v34 =	vld [tilespmem:s2+$0xFFFFFFE0]  }
0xe4: {  	v41 =	vld [tilespmem:s2+$0x10];
	v35 =	vadd.s32 v63, v42;
	_ =	sdelay $0x1  }
0xe5: {  	s11 =	simm.s32 $0x0;
	s3 =	simm.s32 $0x20  }
0xe6: {  	s7 =	sand.u32 $0x1C00, s11;
	s14 =	sand.u32 $0x60, s3;
	v33 =	vld [tilespmem:s2+$0xFFFFFFF0]  }
0xe7: {  	s31 =	sshll.u32 s0, $0x3;
	s25 =	sor.u32 s7, s14;
	v36 =	vadd.s32 v63, v34  }
0xe8: {  	v38 =	vor.u32 s25, v0;
	v37 =	vadd.s32 v63, v41;
	v35 =	vld.idx.msk [tilespmem:v35+s31+$0x0], $0xffff  }
0xe9: {  	s15 =	simm.s32 $0x0;
	v39 =	vadd.s32 v1, v42  }
0xea: {  	s18 =	simm.s32 $0x30;
	s0 =	sand.u32 $0x40, s15  }
0xeb: {  	s19 =	sand.u32 $0x70, s18;
	s1 =	sor.u32 s0, s7;
	v40 =	vadd.s32 v63, v33  }
0xec: {  	s3 =	sor.u32 s7, s19;
	v43 =	vor.u32 s1, v0;
	v36 =	vld.idx.msk [tilespmem:v36+s31+$0x0], $0xffff  }
0xed: {  	s26 =	simm.s32 $0x10;
	v45 =	vor.u32 s3, v0;
	v44 =	vadd.s32 v1, v34;
	v37 =	vld.idx.msk [tilespmem:v37+s31+$0x0], $0xffff;
	[tilespmem:v38+s21+$0x0] =	vst.idx.msk $0xffff, v35  }
0xee: {  	s0 =	sand.u32 $0x50, s26;
	v50 =	vor.u32 s25, v2;
	v49 =	vadd.s32 v1, v41;
	v38 =	vld.idx.msk [tilespmem:v39+s31+$0x0], $0xffff  }
0xef: {  	s0 =	sor.u32 s7, s0;
	v46 =	vadd.s32 v3, v42  }
0xf0: {  	v52 =	vor.u32 s0, v0;
	v51 =	vld.idx.msk [tilespmem:v40+s31+$0x0], $0xffff  }
0xf1: {  	v53 =	vadd.s32 v1, v33;
	[tilespmem:v43+s21+$0x0] =	vst.idx.msk $0xffff, v36  }
0xf2: {  	v47 =	vor.u32 s1, v2;
	[tilespmem:v45+s21+$0x0] =	vst.idx.msk $0xffff, v37;
	v43 =	vld.idx.msk [tilespmem:v44+s31+$0x0], $0xffff  }
0xf3: {  	v55 =	vor.u32 s3, v2;
	v54 =	vadd.s32 v3, v34;
	v35 =	vld.idx.msk [tilespmem:v49+s31+$0x0], $0xffff;
	[tilespmem:v50+s21+$0x0] =	vst.idx.msk $0xffff, v38  }
0xf4: {  	v57 =	vor.u32 s25, v4;
	v56 =	vadd.s32 v3, v41;
	v39 =	vld.idx.msk [tilespmem:v46+s31+$0x0], $0xffff  }
0xf5: {  	v59 =	vadd.s32 v5, v42;
	[tilespmem:v52+s21+$0x0] =	vst.idx.msk $0xffff, v51  }
0xf6: {  	v60 =	vor.u32 s0, v2;
	v40 =	vld.idx.msk [tilespmem:v53+s31+$0x0], $0xffff  }
0xf7: {  	v49 =	vadd.s32 v3, v33;
	[tilespmem:v47+s21+$0x0] =	vst.idx.msk $0xffff, v43  }
0xf8: {  	v48 =	vor.u32 s1, v4;
	[tilespmem:v55+s21+$0x0] =	vst.idx.msk $0xffff, v35;
	v37 =	vld.idx.msk [tilespmem:v54+s31+$0x0], $0xffff  }
0xf9: {  	v51 =	vor.u32 s3, v4;
	v50 =	vadd.s32 v5, v34;
	v38 =	vld.idx.msk [tilespmem:v56+s31+$0x0], $0xffff;
	[tilespmem:v57+s21+$0x0] =	vst.idx.msk $0xffff, v39  }
0xfa: {  	v52 =	vadd.s32 v5, v41;
	v53 =	vor.u32 s25, v6;
	v36 =	vld.idx.msk [tilespmem:v59+s31+$0x0], $0xffff  }
0xfb: {  	[tilespmem:v60+s21+$0x0] =	vst.idx.msk $0xffff, v40;
	v54 =	vadd.s32 v7, v42  }
0xfc: {  	v55 =	vld.idx.msk [tilespmem:v49+s31+$0x0], $0xffff;
	v56 =	vor.u32 s0, v4  }
0xfd: {  	[tilespmem:v48+s21+$0x0] =	vst.idx.msk $0xffff, v37;
	v59 =	vadd.s32 v5, v33  }
0xfe: {  	v57 =	vor.u32 s1, v6;
	[tilespmem:v51+s21+$0x0] =	vst.idx.msk $0xffff, v38;
	v35 =	vld.idx.msk [tilespmem:v50+s31+$0x0], $0xffff  }
0xff: {  	v60 =	vadd.s32 v7, v34;
	v48 =	vor.u32 s3, v6;
	v39 =	vld.idx.msk [tilespmem:v52+s31+$0x0], $0xffff;
	[tilespmem:v53+s21+$0x0] =	vst.idx.msk $0xffff, v36  }
0x100: {  	v49 =	vadd.s32 v7, v41;
	v50 =	vor.u32 s25, v8;
	v40 =	vld.idx.msk [tilespmem:v54+s31+$0x0], $0xffff  }
0x101: {  	[tilespmem:v56+s21+$0x0] =	vst.idx.msk $0xffff, v55;
	v51 =	vadd.s32 v9, v42  }
0x102: {  	v52 =	vld.idx.msk [tilespmem:v59+s31+$0x0], $0xffff;
	v53 =	vor.u32 s0, v6  }
0x103: {  	v55 =	vadd.s32 v7, v33;
	[tilespmem:v57+s21+$0x0] =	vst.idx.msk $0xffff, v35  }
0x104: {  	[tilespmem:v48+s21+$0x0] =	vst.idx.msk $0xffff, v39;
	v38 =	vld.idx.msk [tilespmem:v60+s31+$0x0], $0xffff;
	v54 =	vor.u32 s1, v8  }
0x105: {  	v56 =	vadd.s32 v9, v34;
	v57 =	vor.u32 s3, v8;
	v36 =	vld.idx.msk [tilespmem:v49+s31+$0x0], $0xffff;
	[tilespmem:v50+s21+$0x0] =	vst.idx.msk $0xffff, v40  }
0x106: {  	v59 =	vadd.s32 v9, v41;
	v60 =	vor.u32 s25, v10;
	v37 =	vld.idx.msk [tilespmem:v51+s31+$0x0], $0xffff  }
0x107: {  	v48 =	vadd.s32 v11, v42;
	[tilespmem:v53+s21+$0x0] =	vst.idx.msk $0xffff, v52  }
0x108: {  	v49 =	vld.idx.msk [tilespmem:v55+s31+$0x0], $0xffff;
	v50 =	vor.u32 s0, v8  }
0x109: {  	v52 =	vadd.s32 v9, v33;
	[tilespmem:v54+s21+$0x0] =	vst.idx.msk $0xffff, v38  }
0x10a: {  	[tilespmem:v57+s21+$0x0] =	vst.idx.msk $0xffff, v36;
	v39 =	vld.idx.msk [tilespmem:v56+s31+$0x0], $0xffff;
	v51 =	vor.u32 s1, v10  }
0x10b: {  	v53 =	vadd.s32 v11, v34;
	v54 =	vor.u32 s3, v10;
	v40 =	vld.idx.msk [tilespmem:v59+s31+$0x0], $0xffff;
	[tilespmem:v60+s21+$0x0] =	vst.idx.msk $0xffff, v37  }
0x10c: {  	v55 =	vadd.s32 v11, v41;
	v56 =	vor.u32 s25, v12;
	v35 =	vld.idx.msk [tilespmem:v48+s31+$0x0], $0xffff  }
0x10d: {  	v57 =	vadd.s32 v14, v42;
	[tilespmem:v50+s21+$0x0] =	vst.idx.msk $0xffff, v49  }
0x10e: {  	s8 =	sadd.s32 $0x40, s2;
	v59 =	vld.idx.msk [tilespmem:v52+s31+$0x0], $0xffff;
	v60 =	vor.u32 s0, v10  }
0x10f: {  	v36 =	vld [tilespmem:s8+$0xFFFFFFE0];
	[tilespmem:v51+s21+$0x0] =	vst.idx.msk $0xffff, v39;
	v48 =	vadd.s32 v11, v33  }
0x110: {  	v52 =	vor.u32 s1, v12;
	[tilespmem:v54+s21+$0x0] =	vst.idx.msk $0xffff, v40;
	v44 =	vld.idx.msk [tilespmem:v53+s31+$0x0], $0xffff  }
0x111: {  	v54 =	vor.u32 s3, v12;
	v53 =	vadd.s32 v14, v34;
	v45 =	vld.idx.msk [tilespmem:v55+s31+$0x0], $0xffff;
	[tilespmem:v56+s21+$0x0] =	vst.idx.msk $0xffff, v35  }
0x112: {  	v49 =	vor.u32 s25, v15;
	v50 =	vadd.s32 v14, v41;
	v38 =	vld.idx.msk [tilespmem:v57+s31+$0x0], $0xffff  }
0x113: {  	v37 =	vld [tilespmem:s8+$0x0];
	v55 =	vadd.s32 v13, v42;
	[tilespmem:v60+s21+$0x0] =	vst.idx.msk $0xffff, v59  }
0x114: {  	v43 =	vld.idx.msk [tilespmem:v48+s31+$0x0], $0xffff;
	v56 =	vor.u32 s0, v12  }
0x115: {  	v35 =	vld [tilespmem:s8+$0x10];
	[tilespmem:v52+s21+$0x0] =	vst.idx.msk $0xffff, v44;
	v57 =	vadd.s32 v14, v33  }
0x116: {  	v59 =	vor.u32 s1, v15;
	[tilespmem:v54+s21+$0x0] =	vst.idx.msk $0xffff, v45;
	v40 =	vld.idx.msk [tilespmem:v53+s31+$0x0], $0xffff  }
0x117: {  	v60 =	vadd.s32 v13, v34;
	v46 =	vld.idx.msk [tilespmem:v50+s31+$0x0], $0xffff;
	[tilespmem:v49+s21+$0x0] =	vst.idx.msk $0xffff, v38;
	v49 =	vor.u32 s3, v15  }
0x118: {  	v51 =	vadd.s32 v13, v41;
	v50 =	vor.u32 s25, v16;
	v39 =	vld.idx.msk [tilespmem:v55+s31+$0x0], $0xffff  }
0x119: {  	[tilespmem:v56+s21+$0x0] =	vst.idx.msk $0xffff, v43;
	v56 =	vadd.s32 v32, v42;
	v38 =	vld [tilespmem:s8+$0xFFFFFFF0]  }
0x11a: {  	v52 =	vadd.s32 v63, v36;
	v44 =	vld.idx.msk [tilespmem:v57+s31+$0x0], $0xffff;
	v57 =	vor.u32 s0, v15  }
0x11b: {  	[tilespmem:v59+s21+$0x0] =	vst.idx.msk $0xffff, v40;
	v59 =	vadd.s32 v13, v33  }
0x11c: {  	v45 =	vld.idx.msk [tilespmem:v60+s31+$0x0], $0xffff;
	v60 =	vor.u32 s1, v16;
	[tilespmem:v49+s21+$0x0] =	vst.idx.msk $0xffff, v46;
	v46 =	vadd.s32 v63, v37  }
0x11d: {  	s10 =	simm.s32 $0x60;
	s11 =	simm.s32 $0x200;
	s7 =	simm.s32 $0x40;
	v49 =	vadd.s32 v63, v35;
	[tilespmem:v50+s21+$0x0] =	vst.idx.msk $0xffff, v39;
	v50 =	vld.idx.msk [tilespmem:v51+s31+$0x0], $0xffff;
	v51 =	vor.u32 s3, v16  }
0x11e: {  	s15 =	sand.u32 $0x60, s10;
	s19 =	sand.u32 $0x1C00, s11;
	s2 =	sand.u32 $0x40, s7;
	v53 =	vor.u32 s25, v18;
	v63 =	vadd.s32 v63, v38;
	v43 =	vld.idx.msk [tilespmem:v56+s31+$0x0], $0xffff  }
0x11f: {  	s14 =	simm.s32 $0x70;
	s18 =	sor.u32 s2, s19;
	s2 =	sor.u32 s19, s15;
	v54 =	vadd.s32 v32, v41;
	[tilespmem:v57+s21+$0x0] =	vst.idx.msk $0xffff, v44;
	v44 =	vld.idx.msk [tilespmem:v52+s31+$0x0], $0xffff  }
0x120: {  	s26 =	sand.u32 $0x70, s14;
	v47 =	vadd.s32 v61, v42;
	v48 =	vor.u32 s2, v0;
	v55 =	vor.u32 s18, v0;
	v56 =	vld.idx.msk [tilespmem:v59+s31+$0x0], $0xffff  }
0x121: {  	s7 =	sor.u32 s19, s26;
	v14 =	vadd.s32 v11, v37;
	[tilespmem:v60+s21+$0x0] =	vst.idx.msk $0xffff, v45;
	v60 =	vadd.s32 v1, v36;
	v46 =	vld.idx.msk [tilespmem:v46+s31+$0x0], $0xffff  }
0x122: {  	v57 =	vor.u32 s7, v0;
	v49 =	vld.idx.msk [tilespmem:v49+s31+$0x0], $0xffff;
	[tilespmem:v51+s21+$0x0] =	vst.idx.msk $0xffff, v50;
	v50 =	vadd.s32 v1, v37  }
0x123: {  	v17 =	vmov v12;
	s26 =	simm.s32 $0x50;
	v52 =	vld.idx.msk [tilespmem:v63+s31+$0x0], $0xffff;
	v51 =	vor.u32 s0, v16;
	[tilespmem:v53+s21+$0x0] =	vst.idx.msk $0xffff, v43;
	v53 =	vadd.s32 v1, v35  }
0x124: {  	s26 =	sand.u32 $0x50, s26;
	v12 =	vmovc v58;
	v40 =	vadd.s32 v58, v41;
	v58 =	vadd.s32 v32, v33;
	v43 =	vld.idx.msk [tilespmem:v54+s31+$0x0], $0xffff;
	v54 =	vor.u32 s3, v18  }
0x125: {  	s19 =	sor.u32 s19, s26;
	[tilespmem:v55+s21+$0x0] =	vst.idx.msk $0xffff, v44;
	v44 =	vadd.s32 v61, v41;
	v55 =	vor.u32 s25, v62;
	v47 =	vld.idx.msk [tilespmem:v47+s31+$0x0], $0xffff  }
0x126: {  	v59 =	vadd.s32 v12, v42;
	v45 =	vld.idx.msk [tilespmem:v60+s31+$0x0], $0xffff;
	v60 =	vor.u32 s19, v0;
	[tilespmem:v48+s21+$0x0] =	vst.idx.msk $0xffff, v46  }
0x127: {  	[tilespmem:v57+s21+$0x0] =	vst.idx.msk $0xffff, v49;
	v46 =	vadd.s32 v1, v38;
	v48 =	vor.u32 s18, v2;
	v49 =	vld.idx.msk [tilespmem:v50+s31+$0x0], $0xffff  }
0x128: {  	v63 =	vor.u32 s2, v2;
	[tilespmem:v51+s21+$0x0] =	vst.idx.msk $0xffff, v56;
	v50 =	vadd.s32 v3, v36;
	v53 =	vld.idx.msk [tilespmem:v53+s31+$0x0], $0xffff  }
0x129: {  	[tilespmem:v54+s21+$0x0] =	vst.idx.msk $0xffff, v43;
	v43 =	vadd.s32 v3, v37;
	v54 =	vor.u32 s7, v2;
	v56 =	vld.idx.msk [tilespmem:v58+s31+$0x0], $0xffff  }
0x12a: {  	v57 =	vadd.s32 v3, v35;
	v58 =	vor.u32 s0, v18;
	[tilespmem:v55+s21+$0x0] =	vst.idx.msk $0xffff, v47;
	v44 =	vld.idx.msk [tilespmem:v44+s31+$0x0], $0xffff  }
0x12b: {  	[tilespmem:v60+s21+$0x0] =	vst.idx.msk $0xffff, v52;
	v52 =	vadd.s32 v61, v33;
	v47 =	vor.u32 s3, v62;
	v55 =	vld.idx.msk [tilespmem:v59+s31+$0x0], $0xffff  }
0x12c: {  	[tilespmem:v48+s21+$0x0] =	vst.idx.msk $0xffff, v45;
	v45 =	vld.idx.msk [tilespmem:v46+s31+$0x0], $0xffff;
	v46 =	vadd.s32 v32, v34;
	v48 =	vor.u32 s25, v29  }
0x12d: {  	v59 =	vor.u32 s19, v2;
	v50 =	vld.idx.msk [tilespmem:v50+s31+$0x0], $0xffff;
	[tilespmem:v63+s21+$0x0] =	vst.idx.msk $0xffff, v49;
	v49 =	vadd.s32 v30, v42  }
0x12e: {  	v51 =	vor.u32 s18, v4;
	v60 =	vadd.s32 v3, v38;
	v43 =	vld.idx.msk [tilespmem:v43+s31+$0x0], $0xffff;
	[tilespmem:v54+s21+$0x0] =	vst.idx.msk $0xffff, v53  }
0x12f: {  	v63 =	vor.u32 s2, v4;
	v53 =	vadd.s32 v5, v36;
	[tilespmem:v58+s21+$0x0] =	vst.idx.msk $0xffff, v56;
	v57 =	vld.idx.msk [tilespmem:v57+s31+$0x0], $0xffff  }
0x130: {  	v56 =	vadd.s32 v5, v37;
	v58 =	vor.u32 s7, v4;
	v52 =	vld.idx.msk [tilespmem:v52+s31+$0x0], $0xffff;
	[tilespmem:v47+s21+$0x0] =	vst.idx.msk $0xffff, v44  }
0x131: {  	v44 =	vadd.s32 v5, v35;
	v47 =	vor.u32 s0, v62;
	v46 =	vld.idx.msk [tilespmem:v46+s31+$0x0], $0xffff;
	[tilespmem:v48+s21+$0x0] =	vst.idx.msk $0xffff, v55  }
0x132: {  	[tilespmem:v59+s21+$0x0] =	vst.idx.msk $0xffff, v45;
	v45 =	vor.u32 s1, v18;
	v48 =	vadd.s32 v12, v33;
	v49 =	vld.idx.msk [tilespmem:v49+s31+$0x0], $0xffff  }
0x133: {  	v55 =	vadd.s32 v61, v34;
	[tilespmem:v51+s21+$0x0] =	vst.idx.msk $0xffff, v50;
	v50 =	vld.idx.msk [tilespmem:v60+s31+$0x0], $0xffff;
	v51 =	vor.u32 s25, v31  }
0x134: {  	v59 =	vor.u32 s19, v4;
	v53 =	vld.idx.msk [tilespmem:v53+s31+$0x0], $0xffff;
	[tilespmem:v63+s21+$0x0] =	vst.idx.msk $0xffff, v43;
	v43 =	vadd.s32 v28, v42  }
0x135: {  	v54 =	vor.u32 s18, v6;
	v60 =	vadd.s32 v5, v38;
	v56 =	vld.idx.msk [tilespmem:v56+s31+$0x0], $0xffff;
	[tilespmem:v58+s21+$0x0] =	vst.idx.msk $0xffff, v57  }
0x136: {  	v63 =	vor.u32 s2, v6;
	v57 =	vadd.s32 v7, v36;
	[tilespmem:v47+s21+$0x0] =	vst.idx.msk $0xffff, v52;
	v44 =	vld.idx.msk [tilespmem:v44+s31+$0x0], $0xffff  }
0x137: {  	v47 =	vadd.s32 v7, v37;
	v52 =	vor.u32 s7, v6;
	[tilespmem:v45+s21+$0x0] =	vst.idx.msk $0xffff, v46;
	v45 =	vld.idx.msk [tilespmem:v48+s31+$0x0], $0xffff  }
0x138: {  	v46 =	vadd.s32 v7, v35;
	v48 =	vld.idx.msk [tilespmem:v55+s31+$0x0], $0xffff;
	v55 =	vor.u32 s0, v29;
	[tilespmem:v51+s21+$0x0] =	vst.idx.msk $0xffff, v49  }
0x139: {  	[tilespmem:v59+s21+$0x0] =	vst.idx.msk $0xffff, v50;
	v49 =	vor.u32 s1, v62;
	v50 =	vadd.s32 v30, v33;
	v43 =	vld.idx.msk [tilespmem:v43+s31+$0x0], $0xffff  }
0x13a: {  	v51 =	vadd.s32 v12, v34;
	[tilespmem:v54+s21+$0x0] =	vst.idx.msk $0xffff, v53;
	v53 =	vld.idx.msk [tilespmem:v60+s31+$0x0], $0xffff;
	v54 =	vor.u32 s25, v19  }
0x13b: {  	v24 =	vmov v32;
	v39 =	vadd.s32 v11, v35;
	v59 =	vor.u32 s19, v6;
	v57 =	vld.idx.msk [tilespmem:v57+s31+$0x0], $0xffff;
	[tilespmem:v63+s21+$0x0] =	vst.idx.msk $0xffff, v56  }
0x13c: {  	v26 =	vmov v61;
	v58 =	vor.u32 s18, v8;
	v56 =	vadd.s32 v20, v42;
	v47 =	vld.idx.msk [tilespmem:v47+s31+$0x0], $0xffff;
	[tilespmem:v52+s21+$0x0] =	vst.idx.msk $0xffff, v44  }
0x13d: {  	v27 =	vmov v62;
	v60 =	vadd.s32 v7, v38;
	v52 =	vor.u32 s2, v8;
	v46 =	vld.idx.msk [tilespmem:v46+s31+$0x0], $0xffff;
	[tilespmem:v55+s21+$0x0] =	vst.idx.msk $0xffff, v45  }
0x13e: {  	v13 =	vmov v30;
	v63 =	vadd.s32 v9, v36;
	v55 =	vor.u32 s7, v8;
	[tilespmem:v49+s21+$0x0] =	vst.idx.msk $0xffff, v48;
	v48 =	vld.idx.msk [tilespmem:v50+s31+$0x0], $0xffff  }
0x13f: {  	v16 =	vmov v9;
	v45 =	vadd.s32 v9, v37;
	v50 =	vld.idx.msk [tilespmem:v51+s31+$0x0], $0xffff;
	v51 =	vor.u32 s0, v31;
	[tilespmem:v54+s21+$0x0] =	vst.idx.msk $0xffff, v43  }
0x140: {  	v62 =	vadd.s32 v9, v38;
	v49 =	vadd.s32 v9, v35;
	[tilespmem:v59+s21+$0x0] =	vst.idx.msk $0xffff, v53;
	v43 =	vor.u32 s1, v29  }
0x141: {  	v32 =	vor.u32 s7, v10;
	v53 =	vadd.s32 v28, v33;
	v56 =	vld.idx.msk [tilespmem:v56+s31+$0x0], $0xffff;
	[tilespmem:v58+s21+$0x0] =	vst.idx.msk $0xffff, v57;
	v58 =	vor.u32 s25, v21  }
0x142: {  	v61 =	vor.u32 s18, v10;
	v54 =	vadd.s32 v30, v34;
	v57 =	vld.idx.msk [tilespmem:v60+s31+$0x0], $0xffff;
	v60 =	vor.u32 s19, v8;
	[tilespmem:v52+s21+$0x0] =	vst.idx.msk $0xffff, v47  }
0x143: {  	v42 =	vadd.s32 v22, v42;
	v44 =	vadd.s32 v20, v41;
	v15 =	vld.idx.msk [tilespmem:v63+s31+$0x0], $0xffff;
	[tilespmem:v55+s21+$0x0] =	vst.idx.msk $0xffff, v46  }
0x144: {  	v9 =	vmov v2;
	v30 =	vmov v18;
	v59 =	vadd.s32 v11, v36;
	v63 =	vld.idx.msk [tilespmem:v45+s31+$0x0], $0xffff;
	[tilespmem:v51+s21+$0x0] =	vst.idx.msk $0xffff, v48  }
0x145: {  	v18 =	vmov v11;
	v55 =	vor.u32 s2, v10;
	v46 =	vadd.s32 v28, v41;
	v12 =	vld.idx.msk [tilespmem:v49+s31+$0x0], $0xffff;
	[tilespmem:v43+s21+$0x0] =	vst.idx.msk $0xffff, v50  }
0x146: {  	v47 =	vor.u32 s2, v17;
	v45 =	vor.u32 s3, v19;
	v50 =	vadd.s32 v13, v41;
	v52 =	vld.idx.msk [tilespmem:v53+s31+$0x0], $0xffff;
	[tilespmem:v58+s21+$0x0] =	vst.idx.msk $0xffff, v56  }
0x147: {  	v51 =	vor.u32 s3, v29;
	v48 =	vor.u32 s3, v31;
	v49 =	vadd.s32 v28, v34;
	v54 =	vld.idx.msk [tilespmem:v54+s31+$0x0], $0xffff;
	[tilespmem:v60+s21+$0x0] =	vst.idx.msk $0xffff, v57  }
0x148: {  	v41 =	vadd.s32 v22, v41;
	v13 =	vmov v6;
	v56 =	vor.u32 s1, v31;
	v53 =	vld.idx.msk [tilespmem:v42+s31+$0x0], $0xffff;
	[tilespmem:v61+s21+$0x0] =	vst.idx.msk $0xffff, v15  }
0x149: {  	v58 =	vld.idx.msk [tilespmem:v62+s31+$0x0], $0xffff;
	v42 =	vor.u32 s3, v21;
	v62 =	vor.u32 s19, v10;
	v61 =	vadd.s32 v11, v38;
	v15 =	vmovc v8;
	v8 =	vmovc v1  }
0x14a: {  	v11 =	vmovc v4;
	v57 =	vld.idx.msk [tilespmem:v59+s31+$0x0], $0xffff;
	v59 =	vor.u32 s18, v17;
	v17 =	vmov v10;
	v10 =	vmov v3;
	[tilespmem:v55+s21+$0x0] =	vst.idx.msk $0xffff, v63  }
0x14b: {  	s17 =	sor.u32 $0x13418, s17;
	v29 =	vlaneseq.u32;
	v55 =	vor.u32 s25, v23;
	s25 =	simm.s32 $0x4;
	[tilespmem:v32+s21+$0x0] =	vst.idx.msk $0xffff, v12;
	v60 =	vld.idx.msk [tilespmem:v14+s31+$0x0], $0xffff;
	v14 =	vmovc v7;
	v7 =	vmovc v0;
	v12 =	vmov v5  }
.LBB2_8:
0x14c: {  	v0 =	vld [tilespmem:$0x1FFB0]  }
0x14d: {  	v32 =	vld.idx.msk [tilespmem:v40+s31+$0x0], $0xffff  }
0x14e: {  	v25 =	vld [tilespmem:$0x1FF90]  }
0x14f: {  	s8 =	sadd.s32 $0x40, s8;
	v1 =	vld [tilespmem:$0x1FFC0]  }
0x150: {  	v40 =	vld [tilespmem:s8+$0xFFFFFFE0];
	[tilespmem:v56+s21+$0x0] =	vst.idx.msk $0xffff, v54  }
0x151: {  	v43 =	vld [tilespmem:s8+$0x10];
	[tilespmem:v55+s21+$0x0] =	vst.idx.msk $0xffff, v53;
	v54 =	vadd.s32 v0, v36  }
0x152: {  	v49 =	vld.idx.msk [tilespmem:v49+s31+$0x0], $0xffff;
	[tilespmem:v62+s21+$0x0] =	vst.idx.msk $0xffff, v58  }
0x153: {  	[tilespmem:v47+s21+$0x0] =	vst.idx.msk $0xffff, v60;
	v47 =	vld.idx.msk [tilespmem:v39+s31+$0x0], $0xffff;
	v63 =	vadd.s32 v0, v37  }
0x154: {  	v55 =	vor.u32 s1, v19;
	[tilespmem:v59+s21+$0x0] =	vst.idx.msk $0xffff, v57;
	v57 =	vadd.s32 v20, v34;
	v56 =	vld.idx.msk [tilespmem:v61+s31+$0x0], $0xffff  }
0x155: {  	v58 =	vor.u32 s19, v25;
	v59 =	vadd.s32 v0, v38;
	[tilespmem:v51+s21+$0x0] =	vst.idx.msk $0xffff, v32;
	v51 =	vadd.s32 v0, v35;
	v0 =	vld [tilespmem:$0x1FFA0]  }
0x156: {  	v53 =	vor.u32 s3, v23;
	s3 =	smov.u32 s7;
	v2 =	vor.u32 s18, v1;
	v54 =	vld.idx.msk [tilespmem:v54+s31+$0x0], $0xffff  }
0x157: {  	v61 =	vor.u32 s3, v25;
	v50 =	vld.idx.msk [tilespmem:v50+s31+$0x0], $0xffff  }
0x158: {  	v32 =	vor.u32 s2, v1;
	v60 =	vld.idx.msk [tilespmem:v63+s31+$0x0], $0xffff  }
0x159: {  	[tilespmem:v55+s21+$0x0] =	vst.idx.msk $0xffff, v49;
	v49 =	vld [tilespmem:s8+$0x0]  }
0x15a: {  	v3 =	vadd.s32 v0, v37;
	[tilespmem:v58+s21+$0x0] =	vst.idx.msk $0xffff, v56;
	v57 =	vld.idx.msk [tilespmem:v57+s31+$0x0], $0xffff  }
0x15b: {  	v56 =	vor.u32 s1, v21;
	[tilespmem:v2+s21+$0x0] =	vst.idx.msk $0xffff, v54;
	v2 =	vld [tilespmem:$0x1FFD0]  }
0x15c: {  	[tilespmem:v61+s21+$0x0] =	vst.idx.msk $0xffff, v47;
	v47 =	vadd.s32 v22, v34;
	v34 =	vmov v36;
	v58 =	vld.idx.msk [tilespmem:v59+s31+$0x0], $0xffff  }
0x15d: {  	v36 =	vmov v40;
	v40 =	vadd.s32 v0, v34;
	[tilespmem:v32+s21+$0x0] =	vst.idx.msk $0xffff, v60;
	v32 =	vld.idx.msk [tilespmem:v51+s31+$0x0], $0xffff;
	v51 =	vor.u32 s0, v19  }
0x15e: {  	v62 =	vadd.s32 v29, v36;
	v60 =	vor.u32 s3, v1;
	v54 =	vld [tilespmem:s8+$0xFFFFFFF0]  }
0x15f: {  	v61 =	vadd.s32 v20, v33;
	[tilespmem:v48+s21+$0x0] =	vst.idx.msk $0xffff, v50;
	v59 =	vld.idx.msk [tilespmem:v3+s31+$0x0], $0xffff;
	v3 =	vor.u32 s19, v1  }
0x160: {  	v50 =	vadd.s32 v0, v35;
	v46 =	vld.idx.msk [tilespmem:v46+s31+$0x0], $0xffff;
	[tilespmem:v56+s21+$0x0] =	vst.idx.msk $0xffff, v57;
	v48 =	vor.u32 s2, v2  }
0x161: {  	v57 =	vor.u32 s1, v23;
	s1 =	smov.u32 s18;
	v47 =	vld.idx.msk [tilespmem:v47+s31+$0x0], $0xffff  }
0x162: {  	v63 =	vadd.s32 v0, v38;
	v40 =	vld.idx.msk [tilespmem:v40+s31+$0x0], $0xffff;
	[tilespmem:v51+s21+$0x0] =	vst.idx.msk $0xffff, v52;
	v52 =	vor.u32 s1, v2  }
0x163: {  	v55 =	vadd.s32 v24, v37;
	v56 =	vld.idx.msk [tilespmem:v62+s31+$0x0], $0xffff;
	[tilespmem:v60+s21+$0x0] =	vst.idx.msk $0xffff, v32  }
0x164: {  	v32 =	vld.idx.msk [tilespmem:v61+s31+$0x0], $0xffff;
	[tilespmem:v3+s21+$0x0] =	vst.idx.msk $0xffff, v58  }
0x165: {  	v51 =	vadd.s32 v29, v43;
	[tilespmem:v48+s21+$0x0] =	vst.idx.msk $0xffff, v59;
	v48 =	vld.idx.msk [tilespmem:v50+s31+$0x0], $0xffff;
	v50 =	vor.u32 s0, v21  }
0x166: {  	s14 =	sadd.s32 $0x40, s14;
	v60 =	vadd.s32 v29, v49;
	v0 =	vor.u32 s3, v2;
	v58 =	vor.u32 s19, v2;
	v2 =	vld [tilespmem:$0x1FFF0];
	[tilespmem:v57+s21+$0x0] =	vst.idx.msk $0xffff, v47  }
0x167: {  	s11 =	sadd.s32 $0x200, s11;
	s26 =	sadd.s32 $0xFFFFFFD0, s14;
	v3 =	vadd.s32 v24, v35;
	[tilespmem:v52+s21+$0x0] =	vst.idx.msk $0xffff, v40;
	v52 =	vld.idx.msk [tilespmem:v63+s31+$0x0], $0xffff  }
0x168: {  	s15 =	sand.u32 $0x1C00, s11;
	s7 =	sand.u32 $0x40, s26;
	v1 =	vor.u32 s2, v30;
	[tilespmem:v45+s21+$0x0] =	vst.idx.msk $0xffff, v46;
	v55 =	vld.idx.msk [tilespmem:v55+s31+$0x0], $0xffff  }
0x169: {  	s18 =	sor.u32 s7, s15;
	v57 =	vadd.s32 v22, v33;
	v33 =	vmov v38;
	v44 =	vld.idx.msk [tilespmem:v44+s31+$0x0], $0xffff  }
0x16a: {  	s10 =	sadd.s32 $0xFFFFFFF0, s14;
	s26 =	sand.u32 $0x70, s14;
	v38 =	vmov v54;
	v59 =	vadd.s32 v29, v54;
	v54 =	vor.u32 s18, v7;
	v51 =	vld.idx.msk [tilespmem:v51+s31+$0x0], $0xffff;
	[tilespmem:v50+s21+$0x0] =	vst.idx.msk $0xffff, v32  }
0x16b: {  	s10 =	sand.u32 $0x60, s10;
	s7 =	sor.u32 s15, s26;
	v62 =	vadd.s32 v26, v37;
	v50 =	vld.idx.msk [tilespmem:v60+s31+$0x0], $0xffff;
	[tilespmem:v0+s21+$0x0] =	vst.idx.msk $0xffff, v48  }
0x16c: {  	s26 =	sor.u32 s15, s10;
	v32 =	vadd.s32 v8, v36;
	v60 =	vor.u32 s7, v7;
	v45 =	vld.idx.msk [tilespmem:v3+s31+$0x0], $0xffff  }
0x16d: {  	v48 =	vor.u32 s26, v7;
	[tilespmem:v1+s21+$0x0] =	vst.idx.msk $0xffff, v55;
	v1 =	vld [tilespmem:$0x1FF80]  }
0x16e: {  	v46 =	vadd.s32 v8, v49;
	v55 =	vor.u32 s3, v30;
	v57 =	vld.idx.msk [tilespmem:v57+s31+$0x0], $0xffff;
	[tilespmem:v42+s21+$0x0] =	vst.idx.msk $0xffff, v44  }
0x16f: {  	v61 =	vor.u32 s0, v23;
	[tilespmem:v54+s21+$0x0] =	vst.idx.msk $0xffff, v56;
	v44 =	vadd.s32 v8, v43;
	v41 =	vld.idx.msk [tilespmem:v41+s31+$0x0], $0xffff  }
0x170: {  	s0 =	smov.u32 s19;
	s19 =	sadd.s32 $0xFFFFFFE0, s14;
	[tilespmem:v58+s21+$0x0] =	vst.idx.msk $0xffff, v52;
	v52 =	vadd.s32 v24, v33;
	v54 =	vld.idx.msk [tilespmem:v62+s31+$0x0], $0xffff  }
0x171: {  	s10 =	sand.u32 $0x50, s19;
	v3 =	vor.u32 s18, v9;
	[tilespmem:v60+s21+$0x0] =	vst.idx.msk $0xffff, v51;
	v32 =	vld.idx.msk [tilespmem:v32+s31+$0x0], $0xffff  }
0x172: {  	s19 =	sor.u32 s15, s10;
	v56 =	vadd.s32 v26, v35;
	v58 =	vld.idx.msk [tilespmem:v59+s31+$0x0], $0xffff;
	v51 =	vor.u32 s2, v27;
	[tilespmem:v48+s21+$0x0] =	vst.idx.msk $0xffff, v50  }
0x173: {  	v60 =	vor.u32 s19, v7;
	v59 =	vadd.s32 v1, v37;
	v46 =	vld.idx.msk [tilespmem:v46+s31+$0x0], $0xffff;
	[tilespmem:v55+s21+$0x0] =	vst.idx.msk $0xffff, v45  }
0x174: {  	v0 =	vadd.s32 v8, v38;
	[tilespmem:v61+s21+$0x0] =	vst.idx.msk $0xffff, v57;
	v44 =	vld.idx.msk [tilespmem:v44+s31+$0x0], $0xffff  }
0x175: {  	v50 =	vor.u32 s26, v9;
	v45 =	vadd.s32 v10, v36;
	v52 =	vld.idx.msk [tilespmem:v52+s31+$0x0], $0xffff;
	[tilespmem:v53+s21+$0x0] =	vst.idx.msk $0xffff, v41  }
0x176: {  	v42 =	vadd.s32 v2, v34;
	v57 =	vor.u32 s7, v9;
	[tilespmem:v3+s21+$0x0] =	vst.idx.msk $0xffff, v32;
	v3 =	vld [tilespmem:$0x1FFE0]  }
0x177: {  	v41 =	vadd.s32 v10, v43;
	v53 =	vor.u32 s0, v30;
	[tilespmem:v51+s21+$0x0] =	vst.idx.msk $0xffff, v54;
	v51 =	vld.idx.msk [tilespmem:v56+s31+$0x0], $0xffff  }
0x178: {  	v55 =	vadd.s32 v10, v49;
	v54 =	vor.u32 s3, v27;
	[tilespmem:v60+s21+$0x0] =	vst.idx.msk $0xffff, v58;
	v59 =	vld.idx.msk [tilespmem:v59+s31+$0x0], $0xffff  }
0x179: {  	v62 =	vadd.s32 v10, v38;
	v61 =	vor.u32 s19, v9;
	v58 =	vadd.s32 v26, v33;
	v32 =	vld.idx.msk [tilespmem:v0+s31+$0x0], $0xffff  }
0x17a: {  	v48 =	vadd.s32 v24, v34;
	v45 =	vld.idx.msk [tilespmem:v45+s31+$0x0], $0xffff;
	[tilespmem:v50+s21+$0x0] =	vst.idx.msk $0xffff, v46;
	v50 =	vor.u32 s18, v11  }
0x17b: {  	v40 =	vadd.s32 v1, v35;
	v63 =	vadd.s32 v1, v34;
	[tilespmem:v57+s21+$0x0] =	vst.idx.msk $0xffff, v44;
	v60 =	vor.u32 s2, v3  }
0x17c: {  	v46 =	vadd.s32 v2, v37;
	[tilespmem:v53+s21+$0x0] =	vst.idx.msk $0xffff, v52;
	v53 =	vor.u32 s7, v11;
	v41 =	vld.idx.msk [tilespmem:v41+s31+$0x0], $0xffff  }
0x17d: {  	v55 =	vld.idx.msk [tilespmem:v55+s31+$0x0], $0xffff;
	v44 =	vadd.s32 v12, v36;
	v57 =	vor.u32 s26, v11;
	[tilespmem:v54+s21+$0x0] =	vst.idx.msk $0xffff, v51  }
0x17e: {  	v0 =	vor.u32 s0, v27;
	v58 =	vld.idx.msk [tilespmem:v58+s31+$0x0], $0xffff;
	v54 =	vadd.s32 v12, v43;
	[tilespmem:v61+s21+$0x0] =	vst.idx.msk $0xffff, v32  }
0x17f: {  	v48 =	vld.idx.msk [tilespmem:v48+s31+$0x0], $0xffff;
	v52 =	vadd.s32 v12, v49;
	v32 =	vor.u32 s1, v30;
	[tilespmem:v50+s21+$0x0] =	vst.idx.msk $0xffff, v45  }
0x180: {  	v61 =	vor.u32 s19, v11;
	v45 =	vld.idx.msk [tilespmem:v62+s31+$0x0], $0xffff;
	[tilespmem:v60+s21+$0x0] =	vst.idx.msk $0xffff, v59;
	v59 =	vadd.s32 v1, v33  }
0x181: {  	v56 =	vadd.s32 v26, v34;
	[tilespmem:v53+s21+$0x0] =	vst.idx.msk $0xffff, v41;
	v60 =	vor.u32 s2, v31;
	v46 =	vld.idx.msk [tilespmem:v46+s31+$0x0], $0xffff  }
0x182: {  	v44 =	vld.idx.msk [tilespmem:v44+s31+$0x0], $0xffff;
	v62 =	vadd.s32 v12, v38;
	[tilespmem:v57+s21+$0x0] =	vst.idx.msk $0xffff, v55;
	v57 =	vor.u32 s18, v13  }
0x183: {  	v54 =	vld.idx.msk [tilespmem:v54+s31+$0x0], $0xffff;
	[tilespmem:v0+s21+$0x0] =	vst.idx.msk $0xffff, v58;
	v58 =	vor.u32 s7, v13;
	v55 =	vadd.s32 v28, v37  }
0x184: {  	v41 =	vadd.s32 v14, v36;
	v53 =	vor.u32 s26, v13;
	[tilespmem:v32+s21+$0x0] =	vst.idx.msk $0xffff, v48;
	v52 =	vld.idx.msk [tilespmem:v52+s31+$0x0], $0xffff  }
0x185: {  	v0 =	vadd.s32 v14, v49;
	v1 =	vor.u32 s0, v3;
	v32 =	vld.idx.msk [tilespmem:v59+s31+$0x0], $0xffff;
	[tilespmem:v61+s21+$0x0] =	vst.idx.msk $0xffff, v45  }
0x186: {  	v56 =	vld.idx.msk [tilespmem:v56+s31+$0x0], $0xffff;
	v59 =	vadd.s32 v14, v43;
	v45 =	vor.u32 s1, v27;
	[tilespmem:v60+s21+$0x0] =	vst.idx.msk $0xffff, v46  }
0x187: {  	v61 =	vor.u32 s19, v13;
	v60 =	vadd.s32 v2, v33;
	[tilespmem:v57+s21+$0x0] =	vst.idx.msk $0xffff, v44;
	v44 =	vld.idx.msk [tilespmem:v62+s31+$0x0], $0xffff  }
0x188: {  	v50 =	vadd.s32 v2, v35;
	[tilespmem:v58+s21+$0x0] =	vst.idx.msk $0xffff, v54;
	v57 =	vor.u32 s2, v19;
	v55 =	vld.idx.msk [tilespmem:v55+s31+$0x0], $0xffff  }
0x189: {  	v62 =	vadd.s32 v14, v38;
	v41 =	vld.idx.msk [tilespmem:v41+s31+$0x0], $0xffff;
	[tilespmem:v53+s21+$0x0] =	vst.idx.msk $0xffff, v52;
	v53 =	vor.u32 s18, v15  }
0x18a: {  	v58 =	vor.u32 s26, v15;
	v52 =	vadd.s32 v20, v37;
	v0 =	vld.idx.msk [tilespmem:v0+s31+$0x0], $0xffff;
	[tilespmem:v1+s21+$0x0] =	vst.idx.msk $0xffff, v32  }
0x18b: {  	v54 =	vadd.s32 v16, v36;
	v59 =	vld.idx.msk [tilespmem:v59+s31+$0x0], $0xffff;
	v32 =	vor.u32 s7, v15;
	[tilespmem:v45+s21+$0x0] =	vst.idx.msk $0xffff, v56  }
0x18c: {  	v2 =	vor.u32 s0, v31;
	v1 =	vadd.s32 v16, v49;
	v56 =	vld.idx.msk [tilespmem:v60+s31+$0x0], $0xffff;
	[tilespmem:v61+s21+$0x0] =	vst.idx.msk $0xffff, v44  }
0x18d: {  	v60 =	vadd.s32 v16, v43;
	v63 =	vld.idx.msk [tilespmem:v63+s31+$0x0], $0xffff;
	[tilespmem:v57+s21+$0x0] =	vst.idx.msk $0xffff, v55;
	v55 =	vor.u32 s1, v3  }
0x18e: {  	v51 =	vor.u32 s3, v3;
	v57 =	vadd.s32 v28, v33;
	[tilespmem:v53+s21+$0x0] =	vst.idx.msk $0xffff, v41;
	v41 =	vld.idx.msk [tilespmem:v62+s31+$0x0], $0xffff;
	v3 =	vor.u32 s19, v15  }
0x18f: {  	v53 =	vor.u32 s2, v21;
	v61 =	vld.idx.msk [tilespmem:v52+s31+$0x0], $0xffff;
	[tilespmem:v58+s21+$0x0] =	vst.idx.msk $0xffff, v0  }
0x190: {  	v4 =	vadd.s32 v16, v38;
	v62 =	vld.idx.msk [tilespmem:v54+s31+$0x0], $0xffff;
	v58 =	vor.u32 s18, v17;
	[tilespmem:v32+s21+$0x0] =	vst.idx.msk $0xffff, v59  }
0x191: {  	v39 =	vadd.s32 v18, v43;
	v0 =	vadd.s32 v22, v37;
	v1 =	vld.idx.msk [tilespmem:v1+s31+$0x0], $0xffff;
	[tilespmem:v2+s21+$0x0] =	vst.idx.msk $0xffff, v56  }
0x192: {  	s25 =	sadd.s32 $0x4, s25;
	v37 =	vmov v49;
	v32 =	vadd.s32 v18, v36;
	v59 =	vor.u32 s26, v17;
	v5 =	vld.idx.msk [tilespmem:v60+s31+$0x0], $0xffff;
	[tilespmem:v55+s21+$0x0] =	vst.idx.msk $0xffff, v63  }
0x193: {  	p2 =	slt.u32 s25, $0x3C;
	v6 =	vor.u32 s7, v17;
	v2 =	vadd.s32 v18, v37;
	v52 =	vld.idx.msk [tilespmem:v57+s31+$0x0], $0xffff;
	[tilespmem:v3+s21+$0x0] =	vst.idx.msk $0xffff, v41  }
.Ltmp3:
0x194: {  	v47 =	vor.u32 s26, v25;
	v46 =	vadd.s32 v28, v35;
	v54 =	vld.idx.msk [tilespmem:v42+s31+$0x0], $0xffff;
	[tilespmem:v53+s21+$0x0] =	vst.idx.msk $0xffff, v61;
	(pc) =	sbr.rel @p2 .LBB2_8-.Ltmp3, $4  }
0x195: {  	v48 =	vor.u32 s3, v31;
	v45 =	vor.u32 s3, v19;
	v44 =	vadd.s32 v20, v35;
	[tilespmem:v58+s21+$0x0] =	vst.idx.msk $0xffff, v62;
	v58 =	vld.idx.msk [tilespmem:v4+s31+$0x0], $0xffff  }
0x196: {  	v49 =	vadd.s32 v28, v34;
	v56 =	vor.u32 s1, v31;
	v55 =	vor.u32 s2, v23;
	v53 =	vld.idx.msk [tilespmem:v0+s31+$0x0], $0xffff  }
0x197: {  	v41 =	vadd.s32 v22, v35;
	v35 =	vmov v43;
	v42 =	vor.u32 s3, v21;
	v57 =	vld.idx.msk [tilespmem:v32+s31+$0x0], $0xffff;
	[tilespmem:v59+s21+$0x0] =	vst.idx.msk $0xffff, v1  }
0x198: {  	s2 =	smov.u32 s26;
	v62 =	vor.u32 s19, v17;
	v61 =	vadd.s32 v18, v38;
	v59 =	vor.u32 s18, v25;
	v60 =	vld.idx.msk [tilespmem:v2+s31+$0x0], $0xffff;
	[tilespmem:v6+s21+$0x0] =	vst.idx.msk $0xffff, v5  }
0x199: {  	_ =	sdelay $0x2  }
0x19a: {  	v63 =	vld [tilespmem:$0x1FFB0]  }
0x19b: {  	[tilespmem:v62+s21+$0x0] =	vst.idx.msk $0xffff, v58  }
0x19c: {  	v2 =	vld.idx.msk [tilespmem:v61+s31+$0x0], $0xffff  }
0x19d: {  	v61 =	vld [tilespmem:$0x1FF90];
	[tilespmem:v59+s21+$0x0] =	vst.idx.msk $0xffff, v57  }
0x19e: {  	[tilespmem:v47+s21+$0x0] =	vst.idx.msk $0xffff, v60  }
0x19f: {  	v0 =	vadd.s32 v63, v37;
	v29 =	vld [tilespmem:$0x1FFC0]  }
0x1a0: {  	v1 =	vadd.s32 v63, v36;
	_ =	sdelay $0x1  }
0x1a1: {  	v3 =	vor.u32 s19, v61  }
0x1a2: {  	v4 =	vld.idx.msk [tilespmem:v39+s31+$0x0], $0xffff;
	v6 =	vor.u32 s7, v61  }
0x1a3: {  	v0 =	vld.idx.msk [tilespmem:v0+s31+$0x0], $0xffff;
	v39 =	vor.u32 s2, v29  }
0x1a4: {  	v1 =	vld.idx.msk [tilespmem:v1+s31+$0x0], $0xffff;
	v60 =	vor.u32 s18, v29  }
0x1a5: {  	v25 =	vld [tilespmem:$0x1FFA0]  }
0x1a6: {  	v5 =	vadd.s32 v63, v38;
	[tilespmem:v3+s21+$0x0] =	vst.idx.msk $0xffff, v2  }
0x1a7: {  	v32 =	vadd.s32 v63, v35;
	[tilespmem:v6+s21+$0x0] =	vst.idx.msk $0xffff, v4  }
0x1a8: {  	[tilespmem:v39+s21+$0x0] =	vst.idx.msk $0xffff, v0  }
0x1a9: {  	[tilespmem:v60+s21+$0x0] =	vst.idx.msk $0xffff, v1  }
0x1aa: {  	v43 =	vadd.s32 v25, v37;
	v58 =	vld [tilespmem:$0x1FFD0]  }
0x1ab: {  	v62 =	vadd.s32 v25, v36;
	v4 =	vor.u32 s19, v29;
	v2 =	vld.idx.msk [tilespmem:v5+s31+$0x0], $0xffff  }
0x1ac: {  	v6 =	vor.u32 s7, v29;
	v5 =	vld.idx.msk [tilespmem:v32+s31+$0x0], $0xffff;
	v32 =	vadd.s32 v25, v38;
	_ =	sdelay $0x1  }
0x1ad: {  	v57 =	vadd.s32 v25, v35  }
0x1ae: {  	v0 =	vld.idx.msk [tilespmem:v43+s31+$0x0], $0xffff;
	v1 =	vor.u32 s2, v58  }
0x1af: {  	v60 =	vadd.s32 v24, v37;
	v3 =	vld.idx.msk [tilespmem:v62+s31+$0x0], $0xffff;
	[tilespmem:v4+s21+$0x0] =	vst.idx.msk $0xffff, v2;
	v62 =	vor.u32 s18, v58  }
0x1b0: {  	[tilespmem:v6+s21+$0x0] =	vst.idx.msk $0xffff, v5;
	v5 =	vadd.s32 v24, v36;
	v2 =	vld.idx.msk [tilespmem:v32+s31+$0x0], $0xffff;
	v4 =	vor.u32 s19, v58;
	_ =	sdelay $0x1  }
0x1b1: {  	v47 =	vadd.s32 v24, v38;
	v6 =	vld.idx.msk [tilespmem:v57+s31+$0x0], $0xffff;
	v32 =	vor.u32 s7, v58  }
0x1b2: {  	v57 =	vadd.s32 v24, v35;
	[tilespmem:v1+s21+$0x0] =	vst.idx.msk $0xffff, v0  }
0x1b3: {  	v1 =	vor.u32 s2, v30;
	[tilespmem:v62+s21+$0x0] =	vst.idx.msk $0xffff, v3;
	v0 =	vld.idx.msk [tilespmem:v60+s31+$0x0], $0xffff  }
0x1b4: {  	[tilespmem:v4+s21+$0x0] =	vst.idx.msk $0xffff, v2;
	v4 =	vor.u32 s18, v30;
	v60 =	vadd.s32 v26, v37;
	v62 =	vld.idx.msk [tilespmem:v5+s31+$0x0], $0xffff;
	_ =	sdelay $0x1  }
0x1b5: {  	[tilespmem:v32+s21+$0x0] =	vst.idx.msk $0xffff, v6;
	v6 =	vor.u32 s19, v30;
	v32 =	vadd.s32 v26, v36;
	v5 =	vld.idx.msk [tilespmem:v47+s31+$0x0], $0xffff  }
0x1b6: {  	v43 =	vor.u32 s7, v30;
	[tilespmem:v56+s21+$0x0] =	vst.idx.msk $0xffff, v54;
	v39 =	vld.idx.msk [tilespmem:v57+s31+$0x0], $0xffff  }
0x1b7: {  	[tilespmem:v1+s21+$0x0] =	vst.idx.msk $0xffff, v0;
	v0 =	vld.idx.msk [tilespmem:v40+s31+$0x0], $0xffff  }
0x1b8: {  	v47 =	vadd.s32 v26, v38;
	[tilespmem:v4+s21+$0x0] =	vst.idx.msk $0xffff, v62;
	v1 =	vld.idx.msk [tilespmem:v60+s31+$0x0], $0xffff  }
0x1b9: {  	v54 =	vadd.s32 v26, v35;
	v60 =	vor.u32 s2, v27;
	v56 =	vld [tilespmem:$0x1FF80]  }
0x1ba: {  	[tilespmem:v6+s21+$0x0] =	vst.idx.msk $0xffff, v5;
	v4 =	vld.idx.msk [tilespmem:v32+s31+$0x0], $0xffff;
	v5 =	vor.u32 s18, v27  }
0x1bb: {  	[tilespmem:v43+s21+$0x0] =	vst.idx.msk $0xffff, v39  }
0x1bc: {  	[tilespmem:v55+s21+$0x0] =	vst.idx.msk $0xffff, v53  }
0x1bd: {  	v32 =	vld.idx.msk [tilespmem:v47+s31+$0x0], $0xffff;
	[tilespmem:v51+s21+$0x0] =	vst.idx.msk $0xffff, v0  }
0x1be: {  	v40 =	vld.idx.msk [tilespmem:v54+s31+$0x0], $0xffff;
	[tilespmem:v60+s21+$0x0] =	vst.idx.msk $0xffff, v1  }
0x1bf: {  	v62 =	vadd.s32 v56, v37;
	v54 =	vld [tilespmem:$0x1FFE0];
	[tilespmem:v5+s21+$0x0] =	vst.idx.msk $0xffff, v4  }
0x1c0: {  	v39 =	vor.u32 s19, v27;
	v6 =	vadd.s32 v56, v36;
	v60 =	vld [tilespmem:$0x1FFF0]  }
0x1c1: {  	v43 =	vor.u32 s7, v27;
	v47 =	vadd.s32 v56, v38  }
0x1c2: {  	v49 =	vld.idx.msk [tilespmem:v49+s31+$0x0], $0xffff;
	v53 =	vor.u32 s1, v19;
	v0 =	vadd.s32 v56, v35  }
0x1c3: {  	v57 =	vadd.s32 v20, v34;
	v50 =	vld.idx.msk [tilespmem:v50+s31+$0x0], $0xffff  }
0x1c4: {  	v1 =	vld.idx.msk [tilespmem:v62+s31+$0x0], $0xffff;
	v2 =	vor.u32 s2, v54  }
0x1c5: {  	[tilespmem:v39+s21+$0x0] =	vst.idx.msk $0xffff, v32;
	v4 =	vld.idx.msk [tilespmem:v6+s31+$0x0], $0xffff;
	v5 =	vor.u32 s18, v54;
	v3 =	vadd.s32 v60, v37  }
0x1c6: {  	[tilespmem:v43+s21+$0x0] =	vst.idx.msk $0xffff, v40;
	v32 =	vld.idx.msk [tilespmem:v47+s31+$0x0], $0xffff;
	v39 =	vor.u32 s19, v54;
	v6 =	vadd.s32 v60, v36  }
0x1c7: {  	[tilespmem:v53+s21+$0x0] =	vst.idx.msk $0xffff, v49;
	v0 =	vld.idx.msk [tilespmem:v0+s31+$0x0], $0xffff;
	v40 =	vor.u32 s7, v54;
	v43 =	vadd.s32 v60, v38  }
0x1c8: {  	v53 =	vor.u32 s1, v21;
	v47 =	vld.idx.msk [tilespmem:v57+s31+$0x0], $0xffff;
	[tilespmem:v48+s21+$0x0] =	vst.idx.msk $0xffff, v50;
	v55 =	vadd.s32 v60, v35  }
0x1c9: {  	v57 =	vor.u32 s0, v19;
	[tilespmem:v2+s21+$0x0] =	vst.idx.msk $0xffff, v1  }
0x1ca: {  	v62 =	vadd.s32 v22, v34;
	[tilespmem:v5+s21+$0x0] =	vst.idx.msk $0xffff, v4;
	v2 =	vld.idx.msk [tilespmem:v3+s31+$0x0], $0xffff;
	v3 =	vor.u32 s2, v31  }
0x1cb: {  	v4 =	vadd.s32 v28, v37;
	[tilespmem:v39+s21+$0x0] =	vst.idx.msk $0xffff, v32;
	v5 =	vld.idx.msk [tilespmem:v6+s31+$0x0], $0xffff;
	v6 =	vor.u32 s18, v31  }
0x1cc: {  	v34 =	vor.u32 s19, v31;
	v39 =	vadd.s32 v28, v36;
	[tilespmem:v40+s21+$0x0] =	vst.idx.msk $0xffff, v0;
	v32 =	vld.idx.msk [tilespmem:v43+s31+$0x0], $0xffff  }
0x1cd: {  	[tilespmem:v53+s21+$0x0] =	vst.idx.msk $0xffff, v47;
	v0 =	vor.u32 s7, v31;
	v40 =	vadd.s32 v28, v38;
	v53 =	vld.idx.msk [tilespmem:v55+s31+$0x0], $0xffff  }
0x1ce: {  	v46 =	vld.idx.msk [tilespmem:v46+s31+$0x0], $0xffff;
	[tilespmem:v57+s21+$0x0] =	vst.idx.msk $0xffff, v52;
	v55 =	vadd.s32 v28, v35  }
0x1cf: {  	v57 =	vadd.s32 v20, v33;
	v1 =	vld.idx.msk [tilespmem:v62+s31+$0x0], $0xffff;
	v62 =	vor.u32 s1, v23;
	[tilespmem:v3+s21+$0x0] =	vst.idx.msk $0xffff, v2  }
0x1d0: {  	v3 =	vor.u32 s2, v19;
	[tilespmem:v6+s21+$0x0] =	vst.idx.msk $0xffff, v5;
	v2 =	vld.idx.msk [tilespmem:v4+s31+$0x0], $0xffff  }
0x1d1: {  	[tilespmem:v34+s21+$0x0] =	vst.idx.msk $0xffff, v32;
	v6 =	vor.u32 s18, v19;
	v4 =	vadd.s32 v20, v37;
	v5 =	vld.idx.msk [tilespmem:v39+s31+$0x0], $0xffff  }
0x1d2: {  	v50 =	vor.u32 s19, v19;
	v34 =	vadd.s32 v20, v36;
	[tilespmem:v0+s21+$0x0] =	vst.idx.msk $0xffff, v53;
	v32 =	vld.idx.msk [tilespmem:v40+s31+$0x0], $0xffff  }
0x1d3: {  	v51 =	vor.u32 s7, v19;
	v52 =	vadd.s32 v20, v38;
	[tilespmem:v45+s21+$0x0] =	vst.idx.msk $0xffff, v46;
	v43 =	vld.idx.msk [tilespmem:v55+s31+$0x0], $0xffff  }
0x1d4: {  	[tilespmem:v62+s21+$0x0] =	vst.idx.msk $0xffff, v1;
	v53 =	vld.idx.msk [tilespmem:v57+s31+$0x0], $0xffff;
	v57 =	vadd.s32 v20, v35;
	v55 =	vor.u32 s0, v21  }
0x1d5: {  	v44 =	vld.idx.msk [tilespmem:v44+s31+$0x0], $0xffff;
	v62 =	vadd.s32 v22, v33;
	[tilespmem:v3+s21+$0x0] =	vst.idx.msk $0xffff, v2  }
0x1d6: {  	v47 =	vor.u32 s2, v21;
	[tilespmem:v6+s21+$0x0] =	vst.idx.msk $0xffff, v5;
	v2 =	vld.idx.msk [tilespmem:v4+s31+$0x0], $0xffff  }
0x1d7: {  	v6 =	vor.u32 s18, v21;
	[tilespmem:v50+s21+$0x0] =	vst.idx.msk $0xffff, v32;
	v4 =	vadd.s32 v22, v37;
	v5 =	vld.idx.msk [tilespmem:v34+s31+$0x0], $0xffff  }
0x1d8: {  	v48 =	vadd.s32 v22, v36;
	v50 =	vor.u32 s19, v21;
	[tilespmem:v51+s21+$0x0] =	vst.idx.msk $0xffff, v43;
	v49 =	vld.idx.msk [tilespmem:v52+s31+$0x0], $0xffff  }
0x1d9: {  	[tilespmem:v55+s21+$0x0] =	vst.idx.msk $0xffff, v53;
	v51 =	vor.u32 s7, v21;
	v1 =	vld.idx.msk [tilespmem:v57+s31+$0x0], $0xffff;
	v52 =	vadd.s32 v22, v38  }
0x1da: {  	[tilespmem:v42+s21+$0x0] =	vst.idx.msk $0xffff, v44;
	v53 =	vor.u32 s0, v23;
	v55 =	vadd.s32 v22, v35;
	v33 =	vld.idx.msk [tilespmem:v62+s31+$0x0], $0xffff  }
0x1db: {  	v57 =	vor.u32 s3, v23;
	v62 =	vld.idx.msk [tilespmem:v41+s31+$0x0], $0xffff;
	[tilespmem:v47+s21+$0x0] =	vst.idx.msk $0xffff, v2  }
0x1dc: {  	v42 =	vor.u32 s2, v23;
	[tilespmem:v6+s21+$0x0] =	vst.idx.msk $0xffff, v5;
	v2 =	vld.idx.msk [tilespmem:v4+s31+$0x0], $0xffff  }
0x1dd: {  	v5 =	vor.u32 s18, v23;
	[tilespmem:v50+s21+$0x0] =	vst.idx.msk $0xffff, v49;
	v4 =	vld.idx.msk [tilespmem:v48+s31+$0x0], $0xffff  }
0x1de: {  	v43 =	vor.u32 s19, v23;
	[tilespmem:v51+s21+$0x0] =	vst.idx.msk $0xffff, v1;
	v6 =	vld.idx.msk [tilespmem:v52+s31+$0x0], $0xffff  }
0x1df: {  	v44 =	vor.u32 s7, v23;
	[tilespmem:v53+s21+$0x0] =	vst.idx.msk $0xffff, v33;
	v1 =	vld.idx.msk [tilespmem:v55+s31+$0x0], $0xffff  }
0x1e0: {  	[tilespmem:v57+s21+$0x0] =	vst.idx.msk $0xffff, v62  }
0x1e1: {  	s2 =	sshll.u32 s29, $0xD;
	s31 =	sshll.u32 s30, $0xF;
	[tilespmem:v42+s21+$0x0] =	vst.idx.msk $0xffff, v2  }
0x1e2: {  	s0 =	sor.u32 s2, s31;
	[tilespmem:v5+s21+$0x0] =	vst.idx.msk $0xffff, v4  }
0x1e3: {  	s0 =	sshrl.u32 s0, $0x3;
	[tilespmem:v43+s21+$0x0] =	vst.idx.msk $0xffff, v6  }
0x1e4: {  	s3 =	sadd.s32 s4, s0;
	[tilespmem:v44+s21+$0x0] =	vst.idx.msk $0xffff, v1  }
0x1e5: {  	[hbm4b:s3+s6] =	stream.linear.scatter [tilespmem:s21], [sflag:$0x1], $0x2000, $0x38;
	[tilespmem:$0x1BFF8] =	vst v63  }
0x1e6: {  	s0 =	sadd.s32 s0, s13  }
0x1e7: {  	[hbm4b:s0+s6] =	stream.linear.scatter [tilespmem:s22], [sflag:$0x1], $0x2000, $0x38;
	[tilespmem:$0x1BFF8] =	vst v63  }
0x1e8: {  	s0 =	simm.s32 @!p1 $0x2  }
0x1e9: {  	_ =	swait.ge @!p1 [sflag:s0], $0x2000  }
0x1ea: {  	[sflag:s0] =	ssyncset.done @!p1 $0x0  }
0x1eb: {  	[sflag:s0] =	ssyncadd.s32 @!p1 $0xFFFFE000  }
0x1ec: {  	_ =	swait.ge @!p1 [sflag:s0], $0x2000  }
0x1ed: {  	[sflag:s0] =	ssyncset.done @!p1 $0x0  }
0x1ee: {  	[sflag:s0] =	ssyncadd.s32 @!p1 $0xFFFFE000  }
0x1ef: {  	v42 =	vld [tilespmem:s17+$0xFFFFFFF0];
	_ =	sdelay $0x2  }
0x1f0: {  	v34 =	vld [tilespmem:s17+$0xFFFFFFD0]  }
0x1f1: {  	v59 =	vlaneseq.u32  }
0x1f2: {  	v41 =	vld [tilespmem:s17+$0x0];
	v45 =	vadd.s32 v59, v42;
	_ =	sdelay $0x1  }
0x1f3: {  	s8 =	simm.s32 $0x20;
	s7 =	simm.s32 $0x0  }
0x1f4: {  	s10 =	sshll.u32 s30, $0x3;
	s1 =	sand.u32 $0x60, s8;
	s0 =	sand.u32 $0x1C00, s7;
	v33 =	vld [tilespmem:s17+$0xFFFFFFE0];
	v46 =	vadd.s32 v59, v34  }
0x1f5: {  	s30 =	sand.u32 $0x30, s10;
	s19 =	sor.u32 s0, s1  }
0x1f6: {  	s11 =	simm.s32 $0x0;
	v48 =	vor.u32 s19, v7;
	v47 =	vadd.s32 v59, v41;
	v0 =	vld.idx.msk [tilespmem:v45+s30+$0x0], $0xffff  }
0x1f7: {  	s1 =	sand.u32 $0x40, s11;
	v4 =	vadd.s32 v8, v42  }
0x1f8: {  	s14 =	simm.s32 $0x30;
	s1 =	sor.u32 s1, s0  }
0x1f9: {  	s2 =	sand.u32 $0x70, s14;
	v6 =	vor.u32 s1, v7;
	v5 =	vadd.s32 v59, v33;
	v1 =	vld.idx.msk [tilespmem:v46+s30+$0x0], $0xffff  }
0x1fa: {  	s3 =	sor.u32 s0, s2;
	v49 =	vadd.s32 v8, v34  }
0x1fb: {  	s15 =	simm.s32 $0x10;
	v50 =	vor.u32 s3, v7;
	v2 =	vld.idx.msk [tilespmem:v47+s30+$0x0], $0xffff;
	[tilespmem:v48+s23+$0x0] =	vst.idx.msk $0xffff, v0  }
0x1fc: {  	s2 =	sand.u32 $0x50, s15;
	v51 =	vadd.s32 v8, v41;
	v3 =	vld.idx.msk [tilespmem:v4+s30+$0x0], $0xffff;
	v4 =	vor.u32 s19, v9  }
0x1fd: {  	s0 =	sor.u32 s0, s2;
	v52 =	vadd.s32 v10, v42  }
0x1fe: {  	v53 =	vld.idx.msk [tilespmem:v5+s30+$0x0], $0xffff;
	v5 =	vor.u32 s0, v7;
	[tilespmem:v6+s23+$0x0] =	vst.idx.msk $0xffff, v1  }
0x1ff: {  	v57 =	vor.u32 s1, v9;
	v55 =	vadd.s32 v8, v33;
	v6 =	vld.idx.msk [tilespmem:v49+s30+$0x0], $0xffff  }
0x200: {  	v62 =	vadd.s32 v10, v34;
	[tilespmem:v50+s23+$0x0] =	vst.idx.msk $0xffff, v2  }
0x201: {  	v40 =	vor.u32 s3, v9;
	v0 =	vld.idx.msk [tilespmem:v51+s30+$0x0], $0xffff;
	[tilespmem:v4+s23+$0x0] =	vst.idx.msk $0xffff, v3  }
0x202: {  	v44 =	vor.u32 s19, v11;
	v43 =	vadd.s32 v10, v41;
	v4 =	vld.idx.msk [tilespmem:v52+s30+$0x0], $0xffff  }
0x203: {  	v45 =	vadd.s32 v12, v42;
	[tilespmem:v5+s23+$0x0] =	vst.idx.msk $0xffff, v53  }
0x204: {  	v5 =	vld.idx.msk [tilespmem:v55+s30+$0x0], $0xffff;
	[tilespmem:v57+s23+$0x0] =	vst.idx.msk $0xffff, v6;
	v6 =	vor.u32 s0, v9  }
0x205: {  	v46 =	vor.u32 s1, v11;
	v47 =	vadd.s32 v10, v33;
	v2 =	vld.idx.msk [tilespmem:v62+s30+$0x0], $0xffff  }
0x206: {  	v48 =	vadd.s32 v12, v34;
	[tilespmem:v40+s23+$0x0] =	vst.idx.msk $0xffff, v0  }
0x207: {  	v49 =	vor.u32 s3, v11;
	v3 =	vld.idx.msk [tilespmem:v43+s30+$0x0], $0xffff;
	[tilespmem:v44+s23+$0x0] =	vst.idx.msk $0xffff, v4  }
0x208: {  	v50 =	vor.u32 s19, v13;
	v4 =	vadd.s32 v12, v41;
	v1 =	vld.idx.msk [tilespmem:v45+s30+$0x0], $0xffff  }
0x209: {  	[tilespmem:v6+s23+$0x0] =	vst.idx.msk $0xffff, v5;
	v5 =	vadd.s32 v14, v42  }
0x20a: {  	v6 =	vor.u32 s0, v11;
	[tilespmem:v46+s23+$0x0] =	vst.idx.msk $0xffff, v2;
	v51 =	vld.idx.msk [tilespmem:v47+s30+$0x0], $0xffff  }
0x20b: {  	v53 =	vadd.s32 v12, v33;
	v52 =	vor.u32 s1, v13;
	v0 =	vld.idx.msk [tilespmem:v48+s30+$0x0], $0xffff  }
0x20c: {  	v55 =	vadd.s32 v14, v34;
	[tilespmem:v49+s23+$0x0] =	vst.idx.msk $0xffff, v3  }
0x20d: {  	v57 =	vor.u32 s3, v13;
	v4 =	vld.idx.msk [tilespmem:v4+s30+$0x0], $0xffff;
	[tilespmem:v50+s23+$0x0] =	vst.idx.msk $0xffff, v1  }
0x20e: {  	v40 =	vor.u32 s19, v15;
	v62 =	vadd.s32 v14, v41;
	v5 =	vld.idx.msk [tilespmem:v5+s30+$0x0], $0xffff  }
0x20f: {  	v43 =	vadd.s32 v16, v42;
	[tilespmem:v6+s23+$0x0] =	vst.idx.msk $0xffff, v51  }
0x210: {  	v6 =	vor.u32 s0, v13;
	[tilespmem:v52+s23+$0x0] =	vst.idx.msk $0xffff, v0;
	v44 =	vld.idx.msk [tilespmem:v53+s30+$0x0], $0xffff  }
0x211: {  	v46 =	vadd.s32 v14, v33;
	v45 =	vor.u32 s1, v15;
	v3 =	vld.idx.msk [tilespmem:v55+s30+$0x0], $0xffff  }
0x212: {  	[tilespmem:v57+s23+$0x0] =	vst.idx.msk $0xffff, v4;
	v4 =	vadd.s32 v16, v34  }
0x213: {  	v47 =	vor.u32 s3, v15;
	v1 =	vld.idx.msk [tilespmem:v62+s30+$0x0], $0xffff;
	[tilespmem:v40+s23+$0x0] =	vst.idx.msk $0xffff, v5  }
0x214: {  	v48 =	vor.u32 s19, v17;
	v5 =	vadd.s32 v16, v41;
	v2 =	vld.idx.msk [tilespmem:v43+s30+$0x0], $0xffff  }
0x215: {  	v49 =	vadd.s32 v18, v42;
	[tilespmem:v6+s23+$0x0] =	vst.idx.msk $0xffff, v44  }
0x216: {  	v6 =	vor.u32 s0, v15;
	[tilespmem:v45+s23+$0x0] =	vst.idx.msk $0xffff, v3;
	v50 =	vld.idx.msk [tilespmem:v46+s30+$0x0], $0xffff  }
0x217: {  	v51 =	vor.u32 s1, v17;
	v52 =	vadd.s32 v16, v33;
	v4 =	vld.idx.msk [tilespmem:v4+s30+$0x0], $0xffff  }
0x218: {  	[tilespmem:v47+s23+$0x0] =	vst.idx.msk $0xffff, v1  }
0x219: {  	v53 =	vadd.s32 v18, v34;
	v55 =	vor.u32 s3, v17;
	v5 =	vld.idx.msk [tilespmem:v5+s30+$0x0], $0xffff;
	[tilespmem:v48+s23+$0x0] =	vst.idx.msk $0xffff, v2  }
0x21a: {  	v57 =	vadd.s32 v18, v41;
	v62 =	vor.u32 s19, v61;
	v0 =	vld.idx.msk [tilespmem:v49+s30+$0x0], $0xffff  }
0x21b: {  	v40 =	vadd.s32 v63, v42;
	[tilespmem:v6+s23+$0x0] =	vst.idx.msk $0xffff, v50  }
0x21c: {  	s8 =	sadd.s32 $0x40, s17;
	v6 =	vor.u32 s0, v17;
	[tilespmem:v51+s23+$0x0] =	vst.idx.msk $0xffff, v4;
	v4 =	vld.idx.msk [tilespmem:v52+s30+$0x0], $0xffff  }
0x21d: {  	v36 =	vld [tilespmem:s8+$0xFFFFFFD0];
	v44 =	vadd.s32 v18, v33  }
0x21e: {  	v43 =	vor.u32 s1, v61;
	v1 =	vld.idx.msk [tilespmem:v53+s30+$0x0], $0xffff;
	[tilespmem:v55+s23+$0x0] =	vst.idx.msk $0xffff, v5  }
0x21f: {  	v46 =	vor.u32 s3, v61;
	v5 =	vadd.s32 v63, v34;
	v45 =	vld.idx.msk [tilespmem:v57+s30+$0x0], $0xffff;
	[tilespmem:v62+s23+$0x0] =	vst.idx.msk $0xffff, v0  }
0x220: {  	v47 =	vor.u32 s19, v29;
	v48 =	vadd.s32 v63, v41;
	v3 =	vld.idx.msk [tilespmem:v40+s30+$0x0], $0xffff  }
0x221: {  	v35 =	vld [tilespmem:s8+$0x0];
	[tilespmem:v6+s23+$0x0] =	vst.idx.msk $0xffff, v4;
	v4 =	vadd.s32 v25, v42  }
0x222: {  	v6 =	vor.u32 s0, v61;
	v49 =	vld.idx.msk [tilespmem:v44+s30+$0x0], $0xffff  }
0x223: {  	v37 =	vld [tilespmem:s8+$0xFFFFFFF0];
	v50 =	vadd.s32 v63, v33;
	[tilespmem:v43+s23+$0x0] =	vst.idx.msk $0xffff, v1  }
0x224: {  	v51 =	vor.u32 s1, v29;
	v5 =	vld.idx.msk [tilespmem:v5+s30+$0x0], $0xffff;
	[tilespmem:v46+s23+$0x0] =	vst.idx.msk $0xffff, v45  }
0x225: {  	v52 =	vadd.s32 v25, v34;
	v53 =	vor.u32 s3, v29;
	v2 =	vld.idx.msk [tilespmem:v48+s30+$0x0], $0xffff;
	[tilespmem:v47+s23+$0x0] =	vst.idx.msk $0xffff, v3  }
0x226: {  	v55 =	vor.u32 s19, v58;
	v57 =	vadd.s32 v25, v41;
	v4 =	vld.idx.msk [tilespmem:v4+s30+$0x0], $0xffff  }
0x227: {  	v38 =	vld [tilespmem:s8+$0xFFFFFFE0];
	v62 =	vadd.s32 v24, v42;
	[tilespmem:v6+s23+$0x0] =	vst.idx.msk $0xffff, v49  }
0x228: {  	v48 =	vor.u32 s0, v29;
	v49 =	vadd.s32 v59, v36;
	v6 =	vld.idx.msk [tilespmem:v50+s30+$0x0], $0xffff  }
0x229: {  	[tilespmem:v51+s23+$0x0] =	vst.idx.msk $0xffff, v5;
	v51 =	vadd.s32 v59, v37  }
0x22a: {  	s17 =	simm.s32 $0x40;
	s11 =	simm.s32 $0x200;
	v63 =	vadd.s32 v59, v35;
	v0 =	vld.idx.msk [tilespmem:v52+s30+$0x0], $0xffff;
	[tilespmem:v53+s23+$0x0] =	vst.idx.msk $0xffff, v2  }
0x22b: {  	s18 =	simm.s32 $0x60;
	s10 =	sand.u32 $0x1C00, s11;
	s2 =	sand.u32 $0x40, s17;
	v43 =	vor.u32 s3, v58;
	v5 =	vadd.s32 v25, v33;
	[tilespmem:v55+s23+$0x0] =	vst.idx.msk $0xffff, v4;
	v4 =	vld.idx.msk [tilespmem:v57+s30+$0x0], $0xffff  }
0x22c: {  	s25 =	sand.u32 $0x60, s18;
	s17 =	sor.u32 s2, s10;
	v45 =	vor.u32 s19, v30;
	v57 =	vadd.s32 v24, v41;
	v1 =	vld.idx.msk [tilespmem:v62+s30+$0x0], $0xffff  }
0x22d: {  	s14 =	simm.s32 $0x70;
	s2 =	sor.u32 s10, s25;
	v53 =	vadd.s32 v59, v38;
	v55 =	vor.u32 s17, v7;
	[tilespmem:v48+s23+$0x0] =	vst.idx.msk $0xffff, v6;
	v6 =	vld.idx.msk [tilespmem:v49+s30+$0x0], $0xffff  }
0x22e: {  	s26 =	sand.u32 $0x70, s14;
	v39 =	vadd.s32 v18, v35;
	v52 =	vadd.s32 v26, v42;
	v2 =	vld.idx.msk [tilespmem:v51+s30+$0x0], $0xffff;
	v48 =	vor.u32 s2, v7  }
0x22f: {  	s7 =	sor.u32 s10, s26;
	v40 =	vadd.s32 v56, v41;
	v3 =	vld.idx.msk [tilespmem:v63+s30+$0x0], $0xffff;
	v50 =	vor.u32 s1, v58;
	v62 =	vadd.s32 v8, v36  }
0x230: {  	v63 =	vor.u32 s7, v7;
	v5 =	vld.idx.msk [tilespmem:v5+s30+$0x0], $0xffff;
	[tilespmem:v43+s23+$0x0] =	vst.idx.msk $0xffff, v4;
	v4 =	vadd.s32 v8, v37  }
0x231: {  	s15 =	simm.s32 $0x50;
	v43 =	vor.u32 s0, v58;
	[tilespmem:v45+s23+$0x0] =	vst.idx.msk $0xffff, v1;
	v1 =	vld.idx.msk [tilespmem:v57+s30+$0x0], $0xffff;
	v57 =	vadd.s32 v8, v35  }
0x232: {  	s15 =	sand.u32 $0x50, s15;
	v59 =	vadd.s32 v24, v33;
	v44 =	vld.idx.msk [tilespmem:v53+s30+$0x0], $0xffff;
	v58 =	vor.u32 s3, v30;
	[tilespmem:v55+s23+$0x0] =	vst.idx.msk $0xffff, v6  }
0x233: {  	s18 =	sor.u32 s10, s15;
	v47 =	vor.u32 s19, v27;
	[tilespmem:v48+s23+$0x0] =	vst.idx.msk $0xffff, v2;
	v2 =	vadd.s32 v24, v34;
	v32 =	vld.idx.msk [tilespmem:v52+s30+$0x0], $0xffff  }
0x234: {  	[tilespmem:v50+s23+$0x0] =	vst.idx.msk $0xffff, v0;
	v6 =	vadd.s32 v26, v41;
	v0 =	vld.idx.msk [tilespmem:v62+s30+$0x0], $0xffff;
	v62 =	vor.u32 s18, v7  }
0x235: {  	[tilespmem:v63+s23+$0x0] =	vst.idx.msk $0xffff, v3;
	v51 =	vadd.s32 v56, v42;
	v53 =	vor.u32 s17, v9;
	v4 =	vld.idx.msk [tilespmem:v4+s30+$0x0], $0xffff  }
0x236: {  	v63 =	vadd.s32 v8, v38;
	v55 =	vor.u32 s2, v9;
	[tilespmem:v43+s23+$0x0] =	vst.idx.msk $0xffff, v5;
	v45 =	vld.idx.msk [tilespmem:v57+s30+$0x0], $0xffff  }
0x237: {  	v5 =	vadd.s32 v10, v36;
	[tilespmem:v58+s23+$0x0] =	vst.idx.msk $0xffff, v1;
	v57 =	vor.u32 s7, v9;
	v48 =	vld.idx.msk [tilespmem:v59+s30+$0x0], $0xffff  }
0x238: {  	v1 =	vadd.s32 v10, v37;
	v59 =	vor.u32 s0, v30;
	v2 =	vld.idx.msk [tilespmem:v2+s30+$0x0], $0xffff;
	[tilespmem:v47+s23+$0x0] =	vst.idx.msk $0xffff, v32  }
0x239: {  	v58 =	vadd.s32 v10, v35;
	v6 =	vld.idx.msk [tilespmem:v6+s30+$0x0], $0xffff;
	v32 =	vor.u32 s3, v27;
	[tilespmem:v62+s23+$0x0] =	vst.idx.msk $0xffff, v44  }
0x23a: {  	v44 =	vadd.s32 v26, v33;
	[tilespmem:v53+s23+$0x0] =	vst.idx.msk $0xffff, v0;
	v62 =	vor.u32 s19, v54;
	v47 =	vld.idx.msk [tilespmem:v51+s30+$0x0], $0xffff  }
0x23b: {  	v0 =	vld.idx.msk [tilespmem:v63+s30+$0x0], $0xffff;
	v63 =	vor.u32 s18, v9;
	[tilespmem:v55+s23+$0x0] =	vst.idx.msk $0xffff, v4;
	v4 =	vadd.s32 v60, v42  }
0x23c: {  	v52 =	vadd.s32 v10, v38;
	v43 =	vor.u32 s17, v11;
	v5 =	vld.idx.msk [tilespmem:v5+s30+$0x0], $0xffff;
	[tilespmem:v57+s23+$0x0] =	vst.idx.msk $0xffff, v45  }
0x23d: {  	v55 =	vadd.s32 v12, v36;
	v1 =	vld.idx.msk [tilespmem:v1+s30+$0x0], $0xffff;
	v57 =	vor.u32 s2, v11;
	[tilespmem:v59+s23+$0x0] =	vst.idx.msk $0xffff, v48  }
0x23e: {  	v59 =	vor.u32 s7, v11;
	v49 =	vld.idx.msk [tilespmem:v58+s30+$0x0], $0xffff;
	v58 =	vadd.s32 v12, v37;
	[tilespmem:v32+s23+$0x0] =	vst.idx.msk $0xffff, v6  }
0x23f: {  	v44 =	vld.idx.msk [tilespmem:v44+s30+$0x0], $0xffff;
	v6 =	vadd.s32 v12, v35;
	v32 =	vor.u32 s0, v27;
	[tilespmem:v62+s23+$0x0] =	vst.idx.msk $0xffff, v47  }
0x240: {  	[tilespmem:v63+s23+$0x0] =	vst.idx.msk $0xffff, v0;
	v0 =	vor.u32 s1, v30;
	v62 =	vadd.s32 v56, v33;
	v4 =	vld.idx.msk [tilespmem:v4+s30+$0x0], $0xffff  }
0x241: {  	v63 =	vadd.s32 v26, v34;
	[tilespmem:v43+s23+$0x0] =	vst.idx.msk $0xffff, v5;
	v5 =	vld.idx.msk [tilespmem:v52+s30+$0x0], $0xffff;
	v43 =	vor.u32 s19, v31  }
0x242: {  	v46 =	vor.u32 s17, v13;
	v51 =	vor.u32 s18, v11;
	v45 =	vld.idx.msk [tilespmem:v55+s30+$0x0], $0xffff;
	[tilespmem:v57+s23+$0x0] =	vst.idx.msk $0xffff, v1;
	v1 =	vadd.s32 v28, v42  }
0x243: {  	v50 =	vadd.s32 v60, v41;
	v57 =	vadd.s32 v12, v38;
	v48 =	vld.idx.msk [tilespmem:v58+s30+$0x0], $0xffff;
	[tilespmem:v59+s23+$0x0] =	vst.idx.msk $0xffff, v49  }
0x244: {  	v58 =	vadd.s32 v14, v36;
	v59 =	vor.u32 s2, v13;
	[tilespmem:v32+s23+$0x0] =	vst.idx.msk $0xffff, v44;
	v6 =	vld.idx.msk [tilespmem:v6+s30+$0x0], $0xffff  }
0x245: {  	v32 =	vadd.s32 v14, v37;
	v44 =	vor.u32 s7, v13;
	[tilespmem:v0+s23+$0x0] =	vst.idx.msk $0xffff, v2;
	v0 =	vld.idx.msk [tilespmem:v62+s30+$0x0], $0xffff  }
0x246: {  	v62 =	vadd.s32 v14, v35;
	v3 =	vld.idx.msk [tilespmem:v63+s30+$0x0], $0xffff;
	v63 =	vor.u32 s0, v54;
	[tilespmem:v43+s23+$0x0] =	vst.idx.msk $0xffff, v4  }
0x247: {  	[tilespmem:v51+s23+$0x0] =	vst.idx.msk $0xffff, v5;
	v4 =	vor.u32 s1, v27;
	v5 =	vadd.s32 v60, v33;
	v1 =	vld.idx.msk [tilespmem:v1+s30+$0x0], $0xffff  }
0x248: {  	v43 =	vadd.s32 v56, v34;
	[tilespmem:v46+s23+$0x0] =	vst.idx.msk $0xffff, v45;
	v45 =	vld.idx.msk [tilespmem:v57+s30+$0x0], $0xffff;
	v46 =	vor.u32 s19, v19  }
0x249: {  	v56 =	vor.u32 s18, v13;
	v57 =	vadd.s32 v20, v42;
	v49 =	vld.idx.msk [tilespmem:v58+s30+$0x0], $0xffff;
	[tilespmem:v59+s23+$0x0] =	vst.idx.msk $0xffff, v48  }
0x24a: {  	v58 =	vor.u32 s17, v15;
	v59 =	vadd.s32 v14, v38;
	v32 =	vld.idx.msk [tilespmem:v32+s30+$0x0], $0xffff;
	[tilespmem:v44+s23+$0x0] =	vst.idx.msk $0xffff, v6  }
0x24b: {  	v6 =	vadd.s32 v16, v36;
	v44 =	vor.u32 s2, v15;
	v2 =	vld.idx.msk [tilespmem:v62+s30+$0x0], $0xffff;
	[tilespmem:v63+s23+$0x0] =	vst.idx.msk $0xffff, v0  }
0x24c: {  	v62 =	vadd.s32 v16, v37;
	v63 =	vor.u32 s7, v15;
	[tilespmem:v4+s23+$0x0] =	vst.idx.msk $0xffff, v3;
	v3 =	vld.idx.msk [tilespmem:v5+s30+$0x0], $0xffff  }
0x24d: {  	v4 =	vadd.s32 v16, v35;
	v5 =	vld.idx.msk [tilespmem:v43+s30+$0x0], $0xffff;
	v43 =	vor.u32 s0, v31;
	[tilespmem:v46+s23+$0x0] =	vst.idx.msk $0xffff, v1  }
0x24e: {  	[tilespmem:v56+s23+$0x0] =	vst.idx.msk $0xffff, v45;
	v1 =	vor.u32 s1, v54;
	v45 =	vadd.s32 v28, v33;
	v46 =	vld.idx.msk [tilespmem:v57+s30+$0x0], $0xffff  }
0x24f: {  	v53 =	vadd.s32 v60, v34;
	v55 =	vor.u32 s19, v21;
	[tilespmem:v58+s23+$0x0] =	vst.idx.msk $0xffff, v49;
	v49 =	vld.idx.msk [tilespmem:v59+s30+$0x0], $0xffff  }
0x250: {  	v56 =	vor.u32 s18, v15;
	v6 =	vld.idx.msk [tilespmem:v6+s30+$0x0], $0xffff;
	[tilespmem:v44+s23+$0x0] =	vst.idx.msk $0xffff, v32;
	v32 =	vadd.s32 v22, v42  }
0x251: {  	v57 =	vadd.s32 v16, v38;
	v42 =	vor.u32 s17, v17;
	v0 =	vld.idx.msk [tilespmem:v62+s30+$0x0], $0xffff;
	[tilespmem:v63+s23+$0x0] =	vst.idx.msk $0xffff, v2  }
0x252: {  	v62 =	vadd.s32 v18, v36;
	v63 =	vor.u32 s2, v17;
	v4 =	vld.idx.msk [tilespmem:v4+s30+$0x0], $0xffff;
	[tilespmem:v43+s23+$0x0] =	vst.idx.msk $0xffff, v3  }
0x253: {  	v47 =	vor.u32 s2, v61;
	v3 =	vadd.s32 v18, v37;
	v43 =	vor.u32 s7, v17;
	[tilespmem:v1+s23+$0x0] =	vst.idx.msk $0xffff, v5;
	v52 =	vld.idx.msk [tilespmem:v45+s30+$0x0], $0xffff  }
0x254: {  	v51 =	vor.u32 s3, v54;
	v59 =	vor.u32 s17, v61;
	v61 =	vadd.s32 v18, v38;
	v54 =	vld.idx.msk [tilespmem:v53+s30+$0x0], $0xffff;
	[tilespmem:v55+s23+$0x0] =	vst.idx.msk $0xffff, v46  }
0x255: {  	v44 =	vadd.s32 v20, v41;
	v46 =	vadd.s32 v28, v41;
	[tilespmem:v56+s23+$0x0] =	vst.idx.msk $0xffff, v49;
	v53 =	vld.idx.msk [tilespmem:v32+s30+$0x0], $0xffff  }
0x256: {  	v48 =	vor.u32 s3, v31;
	v45 =	vor.u32 s3, v19;
	v49 =	vadd.s32 v28, v34;
	[tilespmem:v42+s23+$0x0] =	vst.idx.msk $0xffff, v6;
	v58 =	vld.idx.msk [tilespmem:v57+s30+$0x0], $0xffff  }
0x257: {  	v56 =	vor.u32 s1, v31;
	v55 =	vor.u32 s19, v23;
	v41 =	vadd.s32 v22, v41;
	[tilespmem:v63+s23+$0x0] =	vst.idx.msk $0xffff, v0;
	v57 =	vld.idx.msk [tilespmem:v62+s30+$0x0], $0xffff  }
0x258: {  	s25 =	simm.s32 $0x4;
	s19 =	sor.u32 $0x1, s29;
	v42 =	vor.u32 s3, v21;
	v62 =	vor.u32 s18, v17;
	v63 =	vlaneseq.u32;
	[tilespmem:v43+s23+$0x0] =	vst.idx.msk $0xffff, v4;
	v60 =	vld.idx.msk [tilespmem:v3+s30+$0x0], $0xffff  }
.LBB2_10:
0x259: {  	v0 =	vld.idx.msk [tilespmem:v40+s30+$0x0], $0xffff  }
0x25a: {  	v29 =	vld [tilespmem:$0x1FFB0]  }
0x25b: {  	s8 =	sadd.s32 $0x40, s8;
	v25 =	vld [tilespmem:$0x1FF90]  }
0x25c: {  	v1 =	vld [tilespmem:s8+$0xFFFFFFD0]  }
0x25d: {  	v43 =	vld [tilespmem:s8+$0x0];
	[tilespmem:v56+s23+$0x0] =	vst.idx.msk $0xffff, v54  }
0x25e: {  	[tilespmem:v55+s23+$0x0] =	vst.idx.msk $0xffff, v53;
	v3 =	vld.idx.msk [tilespmem:v49+s30+$0x0], $0xffff  }
0x25f: {  	[tilespmem:v47+s23+$0x0] =	vst.idx.msk $0xffff, v60;
	v47 =	vld.idx.msk [tilespmem:v39+s30+$0x0], $0xffff  }
0x260: {  	[tilespmem:v62+s23+$0x0] =	vst.idx.msk $0xffff, v58;
	v58 =	vld [tilespmem:$0x1FFC0];
	v2 =	vadd.s32 v29, v37  }
0x261: {  	[tilespmem:v59+s23+$0x0] =	vst.idx.msk $0xffff, v57;
	v57 =	vld [tilespmem:$0x1FFA0]  }
0x262: {  	v5 =	vor.u32 s1, v19;
	v4 =	vadd.s32 v29, v36;
	v6 =	vld.idx.msk [tilespmem:v61+s30+$0x0], $0xffff  }
0x263: {  	v32 =	vadd.s32 v20, v34;
	v53 =	vor.u32 s3, v23;
	s3 =	smov.u32 s7;
	v40 =	vor.u32 s18, v25;
	v49 =	vld [tilespmem:s8+$0xFFFFFFF0]  }
0x264: {  	v54 =	vadd.s32 v29, v38;
	v62 =	vor.u32 s3, v25;
	[tilespmem:v51+s23+$0x0] =	vst.idx.msk $0xffff, v0;
	v51 =	vadd.s32 v29, v35;
	v29 =	vld [tilespmem:$0x1FFD0]  }
0x265: {  	v0 =	vor.u32 s2, v58;
	v2 =	vld.idx.msk [tilespmem:v2+s30+$0x0], $0xffff  }
0x266: {  	v50 =	vld.idx.msk [tilespmem:v50+s30+$0x0], $0xffff  }
0x267: {  	v60 =	vadd.s32 v57, v37;
	v61 =	vor.u32 s17, v58;
	v4 =	vld.idx.msk [tilespmem:v4+s30+$0x0], $0xffff;
	[tilespmem:v5+s23+$0x0] =	vst.idx.msk $0xffff, v3  }
0x268: {  	[tilespmem:v40+s23+$0x0] =	vst.idx.msk $0xffff, v6;
	v6 =	vor.u32 s1, v21;
	v5 =	vld.idx.msk [tilespmem:v32+s30+$0x0], $0xffff  }
0x269: {  	[tilespmem:v62+s23+$0x0] =	vst.idx.msk $0xffff, v47;
	v62 =	vadd.s32 v22, v34;
	v34 =	vmov v36;
	v32 =	vld.idx.msk [tilespmem:v54+s30+$0x0], $0xffff  }
0x26a: {  	v59 =	vadd.s32 v57, v34;
	[tilespmem:v0+s23+$0x0] =	vst.idx.msk $0xffff, v2;
	v0 =	vld.idx.msk [tilespmem:v51+s30+$0x0], $0xffff;
	v2 =	vor.u32 s0, v19  }
0x26b: {  	v54 =	vadd.s32 v20, v33;
	v51 =	vor.u32 s3, v58;
	[tilespmem:v48+s23+$0x0] =	vst.idx.msk $0xffff, v50;
	v48 =	vld [tilespmem:s8+$0xFFFFFFE0]  }
0x26c: {  	[tilespmem:v61+s23+$0x0] =	vst.idx.msk $0xffff, v4;
	v4 =	vadd.s32 v57, v35;
	v47 =	vld.idx.msk [tilespmem:v60+s30+$0x0], $0xffff;
	v60 =	vor.u32 s2, v29  }
0x26d: {  	v61 =	vadd.s32 v24, v37;
	v46 =	vld.idx.msk [tilespmem:v46+s30+$0x0], $0xffff;
	[tilespmem:v6+s23+$0x0] =	vst.idx.msk $0xffff, v5  }
0x26e: {  	v36 =	vmov v1;
	v6 =	vld.idx.msk [tilespmem:v62+s30+$0x0], $0xffff  }
0x26f: {  	v5 =	vor.u32 s18, v58;
	v62 =	vadd.s32 v63, v36;
	v1 =	vld.idx.msk [tilespmem:v59+s30+$0x0], $0xffff;
	[tilespmem:v2+s23+$0x0] =	vst.idx.msk $0xffff, v52  }
0x270: {  	v56 =	vadd.s32 v57, v38;
	v40 =	vor.u32 s1, v23;
	s1 =	smov.u32 s17;
	[tilespmem:v51+s23+$0x0] =	vst.idx.msk $0xffff, v0;
	v57 =	vld.idx.msk [tilespmem:v54+s30+$0x0], $0xffff  }
0x271: {  	v52 =	vor.u32 s1, v29;
	[tilespmem:v60+s23+$0x0] =	vst.idx.msk $0xffff, v47;
	v59 =	vld.idx.msk [tilespmem:v4+s30+$0x0], $0xffff  }
0x272: {  	v2 =	vadd.s32 v63, v43;
	[tilespmem:v45+s23+$0x0] =	vst.idx.msk $0xffff, v46;
	v50 =	vld.idx.msk [tilespmem:v61+s30+$0x0], $0xffff  }
0x273: {  	v58 =	vadd.s32 v63, v49;
	v4 =	vor.u32 s0, v21;
	v44 =	vld.idx.msk [tilespmem:v44+s30+$0x0], $0xffff  }
0x274: {  	s14 =	sadd.s32 $0x40, s14;
	v54 =	vadd.s32 v63, v48;
	v60 =	vor.u32 s3, v29;
	[tilespmem:v5+s23+$0x0] =	vst.idx.msk $0xffff, v32;
	v62 =	vld.idx.msk [tilespmem:v62+s30+$0x0], $0xffff  }
0x275: {  	s11 =	sadd.s32 $0x200, s11;
	s17 =	sadd.s32 $0xFFFFFFD0, s14;
	[tilespmem:v40+s23+$0x0] =	vst.idx.msk $0xffff, v6;
	v6 =	vadd.s32 v22, v33;
	v33 =	vmovc v38;
	v38 =	vmov v48;
	v48 =	vor.u32 s18, v29;
	v29 =	vld [tilespmem:$0x1FFE0]  }
0x276: {  	s10 =	sand.u32 $0x1C00, s11;
	s7 =	sand.u32 $0x40, s17;
	v5 =	vor.u32 s2, v30;
	v61 =	vadd.s32 v24, v35;
	[tilespmem:v52+s23+$0x0] =	vst.idx.msk $0xffff, v1;
	v1 =	vld.idx.msk [tilespmem:v56+s30+$0x0], $0xffff  }
0x277: {  	s17 =	sor.u32 s7, s10;
	v2 =	vld.idx.msk [tilespmem:v2+s30+$0x0], $0xffff  }
0x278: {  	s26 =	sadd.s32 $0xFFFFFFF0, s14;
	s15 =	sand.u32 $0x70, s14;
	v63 =	vor.u32 s17, v7;
	[tilespmem:v4+s23+$0x0] =	vst.idx.msk $0xffff, v57;
	v4 =	vld.idx.msk [tilespmem:v58+s30+$0x0], $0xffff  }
0x279: {  	s26 =	sand.u32 $0x60, s26;
	s7 =	sor.u32 s10, s15;
	v0 =	vadd.s32 v8, v36;
	v57 =	vld [tilespmem:$0x1FF80]  }
0x27a: {  	s26 =	sor.u32 s10, s26;
	v51 =	vor.u32 s7, v7;
	v52 =	vadd.s32 v26, v37;
	[tilespmem:v60+s23+$0x0] =	vst.idx.msk $0xffff, v59;
	v60 =	vld [tilespmem:$0x1FFF0]  }
0x27b: {  	v3 =	vor.u32 s26, v7;
	[tilespmem:v5+s23+$0x0] =	vst.idx.msk $0xffff, v50;
	v5 =	vld.idx.msk [tilespmem:v61+s30+$0x0], $0xffff  }
0x27c: {  	v32 =	vadd.s32 v8, v49;
	v59 =	vor.u32 s3, v30;
	v6 =	vld.idx.msk [tilespmem:v6+s30+$0x0], $0xffff;
	[tilespmem:v42+s23+$0x0] =	vst.idx.msk $0xffff, v44  }
0x27d: {  	s29 =	sadd.s32 $0xFFFFFFE0, s14;
	v55 =	vor.u32 s0, v23;
	[tilespmem:v63+s23+$0x0] =	vst.idx.msk $0xffff, v62;
	v44 =	vadd.s32 v8, v43;
	v41 =	vld.idx.msk [tilespmem:v41+s30+$0x0], $0xffff  }
0x27e: {  	s15 =	sand.u32 $0x50, s29;
	v46 =	vadd.s32 v26, v35;
	v61 =	vadd.s32 v24, v33;
	v0 =	vld.idx.msk [tilespmem:v0+s30+$0x0], $0xffff;
	[tilespmem:v48+s23+$0x0] =	vst.idx.msk $0xffff, v1  }
0x27f: {  	s0 =	smov.u32 s18;
	s18 =	sor.u32 s10, s15;
	v56 =	vadd.s32 v10, v38;
	v45 =	vld.idx.msk [tilespmem:v52+s30+$0x0], $0xffff;
	[tilespmem:v51+s23+$0x0] =	vst.idx.msk $0xffff, v2;
	v2 =	vor.u32 s2, v27  }
0x280: {  	v62 =	vor.u32 s18, v7;
	v48 =	vld.idx.msk [tilespmem:v54+s30+$0x0], $0xffff;
	v51 =	vadd.s32 v57, v37;
	[tilespmem:v3+s23+$0x0] =	vst.idx.msk $0xffff, v4  }
0x281: {  	v58 =	vor.u32 s17, v9;
	v63 =	vadd.s32 v8, v38;
	v4 =	vld.idx.msk [tilespmem:v32+s30+$0x0], $0xffff;
	[tilespmem:v59+s23+$0x0] =	vst.idx.msk $0xffff, v5  }
0x282: {  	v5 =	vadd.s32 v10, v36;
	v59 =	vor.u32 s26, v9;
	[tilespmem:v55+s23+$0x0] =	vst.idx.msk $0xffff, v6;
	v44 =	vld.idx.msk [tilespmem:v44+s30+$0x0], $0xffff  }
0x283: {  	v6 =	vadd.s32 v10, v49;
	v55 =	vor.u32 s7, v9;
	v1 =	vld.idx.msk [tilespmem:v61+s30+$0x0], $0xffff;
	[tilespmem:v53+s23+$0x0] =	vst.idx.msk $0xffff, v41  }
0x284: {  	v41 =	vadd.s32 v10, v43;
	v61 =	vor.u32 s0, v30;
	[tilespmem:v2+s23+$0x0] =	vst.idx.msk $0xffff, v45;
	v2 =	vld.idx.msk [tilespmem:v46+s30+$0x0], $0xffff  }
0x285: {  	v45 =	vor.u32 s3, v27;
	[tilespmem:v62+s23+$0x0] =	vst.idx.msk $0xffff, v48;
	v62 =	vadd.s32 v26, v33;
	v51 =	vld.idx.msk [tilespmem:v51+s30+$0x0], $0xffff  }
0x286: {  	v52 =	vor.u32 s2, v29;
	[tilespmem:v58+s23+$0x0] =	vst.idx.msk $0xffff, v0;
	v0 =	vld.idx.msk [tilespmem:v63+s30+$0x0], $0xffff;
	v63 =	vadd.s32 v24, v34  }
0x287: {  	v50 =	vor.u32 s17, v11;
	v54 =	vor.u32 s18, v9;
	v5 =	vld.idx.msk [tilespmem:v5+s30+$0x0], $0xffff;
	[tilespmem:v59+s23+$0x0] =	vst.idx.msk $0xffff, v4;
	v4 =	vadd.s32 v60, v37  }
0x288: {  	v40 =	vadd.s32 v57, v35;
	v32 =	vadd.s32 v57, v34;
	v6 =	vld.idx.msk [tilespmem:v6+s30+$0x0], $0xffff;
	[tilespmem:v55+s23+$0x0] =	vst.idx.msk $0xffff, v44  }
0x289: {  	v59 =	vadd.s32 v12, v36;
	v55 =	vor.u32 s26, v11;
	[tilespmem:v61+s23+$0x0] =	vst.idx.msk $0xffff, v1;
	v41 =	vld.idx.msk [tilespmem:v41+s30+$0x0], $0xffff  }
0x28a: {  	v1 =	vadd.s32 v12, v49;
	v61 =	vor.u32 s7, v11;
	[tilespmem:v45+s23+$0x0] =	vst.idx.msk $0xffff, v2;
	v48 =	vld.idx.msk [tilespmem:v62+s30+$0x0], $0xffff  }
0x28b: {  	v62 =	vadd.s32 v12, v43;
	[tilespmem:v52+s23+$0x0] =	vst.idx.msk $0xffff, v51;
	v3 =	vld.idx.msk [tilespmem:v63+s30+$0x0], $0xffff;
	v63 =	vor.u32 s0, v27  }
0x28c: {  	v52 =	vadd.s32 v57, v33;
	[tilespmem:v54+s23+$0x0] =	vst.idx.msk $0xffff, v0;
	v0 =	vor.u32 s1, v30;
	v4 =	vld.idx.msk [tilespmem:v4+s30+$0x0], $0xffff  }
0x28d: {  	v46 =	vadd.s32 v26, v34;
	[tilespmem:v50+s23+$0x0] =	vst.idx.msk $0xffff, v5;
	v54 =	vor.u32 s2, v31;
	v5 =	vld.idx.msk [tilespmem:v56+s30+$0x0], $0xffff  }
0x28e: {  	v44 =	vld.idx.msk [tilespmem:v59+s30+$0x0], $0xffff;
	v56 =	vor.u32 s18, v11;
	[tilespmem:v55+s23+$0x0] =	vst.idx.msk $0xffff, v6;
	v6 =	vadd.s32 v28, v37  }
0x28f: {  	v57 =	vadd.s32 v12, v38;
	v55 =	vor.u32 s17, v13;
	v1 =	vld.idx.msk [tilespmem:v1+s30+$0x0], $0xffff;
	[tilespmem:v61+s23+$0x0] =	vst.idx.msk $0xffff, v41  }
0x290: {  	v41 =	vadd.s32 v14, v36;
	v61 =	vor.u32 s26, v13;
	v2 =	vld.idx.msk [tilespmem:v62+s30+$0x0], $0xffff;
	[tilespmem:v63+s23+$0x0] =	vst.idx.msk $0xffff, v48  }
0x291: {  	v62 =	vadd.s32 v14, v49;
	v63 =	vor.u32 s7, v13;
	[tilespmem:v0+s23+$0x0] =	vst.idx.msk $0xffff, v3;
	v0 =	vld.idx.msk [tilespmem:v52+s30+$0x0], $0xffff  }
0x292: {  	v59 =	vor.u32 s0, v29;
	v3 =	vadd.s32 v14, v43;
	[tilespmem:v54+s23+$0x0] =	vst.idx.msk $0xffff, v4;
	v52 =	vld.idx.msk [tilespmem:v46+s30+$0x0], $0xffff  }
0x293: {  	v4 =	vor.u32 s1, v27;
	[tilespmem:v56+s23+$0x0] =	vst.idx.msk $0xffff, v5;
	v5 =	vadd.s32 v60, v33;
	v6 =	vld.idx.msk [tilespmem:v6+s30+$0x0], $0xffff  }
0x294: {  	v42 =	vadd.s32 v60, v34;
	v54 =	vor.u32 s2, v19;
	[tilespmem:v55+s23+$0x0] =	vst.idx.msk $0xffff, v44;
	v44 =	vld.idx.msk [tilespmem:v57+s30+$0x0], $0xffff  }
0x295: {  	v53 =	vor.u32 s17, v15;
	v55 =	vor.u32 s18, v13;
	v41 =	vld.idx.msk [tilespmem:v41+s30+$0x0], $0xffff;
	[tilespmem:v61+s23+$0x0] =	vst.idx.msk $0xffff, v1;
	v1 =	vadd.s32 v20, v37  }
0x296: {  	v50 =	vadd.s32 v60, v35;
	v60 =	vadd.s32 v14, v38;
	v61 =	vld.idx.msk [tilespmem:v62+s30+$0x0], $0xffff;
	[tilespmem:v63+s23+$0x0] =	vst.idx.msk $0xffff, v2  }
0x297: {  	v62 =	vadd.s32 v16, v36;
	v63 =	vor.u32 s26, v15;
	v3 =	vld.idx.msk [tilespmem:v3+s30+$0x0], $0xffff;
	[tilespmem:v59+s23+$0x0] =	vst.idx.msk $0xffff, v0  }
0x298: {  	v0 =	vadd.s32 v16, v49;
	v59 =	vor.u32 s7, v15;
	[tilespmem:v4+s23+$0x0] =	vst.idx.msk $0xffff, v52;
	v4 =	vld.idx.msk [tilespmem:v5+s30+$0x0], $0xffff  }
0x299: {  	v52 =	vor.u32 s0, v31;
	[tilespmem:v54+s23+$0x0] =	vst.idx.msk $0xffff, v6;
	v5 =	vadd.s32 v16, v43;
	v32 =	vld.idx.msk [tilespmem:v32+s30+$0x0], $0xffff  }
0x29a: {  	v6 =	vor.u32 s1, v29;
	v54 =	vadd.s32 v28, v33;
	[tilespmem:v55+s23+$0x0] =	vst.idx.msk $0xffff, v44;
	v1 =	vld.idx.msk [tilespmem:v1+s30+$0x0], $0xffff  }
0x29b: {  	v39 =	vadd.s32 v18, v43;
	[tilespmem:v53+s23+$0x0] =	vst.idx.msk $0xffff, v41;
	v53 =	vor.u32 s2, v21;
	v41 =	vld.idx.msk [tilespmem:v60+s30+$0x0], $0xffff  }
0x29c: {  	v57 =	vadd.s32 v22, v37;
	v55 =	vor.u32 s18, v15;
	v2 =	vld.idx.msk [tilespmem:v62+s30+$0x0], $0xffff;
	[tilespmem:v63+s23+$0x0] =	vst.idx.msk $0xffff, v61  }
0x29d: {  	v58 =	vor.u32 s17, v17;
	v60 =	vadd.s32 v16, v38;
	v0 =	vld.idx.msk [tilespmem:v0+s30+$0x0], $0xffff;
	[tilespmem:v59+s23+$0x0] =	vst.idx.msk $0xffff, v3  }
0x29e: {  	s25 =	sadd.s32 $0x4, s25;
	v37 =	vmov v49;
	v3 =	vadd.s32 v18, v36;
	v59 =	vor.u32 s26, v17;
	v5 =	vld.idx.msk [tilespmem:v5+s30+$0x0], $0xffff;
	[tilespmem:v52+s23+$0x0] =	vst.idx.msk $0xffff, v4  }
0x29f: {  	p1 =	slt.u32 s25, $0x3C;
	v47 =	vor.u32 s26, v25;
	v63 =	vor.u32 s7, v17;
	v4 =	vadd.s32 v18, v37;
	[tilespmem:v6+s23+$0x0] =	vst.idx.msk $0xffff, v32;
	v52 =	vld.idx.msk [tilespmem:v54+s30+$0x0], $0xffff  }
.Ltmp4:
0x2a0: {  	v45 =	vor.u32 s3, v19;
	v51 =	vor.u32 s3, v29;
	v48 =	vor.u32 s3, v31;
	[tilespmem:v53+s23+$0x0] =	vst.idx.msk $0xffff, v1;
	v54 =	vld.idx.msk [tilespmem:v42+s30+$0x0], $0xffff;
	(pc) =	sbr.rel @p1 .LBB2_10-.Ltmp4, $4  }
0x2a1: {  	v46 =	vadd.s32 v28, v35;
	v49 =	vadd.s32 v28, v34;
	[tilespmem:v55+s23+$0x0] =	vst.idx.msk $0xffff, v41;
	v53 =	vld.idx.msk [tilespmem:v57+s30+$0x0], $0xffff  }
0x2a2: {  	v56 =	vor.u32 s1, v31;
	v44 =	vadd.s32 v20, v35;
	v62 =	vor.u32 s18, v17;
	[tilespmem:v58+s23+$0x0] =	vst.idx.msk $0xffff, v2;
	v58 =	vld.idx.msk [tilespmem:v60+s30+$0x0], $0xffff  }
0x2a3: {  	v61 =	vadd.s32 v18, v38;
	v42 =	vor.u32 s3, v21;
	v55 =	vor.u32 s2, v23;
	v57 =	vld.idx.msk [tilespmem:v3+s30+$0x0], $0xffff;
	[tilespmem:v59+s23+$0x0] =	vst.idx.msk $0xffff, v0  }
0x2a4: {  	v41 =	vadd.s32 v22, v35;
	v35 =	vmovc v43;
	s2 =	smov.u32 s26;
	v59 =	vor.u32 s17, v25;
	v60 =	vld.idx.msk [tilespmem:v4+s30+$0x0], $0xffff;
	[tilespmem:v63+s23+$0x0] =	vst.idx.msk $0xffff, v5;
	v63 =	vlaneseq.u32  }
0x2a5: {  	_ =	sdelay $0x2  }
0x2a6: {  	v25 =	vld [tilespmem:$0x1FFB0]  }
0x2a7: {  	[tilespmem:v62+s23+$0x0] =	vst.idx.msk $0xffff, v58  }
0x2a8: {  	v2 =	vld.idx.msk [tilespmem:v61+s30+$0x0], $0xffff  }
0x2a9: {  	v61 =	vld [tilespmem:$0x1FF90];
	[tilespmem:v59+s23+$0x0] =	vst.idx.msk $0xffff, v57  }
0x2aa: {  	[tilespmem:v47+s23+$0x0] =	vst.idx.msk $0xffff, v60  }
0x2ab: {  	v0 =	vadd.s32 v25, v37;
	v29 =	vld [tilespmem:$0x1FFC0]  }
0x2ac: {  	v1 =	vadd.s32 v25, v36;
	_ =	sdelay $0x1  }
0x2ad: {  	v3 =	vor.u32 s18, v61  }
0x2ae: {  	v4 =	vld.idx.msk [tilespmem:v39+s30+$0x0], $0xffff;
	v6 =	vor.u32 s7, v61  }
0x2af: {  	v0 =	vld.idx.msk [tilespmem:v0+s30+$0x0], $0xffff;
	v39 =	vor.u32 s2, v29  }
0x2b0: {  	v1 =	vld.idx.msk [tilespmem:v1+s30+$0x0], $0xffff;
	v47 =	vor.u32 s17, v29  }
0x2b1: {  	v5 =	vadd.s32 v25, v38;
	v32 =	vadd.s32 v25, v35;
	v62 =	vmov v25;
	v25 =	vld [tilespmem:$0x1FFA0]  }
0x2b2: {  	[tilespmem:v3+s23+$0x0] =	vst.idx.msk $0xffff, v2  }
0x2b3: {  	[tilespmem:v6+s23+$0x0] =	vst.idx.msk $0xffff, v4  }
0x2b4: {  	[tilespmem:v39+s23+$0x0] =	vst.idx.msk $0xffff, v0  }
0x2b5: {  	[tilespmem:v47+s23+$0x0] =	vst.idx.msk $0xffff, v1  }
0x2b6: {  	v43 =	vadd.s32 v25, v37;
	v59 =	vld [tilespmem:$0x1FFD0]  }
0x2b7: {  	v3 =	vadd.s32 v25, v36;
	v4 =	vor.u32 s18, v29;
	v2 =	vld.idx.msk [tilespmem:v5+s30+$0x0], $0xffff  }
0x2b8: {  	v6 =	vor.u32 s7, v29;
	v5 =	vld.idx.msk [tilespmem:v32+s30+$0x0], $0xffff;
	v32 =	vadd.s32 v25, v38;
	_ =	sdelay $0x1  }
0x2b9: {  	v60 =	vadd.s32 v25, v35  }
0x2ba: {  	v0 =	vld.idx.msk [tilespmem:v43+s30+$0x0], $0xffff;
	v1 =	vor.u32 s2, v59  }
0x2bb: {  	v39 =	vadd.s32 v24, v37;
	v3 =	vld.idx.msk [tilespmem:v3+s30+$0x0], $0xffff;
	[tilespmem:v4+s23+$0x0] =	vst.idx.msk $0xffff, v2;
	v43 =	vor.u32 s17, v59  }
0x2bc: {  	[tilespmem:v6+s23+$0x0] =	vst.idx.msk $0xffff, v5;
	v5 =	vadd.s32 v24, v36;
	v2 =	vld.idx.msk [tilespmem:v32+s30+$0x0], $0xffff;
	v4 =	vor.u32 s18, v59;
	_ =	sdelay $0x1  }
0x2bd: {  	v47 =	vadd.s32 v24, v38;
	v6 =	vld.idx.msk [tilespmem:v60+s30+$0x0], $0xffff;
	v32 =	vor.u32 s7, v59  }
0x2be: {  	v60 =	vadd.s32 v24, v35;
	[tilespmem:v1+s23+$0x0] =	vst.idx.msk $0xffff, v0  }
0x2bf: {  	v1 =	vor.u32 s2, v30;
	[tilespmem:v43+s23+$0x0] =	vst.idx.msk $0xffff, v3;
	v0 =	vld.idx.msk [tilespmem:v39+s30+$0x0], $0xffff  }
0x2c0: {  	v3 =	vadd.s32 v26, v37;
	[tilespmem:v4+s23+$0x0] =	vst.idx.msk $0xffff, v2;
	v4 =	vor.u32 s17, v30;
	v2 =	vld.idx.msk [tilespmem:v5+s30+$0x0], $0xffff;
	_ =	sdelay $0x1  }
0x2c1: {  	[tilespmem:v32+s23+$0x0] =	vst.idx.msk $0xffff, v6;
	v6 =	vor.u32 s18, v30;
	v32 =	vadd.s32 v26, v36;
	v5 =	vld.idx.msk [tilespmem:v47+s30+$0x0], $0xffff  }
0x2c2: {  	[tilespmem:v56+s23+$0x0] =	vst.idx.msk $0xffff, v54;
	v43 =	vor.u32 s7, v30;
	v39 =	vld.idx.msk [tilespmem:v60+s30+$0x0], $0xffff  }
0x2c3: {  	[tilespmem:v1+s23+$0x0] =	vst.idx.msk $0xffff, v0;
	v0 =	vld.idx.msk [tilespmem:v40+s30+$0x0], $0xffff  }
0x2c4: {  	[tilespmem:v4+s23+$0x0] =	vst.idx.msk $0xffff, v2;
	v1 =	vld.idx.msk [tilespmem:v3+s30+$0x0], $0xffff  }
0x2c5: {  	v47 =	vadd.s32 v26, v38;
	v3 =	vor.u32 s2, v27;
	v58 =	vld [tilespmem:$0x1FF80]  }
0x2c6: {  	[tilespmem:v6+s23+$0x0] =	vst.idx.msk $0xffff, v5;
	v4 =	vld.idx.msk [tilespmem:v32+s30+$0x0], $0xffff;
	v5 =	vor.u32 s17, v27  }
0x2c7: {  	[tilespmem:v43+s23+$0x0] =	vst.idx.msk $0xffff, v39  }
0x2c8: {  	v60 =	vadd.s32 v26, v35;
	[tilespmem:v55+s23+$0x0] =	vst.idx.msk $0xffff, v53  }
0x2c9: {  	[tilespmem:v51+s23+$0x0] =	vst.idx.msk $0xffff, v0  }
0x2ca: {  	v32 =	vld.idx.msk [tilespmem:v47+s30+$0x0], $0xffff;
	[tilespmem:v3+s23+$0x0] =	vst.idx.msk $0xffff, v1  }
0x2cb: {  	v2 =	vadd.s32 v58, v37;
	v54 =	vld [tilespmem:$0x1FFE0];
	[tilespmem:v5+s23+$0x0] =	vst.idx.msk $0xffff, v4  }
0x2cc: {  	v39 =	vor.u32 s18, v27;
	v6 =	vadd.s32 v58, v36;
	v55 =	vld [tilespmem:$0x1FFF0]  }
0x2cd: {  	v43 =	vor.u32 s7, v27;
	v40 =	vld.idx.msk [tilespmem:v60+s30+$0x0], $0xffff;
	v47 =	vadd.s32 v58, v38  }
0x2ce: {  	v57 =	vor.u32 s1, v19;
	v49 =	vld.idx.msk [tilespmem:v49+s30+$0x0], $0xffff;
	v0 =	vadd.s32 v58, v35  }
0x2cf: {  	v60 =	vadd.s32 v20, v34;
	v50 =	vld.idx.msk [tilespmem:v50+s30+$0x0], $0xffff  }
0x2d0: {  	v1 =	vld.idx.msk [tilespmem:v2+s30+$0x0], $0xffff;
	v2 =	vor.u32 s2, v54  }
0x2d1: {  	[tilespmem:v39+s23+$0x0] =	vst.idx.msk $0xffff, v32;
	v4 =	vld.idx.msk [tilespmem:v6+s30+$0x0], $0xffff;
	v5 =	vor.u32 s17, v54;
	v3 =	vadd.s32 v55, v37  }
0x2d2: {  	[tilespmem:v43+s23+$0x0] =	vst.idx.msk $0xffff, v40;
	v32 =	vld.idx.msk [tilespmem:v47+s30+$0x0], $0xffff;
	v39 =	vor.u32 s18, v54;
	v6 =	vadd.s32 v55, v36  }
0x2d3: {  	[tilespmem:v57+s23+$0x0] =	vst.idx.msk $0xffff, v49;
	v0 =	vld.idx.msk [tilespmem:v0+s30+$0x0], $0xffff;
	v40 =	vor.u32 s7, v54;
	v43 =	vadd.s32 v55, v38  }
0x2d4: {  	v56 =	vor.u32 s1, v21;
	v53 =	vld.idx.msk [tilespmem:v60+s30+$0x0], $0xffff;
	[tilespmem:v48+s23+$0x0] =	vst.idx.msk $0xffff, v50;
	v57 =	vadd.s32 v55, v35  }
0x2d5: {  	v60 =	vor.u32 s0, v19;
	[tilespmem:v2+s23+$0x0] =	vst.idx.msk $0xffff, v1  }
0x2d6: {  	v1 =	vadd.s32 v22, v34;
	[tilespmem:v5+s23+$0x0] =	vst.idx.msk $0xffff, v4;
	v2 =	vld.idx.msk [tilespmem:v3+s30+$0x0], $0xffff;
	v3 =	vor.u32 s2, v31  }
0x2d7: {  	v4 =	vadd.s32 v28, v37;
	[tilespmem:v39+s23+$0x0] =	vst.idx.msk $0xffff, v32;
	v5 =	vld.idx.msk [tilespmem:v6+s30+$0x0], $0xffff;
	v6 =	vor.u32 s17, v31  }
0x2d8: {  	v34 =	vor.u32 s18, v31;
	v39 =	vadd.s32 v28, v36;
	[tilespmem:v40+s23+$0x0] =	vst.idx.msk $0xffff, v0;
	v32 =	vld.idx.msk [tilespmem:v43+s30+$0x0], $0xffff  }
0x2d9: {  	[tilespmem:v56+s23+$0x0] =	vst.idx.msk $0xffff, v53;
	v53 =	vadd.s32 v28, v38;
	v0 =	vor.u32 s7, v31;
	v56 =	vld.idx.msk [tilespmem:v57+s30+$0x0], $0xffff  }
0x2da: {  	v46 =	vld.idx.msk [tilespmem:v46+s30+$0x0], $0xffff;
	[tilespmem:v60+s23+$0x0] =	vst.idx.msk $0xffff, v52;
	v57 =	vadd.s32 v28, v35  }
0x2db: {  	v49 =	vor.u32 s1, v23;
	v60 =	vadd.s32 v20, v33;
	v1 =	vld.idx.msk [tilespmem:v1+s30+$0x0], $0xffff;
	[tilespmem:v3+s23+$0x0] =	vst.idx.msk $0xffff, v2  }
0x2dc: {  	v3 =	vor.u32 s2, v19;
	[tilespmem:v6+s23+$0x0] =	vst.idx.msk $0xffff, v5;
	v2 =	vld.idx.msk [tilespmem:v4+s30+$0x0], $0xffff  }
0x2dd: {  	[tilespmem:v34+s23+$0x0] =	vst.idx.msk $0xffff, v32;
	v6 =	vor.u32 s17, v19;
	v4 =	vadd.s32 v20, v37;
	v5 =	vld.idx.msk [tilespmem:v39+s30+$0x0], $0xffff  }
0x2de: {  	v52 =	vadd.s32 v20, v36;
	[tilespmem:v0+s23+$0x0] =	vst.idx.msk $0xffff, v56;
	v32 =	vld.idx.msk [tilespmem:v53+s30+$0x0], $0xffff;
	v53 =	vor.u32 s18, v19  }
0x2df: {  	[tilespmem:v45+s23+$0x0] =	vst.idx.msk $0xffff, v46;
	v0 =	vor.u32 s7, v19;
	v56 =	vadd.s32 v20, v38;
	v43 =	vld.idx.msk [tilespmem:v57+s30+$0x0], $0xffff  }
0x2e0: {  	v57 =	vld.idx.msk [tilespmem:v60+s30+$0x0], $0xffff;
	v60 =	vor.u32 s0, v21;
	[tilespmem:v49+s23+$0x0] =	vst.idx.msk $0xffff, v1;
	v1 =	vadd.s32 v20, v35  }
0x2e1: {  	v47 =	vadd.s32 v22, v33;
	v44 =	vld.idx.msk [tilespmem:v44+s30+$0x0], $0xffff;
	[tilespmem:v3+s23+$0x0] =	vst.idx.msk $0xffff, v2  }
0x2e2: {  	v3 =	vor.u32 s2, v21;
	[tilespmem:v6+s23+$0x0] =	vst.idx.msk $0xffff, v5;
	v2 =	vld.idx.msk [tilespmem:v4+s30+$0x0], $0xffff  }
0x2e3: {  	v6 =	vor.u32 s17, v21;
	[tilespmem:v53+s23+$0x0] =	vst.idx.msk $0xffff, v32;
	v4 =	vadd.s32 v22, v37;
	v5 =	vld.idx.msk [tilespmem:v52+s30+$0x0], $0xffff  }
0x2e4: {  	v48 =	vadd.s32 v22, v36;
	v50 =	vor.u32 s18, v21;
	[tilespmem:v0+s23+$0x0] =	vst.idx.msk $0xffff, v43;
	v49 =	vld.idx.msk [tilespmem:v56+s30+$0x0], $0xffff  }
0x2e5: {  	v51 =	vadd.s32 v22, v38;
	[tilespmem:v60+s23+$0x0] =	vst.idx.msk $0xffff, v57;
	v0 =	vor.u32 s7, v21;
	v1 =	vld.idx.msk [tilespmem:v1+s30+$0x0], $0xffff  }
0x2e6: {  	[tilespmem:v42+s23+$0x0] =	vst.idx.msk $0xffff, v44;
	v53 =	vadd.s32 v22, v35;
	v33 =	vld.idx.msk [tilespmem:v47+s30+$0x0], $0xffff;
	v52 =	vor.u32 s0, v23  }
0x2e7: {  	v57 =	vld.idx.msk [tilespmem:v41+s30+$0x0], $0xffff;
	v56 =	vor.u32 s3, v23;
	[tilespmem:v3+s23+$0x0] =	vst.idx.msk $0xffff, v2  }
0x2e8: {  	v3 =	vor.u32 s2, v23;
	[tilespmem:v6+s23+$0x0] =	vst.idx.msk $0xffff, v5;
	v2 =	vld.idx.msk [tilespmem:v4+s30+$0x0], $0xffff  }
0x2e9: {  	v5 =	vor.u32 s17, v23;
	[tilespmem:v50+s23+$0x0] =	vst.idx.msk $0xffff, v49;
	v4 =	vld.idx.msk [tilespmem:v48+s30+$0x0], $0xffff  }
0x2ea: {  	v60 =	vor.u32 s18, v23;
	v6 =	vld.idx.msk [tilespmem:v51+s30+$0x0], $0xffff;
	[tilespmem:v0+s23+$0x0] =	vst.idx.msk $0xffff, v1  }
0x2eb: {  	[tilespmem:v52+s23+$0x0] =	vst.idx.msk $0xffff, v33;
	v0 =	vor.u32 s7, v23;
	v1 =	vld.idx.msk [tilespmem:v53+s30+$0x0], $0xffff  }
0x2ec: {  	[tilespmem:v56+s23+$0x0] =	vst.idx.msk $0xffff, v57  }
0x2ed: {  	s28 =	sadd.s32 $0x1, s28;
	s30 =	sshll.u32 s19, $0xD;
	[tilespmem:v3+s23+$0x0] =	vst.idx.msk $0xffff, v2  }
0x2ee: {  	p1 =	sne.s32 s28, $0x32;
	s0 =	sor.u32 s31, s30;
	[tilespmem:v5+s23+$0x0] =	vst.idx.msk $0xffff, v4  }
.Ltmp5:
0x2ef: {  	v34 =	vmovc v54;
	v32 =	vmovc v24;
	v24 =	vmov v55;
	s0 =	sshrl.u32 s0, $0x3;
	[tilespmem:v60+s23+$0x0] =	vst.idx.msk $0xffff, v6;
	v2 =	vmov v9;
	v3 =	vmov v10;
	(pc) =	sbr.rel @p1 .LBB2_2-.Ltmp5, $4  }
0x2f0: {  	s31 =	sadd.s32 s4, s0;
	v4 =	vmovc v11;
	v5 =	vmovc v12;
	v6 =	vmov v13;
	v9 =	vmov v16;
	v10 =	vmov v17;
	[tilespmem:v0+s23+$0x0] =	vst.idx.msk $0xffff, v1  }
0x2f1: {  	v11 =	vmovc v18;
	v12 =	vmovc v61;
	v13 =	vmov v25;
	v16 =	vmov v59;
	v18 =	vmov v30;
	[hbm4b:s31+s6] =	stream.linear.scatter [tilespmem:s23], [sflag:$0x2], $0x2000, $0x38;
	[tilespmem:$0x1BFF8] =	vst v63  }
0x2f2: {  	p0 =	por !p0, !p0;
	s0 =	sadd.s32 s0, s13;
	v61 =	vmovc v26;
	v25 =	vmovc v31;
	v26 =	vmov v28;
	v0 =	vmov v7;
	v1 =	vmov v8  }
0x2f3: {  	v7 =	vmovc v14;
	v8 =	vmovc v15;
	v14 =	vmov v62;
	v15 =	vmov v29;
	v62 =	vmov v27;
	[hbm4b:s0+s6] =	stream.linear.scatter [tilespmem:s24], [sflag:$0x2], $0x2000, $0x38;
	[tilespmem:$0x1BFF8] =	vst v63  }
0x2f4: {  	_ =	swait.ge [sflag:s20], $0x2000  }
0x2f5: {  	[sflag:s20] =	ssyncset.done $0x0  }
0x2f6: {  	[sflag:s20] =	ssyncadd.s32 $0xFFFFE000  }
0x2f7: {  	_ =	swait.ge [sflag:s20], $0x2000  }
0x2f8: {  	[sflag:s20] =	ssyncset.done $0x0  }
0x2f9: {  	s1 =	simm.s32 $0x2;
	[sflag:s20] =	ssyncadd.s32 $0xFFFFE000  }
0x2fa: {  	_ =	swait.ge [sflag:s1], $0x2000  }
0x2fb: {  	[sflag:s1] =	ssyncset.done $0x0  }
0x2fc: {  	[sflag:s1] =	ssyncadd.s32 $0xFFFFE000  }
0x2fd: {  	_ =	swait.ge [sflag:s1], $0x2000  }
0x2fe: {  	s2 =	rddreg [dreg:$0xa]  }
0x2ff: {  	s0 =	rddreg [dreg:$0x9];
	s2 =	sadd.s32 $0x1, s2  }
0x300: {  	p0 =	sne.s32 s2, s0  }
.Ltmp6:
0x301: {  	_ = 	snop;
	(pc) =	sbr.rel @p0 .LBB2_1-.Ltmp6, $3  }
0x302: {  	_ =	sdelay $0x1  }
0x303: {  	[sflag:s1] =	ssyncset.done $0x0  }
0x304: {  	[sflag:s1] =	ssyncadd.s32 $0xFFFFE000  }
0x305: {  	_ =	sfence.sel $0x180000  }
0x306: {  	[bflag:$0x0] =	sbarrier.arrive $0xFFFF  }
0x307: {  	_ =	strace $0x90000047  }
0x308: {  	s0 =	stileid.u32;
	[bflag:$0x2] =	sbarrier.arrive $0xFFFF  }
0x309: {  	p0 =	sne.s32 s0, $0x0;
	s0 =	rddreg [dreg:$0x4]  }
0x30a: {  	s0 =	sadd.s32 @!p0 $0x100000, s0  }
0x30b: {  	[sflag:s0] =	ssyncadd.tile.s32 @!p0 $0x1;
	_ =	shalt  }
.Lfunc_end2:
_tile_overlayer_lowered:
.L_overlay_start_2:
0x30c: {  	(tag) =	ssettag $0x2  }
0x30d: {  	s0 =	rddreg [dreg:$0x0];
	s2 =	stileid.u32  }
0x30e: {  	s1 =	rddreg [dreg:$0x1];
	p0 =	sne.s32 s2, $0x0  }
0x30f: {  	s3 =	rddreg [dreg:$0x2];
	[bflag:$0x3] =	sbarrier.arrive $0xFFFF;
	s2 =	simm.s32 @!p0 $0x1C04  }
0x310: {  	[timem:s3], [sflag:s2] =	dma.local @!p0 [hbm:s0], s1  }
0x311: {  	s0 =	simm.s32 @!p0 $0x4  }
0x312: {  	_ =	swait.ge @!p0 [sflag:s0], s1  }
0x313: {  	s1 =	ssub.s32 @!p0 $0x0, s1;
	[sflag:s0] =	ssyncset.done @!p0 $0x0  }
0x314: {  	[sflag:s0] =	ssyncadd.s32 @!p0 s1  }
0x315: {  	[bflag:$0x3] =	sbarrier.arrive $0xFFFF  }
0x316: {  	_ =	shalt  }

</sc_bundles>
